<compile_context>
chip_gen: v7x
topology: tpu7x:2x2x1
jax: 0.10.2.dev20260603
libtpu: 0.0.44.dev20260713+nightly
codegen_flags: <defaults>
</compile_context>

<pallas_src>
import functools

import jax
import jax.numpy as jnp
from jax import lax
from jax.experimental import pallas as pl
from jax.experimental.pallas import tpu as pltpu
from jax.experimental.pallas import tpu_sc as plsc

V = 1000012
D = 16
F = 26
FP = 32
B = 16384
BF2 = B * FP

VB = 16384
VZ = ((V + VB - 1) // VB) * VB
VF = VZ

NC = 2
NS = 16
NW = NC * NS
PER_W = BF2 // NW
CHUNK = 2048
N_CHUNKS = PER_W // CHUNK


def _lin_body(t_ref, out_ref):
    i = pl.program_id(0)
    e = t_ref[...]
    col = lax.broadcasted_iota(jnp.int32, (D, VB), 1) + i * VB
    e = jnp.where(col < V, e, 0.0)
    g = e.T.reshape(VB // 8, 8, D)
    for j in range(8):
        out_ref[:, D * j:D * (j + 1)] = g[:, j, :]


def _linearize(emb_t):
    return pl.pallas_call(
        _lin_body,
        grid=(VZ // VB,),
        in_specs=[pl.BlockSpec((D, VB), lambda i: (0, i))],
        out_specs=pl.BlockSpec((VB // 8, 128), lambda i: (i, 0)),
        out_shape=jax.ShapeDtypeStruct((VZ // 8, 128), jnp.float32),
    )(emb_t)


def _sc_gather_body(emb_hbm, fc_hbm, idx_hbm, out_emb, out_fc,
                    idx_v, rows_v, fcrows_v, sem_e, sem_f):
    wid = lax.axis_index("s") * NC + lax.axis_index("c")
    base = wid * PER_W

    def start(g):
        buf = g % 2
        pltpu.sync_copy(idx_hbm.at[pl.ds(base + g * CHUNK, CHUNK)],
                        idx_v.at[buf])
        he = pltpu.async_copy(emb_hbm.at[idx_v.at[buf]], rows_v.at[buf], sem_e)
        hf = pltpu.async_copy(fc_hbm.at[idx_v.at[buf]], fcrows_v.at[buf], sem_f)
        return he, hf

    he, hf = start(0)
    for g in range(N_CHUNKS):
        buf = g % 2
        he.wait()
        hf.wait()
        if g + 1 < N_CHUNKS:
            he, hf = start(g + 1)
        off = base + g * CHUNK
        pltpu.sync_copy(rows_v.at[buf], out_emb.at[pl.ds(off, CHUNK)])
        pltpu.sync_copy(fcrows_v.at[buf], out_fc.at[pl.ds(off, CHUNK)])


def _sc_gather(emb_lin, fc_lin, idx):
    mesh = plsc.VectorSubcoreMesh(core_axis_name="c", subcore_axis_name="s")
    return pl.kernel(
        _sc_gather_body,
        out_type=(
            jax.ShapeDtypeStruct((BF2, D), jnp.float32),
            jax.ShapeDtypeStruct((BF2,), jnp.float32),
        ),
        mesh=mesh,
        scratch_types=[
            pltpu.VMEM((2, CHUNK), jnp.int32),
            pltpu.VMEM((2, CHUNK, D), jnp.float32),
            pltpu.VMEM((2, CHUNK), jnp.float32),
            pltpu.SemaphoreType.DMA,
            pltpu.SemaphoreType.DMA,
        ],
        compiler_params=pltpu.CompilerParams(use_tc_tiling_on_sc=False),
    )(emb_lin, fc_lin, idx)


BLK = 1024
NK = FP * D // 128


def _tc_body(e_ref, fcg_ref, scal_ref, w0_ref,
             b0_ref, w1_ref, b1_ref, w2_ref, b2_ref, w3_ref, out_ref):
    e4 = e_ref[...].reshape(BLK, NK, 128)
    w0 = w0_ref[...]
    sums = jnp.zeros((BLK, D), jnp.float32)
    sqs = jnp.zeros((BLK, D), jnp.float32)
    h = jnp.zeros((BLK, 256), jnp.float32)
    for k in range(NK):
        ek = e4[:, k, :]
        r = lax.broadcasted_iota(jnp.int32, (128, D), 0) + 128 * k
        c = lax.broadcasted_iota(jnp.int32, (128, D), 1)
        smk = jnp.where(((r % D) == c) & (r < F * D), 1.0, 0.0)
        sums = sums + jnp.dot(ek, smk, preferred_element_type=jnp.float32)
        sqs = sqs + jnp.dot(ek * ek, smk, preferred_element_type=jnp.float32)
        h = h + jnp.dot(ek, w0[128 * k:128 * (k + 1), :],
                        preferred_element_type=jnp.float32)
    inter = 0.5 * jnp.sum(sums * sums - sqs, axis=1, keepdims=True)
    fc_sum = jnp.sum(fcg_ref[...], axis=1, keepdims=True)
    h = jnp.maximum(h + b0_ref[...], 0.0)
    h = jnp.maximum(jnp.dot(h, w1_ref[...], preferred_element_type=jnp.float32)
                    + b1_ref[...], 0.0)
    h = jnp.maximum(jnp.dot(h, w2_ref[...], preferred_element_type=jnp.float32)
                    + b2_ref[...], 0.0)
    mlp = jnp.sum(h * w3_ref[...], axis=1, keepdims=True)
    z = inter + fc_sum + mlp + scal_ref[0]
    out_ref[...] = 1.0 / (1.0 + jnp.exp(-z))


def _tc_head(e_ks, fc_mat, scal, w0p, b0, w1, b1, w2, b2, w3t):
    grid = (B // BLK,)
    return pl.pallas_call(
        _tc_body,
        grid=grid,
        in_specs=[
            pl.BlockSpec((BLK * NK, 128), lambda i: (i, 0)),
            pl.BlockSpec((BLK, FP), lambda i: (i, 0)),
            pl.BlockSpec(memory_space=pltpu.SMEM),
            pl.BlockSpec((FP * D, 256), lambda i: (0, 0)),
            pl.BlockSpec((1, 256), lambda i: (0, 0)),
            pl.BlockSpec((256, 128), lambda i: (0, 0)),
            pl.BlockSpec((1, 128), lambda i: (0, 0)),
            pl.BlockSpec((128, 64), lambda i: (0, 0)),
            pl.BlockSpec((1, 64), lambda i: (0, 0)),
            pl.BlockSpec((1, 64), lambda i: (0, 0)),
        ],
        out_specs=pl.BlockSpec((BLK, 1), lambda i: (i, 0)),
        out_shape=jax.ShapeDtypeStruct((B, 1), jnp.float32),
    )(e_ks, fc_mat, scal, w0p, b0, w1, b1, w2, b2, w3t)


def kernel(x, emb_table, fc_table, bias, W0, b0, W1, b1, W2, b2, W3, b3):
    pad_idx = V + jax.lax.iota(jnp.int32, B * (FP - F)).reshape(B, FP - F) \
        % (VZ - V - (FP - F))
    xi = x.astype(jnp.int32)
    idx = jnp.concatenate([xi, pad_idx], axis=1).reshape(BF2)
    fc_pad = jnp.pad(fc_table, ((0, VF - V), (0, 0))).reshape(VF)
    emb_lin2 = _linearize(emb_table.T)
    e_flat, fc_flat = _sc_gather(emb_lin2.reshape(VZ, D), fc_pad, idx)
    e_ks = e_flat.reshape(BF2 * D // 128, 128)
    fc_mat = fc_flat.reshape(B, FP)
    scal = (bias + b3).astype(jnp.float32)
    w0p = jnp.pad(W0, ((0, (FP - F) * D), (0, 0)))
    out = _tc_head(e_ks, fc_mat, scal,
                   w0p, b0.reshape(1, 256), W1, b1.reshape(1, 128),
                   W2, b2.reshape(1, 64), W3.reshape(1, 64))
    return out.reshape(B)

# --- scband reference (transcript-rebuilt; emitter-appended) ---
"""Pipeline reference for scband-deep-fm-renew-5145370821261 (READ-ONLY COPY).

The authoritative reference and input builder live on the scoring server;
editing this copy changes nothing except your own understanding.
"""

import jax, jax.numpy as jnp
import numpy as np

V = 1000012
D = 16
F = 26
B = 16384


def setup_inputs(seed: int = 0) -> dict:
    key = jax.random.key(seed)
    ks = jax.random.split(key, 12)
    x = jax.random.randint(ks[0], (B, F), 0, V, dtype=jnp.int64)
    emb_table = jax.random.normal(ks[1], (V, D), dtype=jnp.float32) * 0.01
    fc_table = jax.random.normal(ks[2], (V, 1), dtype=jnp.float32) * 0.01
    bias = jnp.zeros((1,), dtype=jnp.float32)
    din = F * D
    W0 = jax.random.normal(ks[3], (din, 256), dtype=jnp.float32) * (1.0 / np.sqrt(din))
    b0 = jnp.zeros((256,), dtype=jnp.float32)
    W1 = jax.random.normal(ks[4], (256, 128), dtype=jnp.float32) * (1.0 / np.sqrt(256))
    b1 = jnp.zeros((128,), dtype=jnp.float32)
    W2 = jax.random.normal(ks[5], (128, 64), dtype=jnp.float32) * (1.0 / np.sqrt(128))
    b2 = jnp.zeros((64,), dtype=jnp.float32)
    W3 = jax.random.normal(ks[6], (64, 1), dtype=jnp.float32) * (1.0 / np.sqrt(64))
    b3 = jnp.zeros((1,), dtype=jnp.float32)
    return {"x": x, "emb_table": emb_table, "fc_table": fc_table, "bias": bias,
            "W0": W0, "b0": b0, "W1": W1, "b1": b1, "W2": W2, "b2": b2, "W3": W3, "b3": b3}


def reference(x, emb_table, fc_table, bias, W0, b0, W1, b1, W2, b2, W3, b3):
    # embedding lookups
    embed_x = jnp.take(emb_table, x, axis=0)      # [B, F, D]
    fc_x = jnp.take(fc_table, x, axis=0)          # [B, F, 1]
    # FM part
    fm_y = bias + jnp.sum(fc_x, axis=1)           # [B, 1]
    square_of_sum = jnp.sum(embed_x, axis=1) ** 2  # [B, D]
    sum_of_square = jnp.sum(embed_x ** 2, axis=1)  # [B, D]
    fm_y = fm_y + 0.5 * jnp.sum(square_of_sum - sum_of_square, axis=1, keepdims=True)
    # MLP part (dropout is identity in eval mode)
    h = embed_x.reshape(-1, F * D)
    h = jax.nn.relu(h @ W0 + b0)
    h = jax.nn.relu(h @ W1 + b1)
    h = jax.nn.relu(h @ W2 + b2)
    mlp_y = h @ W3 + b3                            # [B, 1]
    y = jax.nn.sigmoid(fm_y[:, 0] + mlp_y[:, 0])   # [B]
    return y

if __name__ == "__main__":
    import jax
    _d = setup_inputs()
    print(jax.jit(kernel)(*tuple(_d.values())))

</pallas_src>

<mosaic_0001>
#map = affine_map<(d0, d1) -> (0, 0)>
#map1 = affine_map<(d0, d1) -> (0)>
module attributes {stable_mosaic.version = 14 : i64} {
  func.func @_sc_gather_body(%arg0: i32, %arg1: i32, %arg2: memref<1015808x16xf32, #tpu.memory_space<hbm>>, %arg3: memref<1015808xf32, #tpu.memory_space<hbm>>, %arg4: memref<524288xi32, #tpu.memory_space<hbm>>, %arg5: memref<524288x16xf32, #tpu.memory_space<hbm>>, %arg6: memref<524288xf32, #tpu.memory_space<hbm>>, %arg7: memref<2x2048xi32, #tpu.memory_space<vmem>>, %arg8: memref<2x2048x16xf32, #tpu.memory_space<vmem>>, %arg9: memref<2x2048xf32, #tpu.memory_space<vmem>>, %arg10: memref<!tpu.dma_semaphore, #tpu.memory_space<semaphore_mem>>, %arg11: memref<!tpu.dma_semaphore, #tpu.memory_space<semaphore_mem>>) attributes {dimension_semantics = [#tpu.dimension_semantics<core_parallel>, #tpu.dimension_semantics<subcore_parallel>], iteration_bounds = array<i64: 2, 16>, scalar_prefetch = 0 : i64, scratch_operands = 5 : i64, tpu.core_type = #tpu.core_type<sc_vector_subcore>, window_params = [{transform_indices = #map}, {transform_indices = #map1}, {transform_indices = #map1}, {transform_indices = #map}, {transform_indices = #map1}]} {
    %mul3A = arith.constant 2 : i32
    %mul3A_0 = arith.muli %arg1, %mul3A : i32
    %add3A = arith.addi %mul3A_0, %arg0 : i32
    %mul3A_1 = arith.constant 16384 : i32
    %mul3A_2 = arith.muli %add3A, %mul3A_1 : i32
    %add3A_3 = arith.constant 0 : i32
    %add3A_4 = arith.addi %mul3A_2, %add3A_3 : i32
    %run_scoped3A = arith.constant 0 : i32
    "tpu.region"() ({
      %run_scoped3A_408 = tpu.sem_alloc : memref<!tpu.dma_semaphore, #tpu.memory_space<semaphore_mem>>
      %dma_start3A_409 = arith.constant 0 : i32
      %dma_start3A_410 = tpu.memref_slice %arg7[%run_scoped3A, %dma_start3A_409] : memref<2x2048xi32, #tpu.memory_space<vmem>> -> memref<1x2048xi32, #tpu.memory_space<vmem>>
      %dma_start3A_411 = tpu.memref_squeeze %dma_start3A_410 : memref<1x2048xi32, #tpu.memory_space<vmem>> -> memref<2048xi32, #tpu.memory_space<vmem>>
      %dma_start3A_412 = tpu.memref_slice %arg4[%add3A_4] : memref<524288xi32, #tpu.memory_space<hbm>> -> memref<2048xi32, #tpu.memory_space<hbm>>
      %dma_start3A_413 = arith.constant 0 : i32
      %dma_start3A_414 = tpu.memref_slice %arg7[%run_scoped3A, %dma_start3A_413] : memref<2x2048xi32, #tpu.memory_space<vmem>> -> memref<1x2048xi32, #tpu.memory_space<vmem>>
      %dma_start3A_415 = tpu.memref_squeeze %dma_start3A_414 : memref<1x2048xi32, #tpu.memory_space<vmem>> -> memref<2048xi32, #tpu.memory_space<vmem>>
      %dma_start3A_416 = tpu.memref_slice %arg4[%add3A_4] : memref<524288xi32, #tpu.memory_space<hbm>> -> memref<2048xi32, #tpu.memory_space<hbm>>
      tpu.enqueue_dma source(%dma_start3A_416 : memref<2048xi32, #tpu.memory_space<hbm>>) target(%dma_start3A_415 : memref<2048xi32, #tpu.memory_space<vmem>>) target_semaphore(%run_scoped3A_408 : memref<!tpu.dma_semaphore, #tpu.memory_space<semaphore_mem>>)
      %dma_wait3A_417 = arith.constant 0 : i32
      %dma_wait3A_418 = tpu.memref_slice %arg7[%run_scoped3A, %dma_wait3A_417] : memref<2x2048xi32, #tpu.memory_space<vmem>> -> memref<1x2048xi32, #tpu.memory_space<vmem>>
      %dma_wait3A_419 = tpu.memref_squeeze %dma_wait3A_418 : memref<1x2048xi32, #tpu.memory_space<vmem>> -> memref<2048xi32, #tpu.memory_space<vmem>>
      %dma_wait3A_420 = tpu.memref_slice %arg4[%add3A_4] : memref<524288xi32, #tpu.memory_space<hbm>> -> memref<2048xi32, #tpu.memory_space<hbm>>
      %dma_wait3A_421 = arith.constant 0 : i32
      %dma_wait3A_422 = tpu.memref_slice %arg7[%run_scoped3A, %dma_wait3A_421] : memref<2x2048xi32, #tpu.memory_space<vmem>> -> memref<1x2048xi32, #tpu.memory_space<vmem>>
      %dma_wait3A_423 = tpu.memref_squeeze %dma_wait3A_422 : memref<1x2048xi32, #tpu.memory_space<vmem>> -> memref<2048xi32, #tpu.memory_space<vmem>>
      %dma_wait3A_424 = tpu.memref_slice %arg4[%add3A_4] : memref<524288xi32, #tpu.memory_space<hbm>> -> memref<2048xi32, #tpu.memory_space<hbm>>
      tpu.wait_dma2 semaphore(%run_scoped3A_408 : memref<!tpu.dma_semaphore, #tpu.memory_space<semaphore_mem>>) src(%dma_wait3A_424 : memref<2048xi32, #tpu.memory_space<hbm>>) dst(%dma_wait3A_423 : memref<2048xi32, #tpu.memory_space<vmem>>)
      tpu.yield
    }) : () -> ()
    %dma_start3A = arith.constant 0 : i32
    %dma_start3A_5 = arith.constant 0 : i32
    %dma_start3A_6 = arith.constant 0 : i32
    %dma_start3A_7 = arith.constant 0 : i32
    %dma_start3A_8 = tpu.memref_slice %arg8[%dma_start3A_5, %dma_start3A_6, %dma_start3A_7] : memref<2x2048x16xf32, #tpu.memory_space<vmem>> -> memref<1x2048x16xf32, #tpu.memory_space<vmem>>
    %dma_start3A_9 = tpu.memref_squeeze %dma_start3A_8 : memref<1x2048x16xf32, #tpu.memory_space<vmem>> -> memref<2048x16xf32, #tpu.memory_space<vmem>>
    %dma_start3A_10 = arith.constant 0 : i32
    %dma_start3A_11 = tpu.memref_slice %arg7[%dma_start3A, %dma_start3A_10] : memref<2x2048xi32, #tpu.memory_space<vmem>> -> memref<1x2048xi32, #tpu.memory_space<vmem>>
    %dma_start3A_12 = tpu.memref_squeeze %dma_start3A_11 : memref<1x2048xi32, #tpu.memory_space<vmem>> -> memref<2048xi32, #tpu.memory_space<vmem>>
    %dma_start3A_13 = arith.constant 0 : i32
    %dma_start3A_14 = arith.constant 0 : i32
    %dma_start3A_15 = tpu.memref_slice %arg2[%dma_start3A_13, %dma_start3A_14] : memref<1015808x16xf32, #tpu.memory_space<hbm>> -> memref<1015808x16xf32, #tpu.memory_space<hbm>>
    tpu.enqueue_indirect_dma source(%dma_start3A_15 : memref<1015808x16xf32, #tpu.memory_space<hbm>>) target(%dma_start3A_9 : memref<2048x16xf32, #tpu.memory_space<vmem>>) offsets(%dma_start3A_12 : memref<2048xi32, #tpu.memory_space<vmem>>) semaphore(%arg10 : memref<!tpu.dma_semaphore, #tpu.memory_space<semaphore_mem>>)
    %dma_start3A_16 = arith.constant 0 : i32
    %dma_start3A_17 = arith.constant 0 : i32
    %dma_start3A_18 = arith.constant 0 : i32
    %dma_start3A_19 = tpu.memref_slice %arg9[%dma_start3A_17, %dma_start3A_18] : memref<2x2048xf32, #tpu.memory_space<vmem>> -> memref<1x2048xf32, #tpu.memory_space<vmem>>
    %dma_start3A_20 = tpu.memref_squeeze %dma_start3A_19 : memref<1x2048xf32, #tpu.memory_space<vmem>> -> memref<2048xf32, #tpu.memory_space<vmem>>
    %dma_start3A_21 = arith.constant 0 : i32
    %dma_start3A_22 = tpu.memref_slice %arg7[%dma_start3A_16, %dma_start3A_21] : memref<2x2048xi32, #tpu.memory_space<vmem>> -> memref<1x2048xi32, #tpu.memory_space<vmem>>
    %dma_start3A_23 = tpu.memref_squeeze %dma_start3A_22 : memref<1x2048xi32, #tpu.memory_space<vmem>> -> memref<2048xi32, #tpu.memory_space<vmem>>
    %dma_start3A_24 = arith.constant 0 : i32
    %dma_start3A_25 = tpu.memref_slice %arg3[%dma_start3A_24] : memref<1015808xf32, #tpu.memory_space<hbm>> -> memref<1015808xf32, #tpu.memory_space<hbm>>
    tpu.enqueue_indirect_dma source(%dma_start3A_25 : memref<1015808xf32, #tpu.memory_space<hbm>>) target(%dma_start3A_20 : memref<2048xf32, #tpu.memory_space<vmem>>) offsets(%dma_start3A_23 : memref<2048xi32, #tpu.memory_space<vmem>>) semaphore(%arg11 : memref<!tpu.dma_semaphore, #tpu.memory_space<semaphore_mem>>)
    %dma_wait3A = arith.constant 0 : i32
    %dma_wait3A_26 = arith.constant 0 : i32
    %dma_wait3A_27 = arith.constant 0 : i32
    %dma_wait3A_28 = arith.constant 0 : i32
    %dma_wait3A_29 = tpu.memref_slice %arg8[%dma_wait3A_26, %dma_wait3A_27, %dma_wait3A_28] : memref<2x2048x16xf32, #tpu.memory_space<vmem>> -> memref<1x2048x16xf32, #tpu.memory_space<vmem>>
    %dma_wait3A_30 = tpu.memref_squeeze %dma_wait3A_29 : memref<1x2048x16xf32, #tpu.memory_space<vmem>> -> memref<2048x16xf32, #tpu.memory_space<vmem>>
    %dma_wait3A_31 = arith.constant 0 : i32
    %dma_wait3A_32 = tpu.memref_slice %arg7[%dma_wait3A, %dma_wait3A_31] : memref<2x2048xi32, #tpu.memory_space<vmem>> -> memref<1x2048xi32, #tpu.memory_space<vmem>>
    %dma_wait3A_33 = tpu.memref_squeeze %dma_wait3A_32 : memref<1x2048xi32, #tpu.memory_space<vmem>> -> memref<2048xi32, #tpu.memory_space<vmem>>
    %dma_wait3A_34 = arith.constant 0 : i32
    %dma_wait3A_35 = arith.constant 0 : i32
    %dma_wait3A_36 = tpu.memref_slice %arg2[%dma_wait3A_34, %dma_wait3A_35] : memref<1015808x16xf32, #tpu.memory_space<hbm>> -> memref<1015808x16xf32, #tpu.memory_space<hbm>>
    tpu.wait_indirect_dma semaphore(%arg10 : memref<!tpu.dma_semaphore, #tpu.memory_space<semaphore_mem>>) src(%dma_wait3A_36 : memref<1015808x16xf32, #tpu.memory_space<hbm>>) dst(%dma_wait3A_30 : memref<2048x16xf32, #tpu.memory_space<vmem>>)
    %dma_wait3A_37 = arith.constant 0 : i32
    %dma_wait3A_38 = arith.constant 0 : i32
    %dma_wait3A_39 = arith.constant 0 : i32
    %dma_wait3A_40 = tpu.memref_slice %arg9[%dma_wait3A_38, %dma_wait3A_39] : memref<2x2048xf32, #tpu.memory_space<vmem>> -> memref<1x2048xf32, #tpu.memory_space<vmem>>
    %dma_wait3A_41 = tpu.memref_squeeze %dma_wait3A_40 : memref<1x2048xf32, #tpu.memory_space<vmem>> -> memref<2048xf32, #tpu.memory_space<vmem>>
    %dma_wait3A_42 = arith.constant 0 : i32
    %dma_wait3A_43 = tpu.memref_slice %arg7[%dma_wait3A_37, %dma_wait3A_42] : memref<2x2048xi32, #tpu.memory_space<vmem>> -> memref<1x2048xi32, #tpu.memory_space<vmem>>
    %dma_wait3A_44 = tpu.memref_squeeze %dma_wait3A_43 : memref<1x2048xi32, #tpu.memory_space<vmem>> -> memref<2048xi32, #tpu.memory_space<vmem>>
    %dma_wait3A_45 = arith.constant 0 : i32
    %dma_wait3A_46 = tpu.memref_slice %arg3[%dma_wait3A_45] : memref<1015808xf32, #tpu.memory_space<hbm>> -> memref<1015808xf32, #tpu.memory_space<hbm>>
    tpu.wait_indirect_dma semaphore(%arg11 : memref<!tpu.dma_semaphore, #tpu.memory_space<semaphore_mem>>) src(%dma_wait3A_46 : memref<1015808xf32, #tpu.memory_space<hbm>>) dst(%dma_wait3A_41 : memref<2048xf32, #tpu.memory_space<vmem>>)
    %add3A_47 = arith.constant 2048 : i32
    %add3A_48 = arith.addi %mul3A_2, %add3A_47 : i32
    %run_scoped3A_49 = arith.constant 1 : i32
    "tpu.region"() ({
      %run_scoped3A_408 = tpu.sem_alloc : memref<!tpu.dma_semaphore, #tpu.memory_space<semaphore_mem>>
      %dma_start3A_409 = arith.constant 0 : i32
      %dma_start3A_410 = tpu.memref_slice %arg7[%run_scoped3A_49, %dma_start3A_409] : memref<2x2048xi32, #tpu.memory_space<vmem>> -> memref<1x2048xi32, #tpu.memory_space<vmem>>
      %dma_start3A_411 = tpu.memref_squeeze %dma_start3A_410 : memref<1x2048xi32, #tpu.memory_space<vmem>> -> memref<2048xi32, #tpu.memory_space<vmem>>
      %dma_start3A_412 = tpu.memref_slice %arg4[%add3A_48] : memref<524288xi32, #tpu.memory_space<hbm>> -> memref<2048xi32, #tpu.memory_space<hbm>>
      %dma_start3A_413 = arith.constant 0 : i32
      %dma_start3A_414 = tpu.memref_slice %arg7[%run_scoped3A_49, %dma_start3A_413] : memref<2x2048xi32, #tpu.memory_space<vmem>> -> memref<1x2048xi32, #tpu.memory_space<vmem>>
      %dma_start3A_415 = tpu.memref_squeeze %dma_start3A_414 : memref<1x2048xi32, #tpu.memory_space<vmem>> -> memref<2048xi32, #tpu.memory_space<vmem>>
      %dma_start3A_416 = tpu.memref_slice %arg4[%add3A_48] : memref<524288xi32, #tpu.memory_space<hbm>> -> memref<2048xi32, #tpu.memory_space<hbm>>
      tpu.enqueue_dma source(%dma_start3A_416 : memref<2048xi32, #tpu.memory_space<hbm>>) target(%dma_start3A_415 : memref<2048xi32, #tpu.memory_space<vmem>>) target_semaphore(%run_scoped3A_408 : memref<!tpu.dma_semaphore, #tpu.memory_space<semaphore_mem>>)
      %dma_wait3A_417 = arith.constant 0 : i32
      %dma_wait3A_418 = tpu.memref_slice %arg7[%run_scoped3A_49, %dma_wait3A_417] : memref<2x2048xi32, #tpu.memory_space<vmem>> -> memref<1x2048xi32, #tpu.memory_space<vmem>>
      %dma_wait3A_419 = tpu.memref_squeeze %dma_wait3A_418 : memref<1x2048xi32, #tpu.memory_space<vmem>> -> memref<2048xi32, #tpu.memory_space<vmem>>
      %dma_wait3A_420 = tpu.memref_slice %arg4[%add3A_48] : memref<524288xi32, #tpu.memory_space<hbm>> -> memref<2048xi32, #tpu.memory_space<hbm>>
      %dma_wait3A_421 = arith.constant 0 : i32
      %dma_wait3A_422 = tpu.memref_slice %arg7[%run_scoped3A_49, %dma_wait3A_421] : memref<2x2048xi32, #tpu.memory_space<vmem>> -> memref<1x2048xi32, #tpu.memory_space<vmem>>
      %dma_wait3A_423 = tpu.memref_squeeze %dma_wait3A_422 : memref<1x2048xi32, #tpu.memory_space<vmem>> -> memref<2048xi32, #tpu.memory_space<vmem>>
      %dma_wait3A_424 = tpu.memref_slice %arg4[%add3A_48] : memref<524288xi32, #tpu.memory_space<hbm>> -> memref<2048xi32, #tpu.memory_space<hbm>>
      tpu.wait_dma2 semaphore(%run_scoped3A_408 : memref<!tpu.dma_semaphore, #tpu.memory_space<semaphore_mem>>) src(%dma_wait3A_424 : memref<2048xi32, #tpu.memory_space<hbm>>) dst(%dma_wait3A_423 : memref<2048xi32, #tpu.memory_space<vmem>>)
      tpu.yield
    }) : () -> ()
    %dma_start3A_50 = arith.constant 1 : i32
    %dma_start3A_51 = arith.constant 1 : i32
    %dma_start3A_52 = arith.constant 0 : i32
    %dma_start3A_53 = arith.constant 0 : i32
    %dma_start3A_54 = tpu.memref_slice %arg8[%dma_start3A_51, %dma_start3A_52, %dma_start3A_53] : memref<2x2048x16xf32, #tpu.memory_space<vmem>> -> memref<1x2048x16xf32, #tpu.memory_space<vmem>>
    %dma_start3A_55 = tpu.memref_squeeze %dma_start3A_54 : memref<1x2048x16xf32, #tpu.memory_space<vmem>> -> memref<2048x16xf32, #tpu.memory_space<vmem>>
    %dma_start3A_56 = arith.constant 0 : i32
    %dma_start3A_57 = tpu.memref_slice %arg7[%dma_start3A_50, %dma_start3A_56] : memref<2x2048xi32, #tpu.memory_space<vmem>> -> memref<1x2048xi32, #tpu.memory_space<vmem>>
    %dma_start3A_58 = tpu.memref_squeeze %dma_start3A_57 : memref<1x2048xi32, #tpu.memory_space<vmem>> -> memref<2048xi32, #tpu.memory_space<vmem>>
    %dma_start3A_59 = arith.constant 0 : i32
    %dma_start3A_60 = arith.constant 0 : i32
    %dma_start3A_61 = tpu.memref_slice %arg2[%dma_start3A_59, %dma_start3A_60] : memref<1015808x16xf32, #tpu.memory_space<hbm>> -> memref<1015808x16xf32, #tpu.memory_space<hbm>>
    tpu.enqueue_indirect_dma source(%dma_start3A_61 : memref<1015808x16xf32, #tpu.memory_space<hbm>>) target(%dma_start3A_55 : memref<2048x16xf32, #tpu.memory_space<vmem>>) offsets(%dma_start3A_58 : memref<2048xi32, #tpu.memory_space<vmem>>) semaphore(%arg10 : memref<!tpu.dma_semaphore, #tpu.memory_space<semaphore_mem>>)
    %dma_start3A_62 = arith.constant 1 : i32
    %dma_start3A_63 = arith.constant 1 : i32
    %dma_start3A_64 = arith.constant 0 : i32
    %dma_start3A_65 = tpu.memref_slice %arg9[%dma_start3A_63, %dma_start3A_64] : memref<2x2048xf32, #tpu.memory_space<vmem>> -> memref<1x2048xf32, #tpu.memory_space<vmem>>
    %dma_start3A_66 = tpu.memref_squeeze %dma_start3A_65 : memref<1x2048xf32, #tpu.memory_space<vmem>> -> memref<2048xf32, #tpu.memory_space<vmem>>
    %dma_start3A_67 = arith.constant 0 : i32
    %dma_start3A_68 = tpu.memref_slice %arg7[%dma_start3A_62, %dma_start3A_67] : memref<2x2048xi32, #tpu.memory_space<vmem>> -> memref<1x2048xi32, #tpu.memory_space<vmem>>
    %dma_start3A_69 = tpu.memref_squeeze %dma_start3A_68 : memref<1x2048xi32, #tpu.memory_space<vmem>> -> memref<2048xi32, #tpu.memory_space<vmem>>
    %dma_start3A_70 = arith.constant 0 : i32
    %dma_start3A_71 = tpu.memref_slice %arg3[%dma_start3A_70] : memref<1015808xf32, #tpu.memory_space<hbm>> -> memref<1015808xf32, #tpu.memory_space<hbm>>
    tpu.enqueue_indirect_dma source(%dma_start3A_71 : memref<1015808xf32, #tpu.memory_space<hbm>>) target(%dma_start3A_66 : memref<2048xf32, #tpu.memory_space<vmem>>) offsets(%dma_start3A_69 : memref<2048xi32, #tpu.memory_space<vmem>>) semaphore(%arg11 : memref<!tpu.dma_semaphore, #tpu.memory_space<semaphore_mem>>)
    %add3A_72 = arith.constant 0 : i32
    %add3A_73 = arith.addi %mul3A_2, %add3A_72 : i32
    %run_scoped3A_74 = arith.constant 0 : i32
    "tpu.region"() ({
      %run_scoped3A_408 = tpu.sem_alloc : memref<!tpu.dma_semaphore, #tpu.memory_space<semaphore_mem>>
      %dma_start3A_409 = arith.constant 0 : i32
      %dma_start3A_410 = arith.constant 0 : i32
      %dma_start3A_411 = tpu.memref_slice %arg8[%run_scoped3A_74, %dma_start3A_409, %dma_start3A_410] : memref<2x2048x16xf32, #tpu.memory_space<vmem>> -> memref<1x2048x16xf32, #tpu.memory_space<vmem>>
      %dma_start3A_412 = tpu.memref_squeeze %dma_start3A_411 : memref<1x2048x16xf32, #tpu.memory_space<vmem>> -> memref<2048x16xf32, #tpu.memory_space<vmem>>
      %dma_start3A_413 = arith.constant 0 : i32
      %dma_start3A_414 = tpu.memref_slice %arg5[%add3A_73, %dma_start3A_413] : memref<524288x16xf32, #tpu.memory_space<hbm>> -> memref<2048x16xf32, #tpu.memory_space<hbm>>
      %dma_start3A_415 = arith.constant 0 : i32
      %dma_start3A_416 = tpu.memref_slice %arg5[%add3A_73, %dma_start3A_415] : memref<524288x16xf32, #tpu.memory_space<hbm>> -> memref<2048x16xf32, #tpu.memory_space<hbm>>
      %dma_start3A_417 = arith.constant 0 : i32
      %dma_start3A_418 = arith.constant 0 : i32
      %dma_start3A_419 = tpu.memref_slice %arg8[%run_scoped3A_74, %dma_start3A_417, %dma_start3A_418] : memref<2x2048x16xf32, #tpu.memory_space<vmem>> -> memref<1x2048x16xf32, #tpu.memory_space<vmem>>
      %dma_start3A_420 = tpu.memref_squeeze %dma_start3A_419 : memref<1x2048x16xf32, #tpu.memory_space<vmem>> -> memref<2048x16xf32, #tpu.memory_space<vmem>>
      tpu.enqueue_dma source(%dma_start3A_420 : memref<2048x16xf32, #tpu.memory_space<vmem>>) target(%dma_start3A_416 : memref<2048x16xf32, #tpu.memory_space<hbm>>) target_semaphore(%run_scoped3A_408 : memref<!tpu.dma_semaphore, #tpu.memory_space<semaphore_mem>>)
      %dma_wait3A_421 = arith.constant 0 : i32
      %dma_wait3A_422 = arith.constant 0 : i32
      %dma_wait3A_423 = tpu.memref_slice %arg8[%run_scoped3A_74, %dma_wait3A_421, %dma_wait3A_422] : memref<2x2048x16xf32, #tpu.memory_space<vmem>> -> memref<1x2048x16xf32, #tpu.memory_space<vmem>>
      %dma_wait3A_424 = tpu.memref_squeeze %dma_wait3A_423 : memref<1x2048x16xf32, #tpu.memory_space<vmem>> -> memref<2048x16xf32, #tpu.memory_space<vmem>>
      %dma_wait3A_425 = arith.constant 0 : i32
      %dma_wait3A_426 = tpu.memref_slice %arg5[%add3A_73, %dma_wait3A_425] : memref<524288x16xf32, #tpu.memory_space<hbm>> -> memref<2048x16xf32, #tpu.memory_space<hbm>>
      %dma_wait3A_427 = arith.constant 0 : i32
      %dma_wait3A_428 = tpu.memref_slice %arg5[%add3A_73, %dma_wait3A_427] : memref<524288x16xf32, #tpu.memory_space<hbm>> -> memref<2048x16xf32, #tpu.memory_space<hbm>>
      %dma_wait3A_429 = arith.constant 0 : i32
      %dma_wait3A_430 = arith.constant 0 : i32
      %dma_wait3A_431 = tpu.memref_slice %arg8[%run_scoped3A_74, %dma_wait3A_429, %dma_wait3A_430] : memref<2x2048x16xf32, #tpu.memory_space<vmem>> -> memref<1x2048x16xf32, #tpu.memory_space<vmem>>
      %dma_wait3A_432 = tpu.memref_squeeze %dma_wait3A_431 : memref<1x2048x16xf32, #tpu.memory_space<vmem>> -> memref<2048x16xf32, #tpu.memory_space<vmem>>
      tpu.wait_dma2 semaphore(%run_scoped3A_408 : memref<!tpu.dma_semaphore, #tpu.memory_space<semaphore_mem>>) src(%dma_wait3A_432 : memref<2048x16xf32, #tpu.memory_space<vmem>>) dst(%dma_wait3A_428 : memref<2048x16xf32, #tpu.memory_space<hbm>>)
      tpu.yield
    }) : () -> ()
    %run_scoped3A_75 = arith.constant 0 : i32
    "tpu.region"() ({
      %run_scoped3A_408 = tpu.sem_alloc : memref<!tpu.dma_semaphore, #tpu.memory_space<semaphore_mem>>
      %dma_start3A_409 = arith.constant 0 : i32
      %dma_start3A_410 = tpu.memref_slice %arg9[%run_scoped3A_75, %dma_start3A_409] : memref<2x2048xf32, #tpu.memory_space<vmem>> -> memref<1x2048xf32, #tpu.memory_space<vmem>>
      %dma_start3A_411 = tpu.memref_squeeze %dma_start3A_410 : memref<1x2048xf32, #tpu.memory_space<vmem>> -> memref<2048xf32, #tpu.memory_space<vmem>>
      %dma_start3A_412 = tpu.memref_slice %arg6[%add3A_73] : memref<524288xf32, #tpu.memory_space<hbm>> -> memref<2048xf32, #tpu.memory_space<hbm>>
      %dma_start3A_413 = tpu.memref_slice %arg6[%add3A_73] : memref<524288xf32, #tpu.memory_space<hbm>> -> memref<2048xf32, #tpu.memory_space<hbm>>
      %dma_start3A_414 = arith.constant 0 : i32
      %dma_start3A_415 = tpu.memref_slice %arg9[%run_scoped3A_75, %dma_start3A_414] : memref<2x2048xf32, #tpu.memory_space<vmem>> -> memref<1x2048xf32, #tpu.memory_space<vmem>>
      %dma_start3A_416 = tpu.memref_squeeze %dma_start3A_415 : memref<1x2048xf32, #tpu.memory_space<vmem>> -> memref<2048xf32, #tpu.memory_space<vmem>>
      tpu.enqueue_dma source(%dma_start3A_416 : memref<2048xf32, #tpu.memory_space<vmem>>) target(%dma_start3A_413 : memref<2048xf32, #tpu.memory_space<hbm>>) target_semaphore(%run_scoped3A_408 : memref<!tpu.dma_semaphore, #tpu.memory_space<semaphore_mem>>)
      %dma_wait3A_417 = arith.constant 0 : i32
      %dma_wait3A_418 = tpu.memref_slice %arg9[%run_scoped3A_75, %dma_wait3A_417] : memref<2x2048xf32, #tpu.memory_space<vmem>> -> memref<1x2048xf32, #tpu.memory_space<vmem>>
      %dma_wait3A_419 = tpu.memref_squeeze %dma_wait3A_418 : memref<1x2048xf32, #tpu.memory_space<vmem>> -> memref<2048xf32, #tpu.memory_space<vmem>>
      %dma_wait3A_420 = tpu.memref_slice %arg6[%add3A_73] : memref<524288xf32, #tpu.memory_space<hbm>> -> memref<2048xf32, #tpu.memory_space<hbm>>
      %dma_wait3A_421 = tpu.memref_slice %arg6[%add3A_73] : memref<524288xf32, #tpu.memory_space<hbm>> -> memref<2048xf32, #tpu.memory_space<hbm>>
      %dma_wait3A_422 = arith.constant 0 : i32
      %dma_wait3A_423 = tpu.memref_slice %arg9[%run_scoped3A_75, %dma_wait3A_422] : memref<2x2048xf32, #tpu.memory_space<vmem>> -> memref<1x2048xf32, #tpu.memory_space<vmem>>
      %dma_wait3A_424 = tpu.memref_squeeze %dma_wait3A_423 : memref<1x2048xf32, #tpu.memory_space<vmem>> -> memref<2048xf32, #tpu.memory_space<vmem>>
      tpu.wait_dma2 semaphore(%run_scoped3A_408 : memref<!tpu.dma_semaphore, #tpu.memory_space<semaphore_mem>>) src(%dma_wait3A_424 : memref<2048xf32, #tpu.memory_space<vmem>>) dst(%dma_wait3A_421 : memref<2048xf32, #tpu.memory_space<hbm>>)
      tpu.yield
    }) : () -> ()
    %dma_wait3A_76 = arith.constant 1 : i32
    %dma_wait3A_77 = arith.constant 1 : i32
    %dma_wait3A_78 = arith.constant 0 : i32
    %dma_wait3A_79 = arith.constant 0 : i32
    %dma_wait3A_80 = tpu.memref_slice %arg8[%dma_wait3A_77, %dma_wait3A_78, %dma_wait3A_79] : memref<2x2048x16xf32, #tpu.memory_space<vmem>> -> memref<1x2048x16xf32, #tpu.memory_space<vmem>>
    %dma_wait3A_81 = tpu.memref_squeeze %dma_wait3A_80 : memref<1x2048x16xf32, #tpu.memory_space<vmem>> -> memref<2048x16xf32, #tpu.memory_space<vmem>>
    %dma_wait3A_82 = arith.constant 0 : i32
    %dma_wait3A_83 = tpu.memref_slice %arg7[%dma_wait3A_76, %dma_wait3A_82] : memref<2x2048xi32, #tpu.memory_space<vmem>> -> memref<1x2048xi32, #tpu.memory_space<vmem>>
    %dma_wait3A_84 = tpu.memref_squeeze %dma_wait3A_83 : memref<1x2048xi32, #tpu.memory_space<vmem>> -> memref<2048xi32, #tpu.memory_space<vmem>>
    %dma_wait3A_85 = arith.constant 0 : i32
    %dma_wait3A_86 = arith.constant 0 : i32
    %dma_wait3A_87 = tpu.memref_slice %arg2[%dma_wait3A_85, %dma_wait3A_86] : memref<1015808x16xf32, #tpu.memory_space<hbm>> -> memref<1015808x16xf32, #tpu.memory_space<hbm>>
    tpu.wait_indirect_dma semaphore(%arg10 : memref<!tpu.dma_semaphore, #tpu.memory_space<semaphore_mem>>) src(%dma_wait3A_87 : memref<1015808x16xf32, #tpu.memory_space<hbm>>) dst(%dma_wait3A_81 : memref<2048x16xf32, #tpu.memory_space<vmem>>)
    %dma_wait3A_88 = arith.constant 1 : i32
    %dma_wait3A_89 = arith.constant 1 : i32
    %dma_wait3A_90 = arith.constant 0 : i32
    %dma_wait3A_91 = tpu.memref_slice %arg9[%dma_wait3A_89, %dma_wait3A_90] : memref<2x2048xf32, #tpu.memory_space<vmem>> -> memref<1x2048xf32, #tpu.memory_space<vmem>>
    %dma_wait3A_92 = tpu.memref_squeeze %dma_wait3A_91 : memref<1x2048xf32, #tpu.memory_space<vmem>> -> memref<2048xf32, #tpu.memory_space<vmem>>
    %dma_wait3A_93 = arith.constant 0 : i32
    %dma_wait3A_94 = tpu.memref_slice %arg7[%dma_wait3A_88, %dma_wait3A_93] : memref<2x2048xi32, #tpu.memory_space<vmem>> -> memref<1x2048xi32, #tpu.memory_space<vmem>>
    %dma_wait3A_95 = tpu.memref_squeeze %dma_wait3A_94 : memref<1x2048xi32, #tpu.memory_space<vmem>> -> memref<2048xi32, #tpu.memory_space<vmem>>
    %dma_wait3A_96 = arith.constant 0 : i32
    %dma_wait3A_97 = tpu.memref_slice %arg3[%dma_wait3A_96] : memref<1015808xf32, #tpu.memory_space<hbm>> -> memref<1015808xf32, #tpu.memory_space<hbm>>
    tpu.wait_indirect_dma semaphore(%arg11 : memref<!tpu.dma_semaphore, #tpu.memory_space<semaphore_mem>>) src(%dma_wait3A_97 : memref<1015808xf32, #tpu.memory_space<hbm>>) dst(%dma_wait3A_92 : memref<2048xf32, #tpu.memory_space<vmem>>)
    %add3A_98 = arith.constant 4096 : i32
    %add3A_99 = arith.addi %mul3A_2, %add3A_98 : i32
    %run_scoped3A_100 = arith.constant 0 : i32
    "tpu.region"() ({
      %run_scoped3A_408 = tpu.sem_alloc : memref<!tpu.dma_semaphore, #tpu.memory_space<semaphore_mem>>
      %dma_start3A_409 = arith.constant 0 : i32
      %dma_start3A_410 = tpu.memref_slice %arg7[%run_scoped3A_100, %dma_start3A_409] : memref<2x2048xi32, #tpu.memory_space<vmem>> -> memref<1x2048xi32, #tpu.memory_space<vmem>>
      %dma_start3A_411 = tpu.memref_squeeze %dma_start3A_410 : memref<1x2048xi32, #tpu.memory_space<vmem>> -> memref<2048xi32, #tpu.memory_space<vmem>>
      %dma_start3A_412 = tpu.memref_slice %arg4[%add3A_99] : memref<524288xi32, #tpu.memory_space<hbm>> -> memref<2048xi32, #tpu.memory_space<hbm>>
      %dma_start3A_413 = arith.constant 0 : i32
      %dma_start3A_414 = tpu.memref_slice %arg7[%run_scoped3A_100, %dma_start3A_413] : memref<2x2048xi32, #tpu.memory_space<vmem>> -> memref<1x2048xi32, #tpu.memory_space<vmem>>
      %dma_start3A_415 = tpu.memref_squeeze %dma_start3A_414 : memref<1x2048xi32, #tpu.memory_space<vmem>> -> memref<2048xi32, #tpu.memory_space<vmem>>
      %dma_start3A_416 = tpu.memref_slice %arg4[%add3A_99] : memref<524288xi32, #tpu.memory_space<hbm>> -> memref<2048xi32, #tpu.memory_space<hbm>>
      tpu.enqueue_dma source(%dma_start3A_416 : memref<2048xi32, #tpu.memory_space<hbm>>) target(%dma_start3A_415 : memref<2048xi32, #tpu.memory_space<vmem>>) target_semaphore(%run_scoped3A_408 : memref<!tpu.dma_semaphore, #tpu.memory_space<semaphore_mem>>)
      %dma_wait3A_417 = arith.constant 0 : i32
      %dma_wait3A_418 = tpu.memref_slice %arg7[%run_scoped3A_100, %dma_wait3A_417] : memref<2x2048xi32, #tpu.memory_space<vmem>> -> memref<1x2048xi32, #tpu.memory_space<vmem>>
      %dma_wait3A_419 = tpu.memref_squeeze %dma_wait3A_418 : memref<1x2048xi32, #tpu.memory_space<vmem>> -> memref<2048xi32, #tpu.memory_space<vmem>>
      %dma_wait3A_420 = tpu.memref_slice %arg4[%add3A_99] : memref<524288xi32, #tpu.memory_space<hbm>> -> memref<2048xi32, #tpu.memory_space<hbm>>
      %dma_wait3A_421 = arith.constant 0 : i32
      %dma_wait3A_422 = tpu.memref_slice %arg7[%run_scoped3A_100, %dma_wait3A_421] : memref<2x2048xi32, #tpu.memory_space<vmem>> -> memref<1x2048xi32, #tpu.memory_space<vmem>>
      %dma_wait3A_423 = tpu.memref_squeeze %dma_wait3A_422 : memref<1x2048xi32, #tpu.memory_space<vmem>> -> memref<2048xi32, #tpu.memory_space<vmem>>
      %dma_wait3A_424 = tpu.memref_slice %arg4[%add3A_99] : memref<524288xi32, #tpu.memory_space<hbm>> -> memref<2048xi32, #tpu.memory_space<hbm>>
      tpu.wait_dma2 semaphore(%run_scoped3A_408 : memref<!tpu.dma_semaphore, #tpu.memory_space<semaphore_mem>>) src(%dma_wait3A_424 : memref<2048xi32, #tpu.memory_space<hbm>>) dst(%dma_wait3A_423 : memref<2048xi32, #tpu.memory_space<vmem>>)
      tpu.yield
    }) : () -> ()
    %dma_start3A_101 = arith.constant 0 : i32
    %dma_start3A_102 = arith.constant 0 : i32
    %dma_start3A_103 = arith.constant 0 : i32
    %dma_start3A_104 = arith.constant 0 : i32
    %dma_start3A_105 = tpu.memref_slice %arg8[%dma_start3A_102, %dma_start3A_103, %dma_start3A_104] : memref<2x2048x16xf32, #tpu.memory_space<vmem>> -> memref<1x2048x16xf32, #tpu.memory_space<vmem>>
    %dma_start3A_106 = tpu.memref_squeeze %dma_start3A_105 : memref<1x2048x16xf32, #tpu.memory_space<vmem>> -> memref<2048x16xf32, #tpu.memory_space<vmem>>
    %dma_start3A_107 = arith.constant 0 : i32
    %dma_start3A_108 = tpu.memref_slice %arg7[%dma_start3A_101, %dma_start3A_107] : memref<2x2048xi32, #tpu.memory_space<vmem>> -> memref<1x2048xi32, #tpu.memory_space<vmem>>
    %dma_start3A_109 = tpu.memref_squeeze %dma_start3A_108 : memref<1x2048xi32, #tpu.memory_space<vmem>> -> memref<2048xi32, #tpu.memory_space<vmem>>
    %dma_start3A_110 = arith.constant 0 : i32
    %dma_start3A_111 = arith.constant 0 : i32
    %dma_start3A_112 = tpu.memref_slice %arg2[%dma_start3A_110, %dma_start3A_111] : memref<1015808x16xf32, #tpu.memory_space<hbm>> -> memref<1015808x16xf32, #tpu.memory_space<hbm>>
    tpu.enqueue_indirect_dma source(%dma_start3A_112 : memref<1015808x16xf32, #tpu.memory_space<hbm>>) target(%dma_start3A_106 : memref<2048x16xf32, #tpu.memory_space<vmem>>) offsets(%dma_start3A_109 : memref<2048xi32, #tpu.memory_space<vmem>>) semaphore(%arg10 : memref<!tpu.dma_semaphore, #tpu.memory_space<semaphore_mem>>)
    %dma_start3A_113 = arith.constant 0 : i32
    %dma_start3A_114 = arith.constant 0 : i32
    %dma_start3A_115 = arith.constant 0 : i32
    %dma_start3A_116 = tpu.memref_slice %arg9[%dma_start3A_114, %dma_start3A_115] : memref<2x2048xf32, #tpu.memory_space<vmem>> -> memref<1x2048xf32, #tpu.memory_space<vmem>>
    %dma_start3A_117 = tpu.memref_squeeze %dma_start3A_116 : memref<1x2048xf32, #tpu.memory_space<vmem>> -> memref<2048xf32, #tpu.memory_space<vmem>>
    %dma_start3A_118 = arith.constant 0 : i32
    %dma_start3A_119 = tpu.memref_slice %arg7[%dma_start3A_113, %dma_start3A_118] : memref<2x2048xi32, #tpu.memory_space<vmem>> -> memref<1x2048xi32, #tpu.memory_space<vmem>>
    %dma_start3A_120 = tpu.memref_squeeze %dma_start3A_119 : memref<1x2048xi32, #tpu.memory_space<vmem>> -> memref<2048xi32, #tpu.memory_space<vmem>>
    %dma_start3A_121 = arith.constant 0 : i32
    %dma_start3A_122 = tpu.memref_slice %arg3[%dma_start3A_121] : memref<1015808xf32, #tpu.memory_space<hbm>> -> memref<1015808xf32, #tpu.memory_space<hbm>>
    tpu.enqueue_indirect_dma source(%dma_start3A_122 : memref<1015808xf32, #tpu.memory_space<hbm>>) target(%dma_start3A_117 : memref<2048xf32, #tpu.memory_space<vmem>>) offsets(%dma_start3A_120 : memref<2048xi32, #tpu.memory_space<vmem>>) semaphore(%arg11 : memref<!tpu.dma_semaphore, #tpu.memory_space<semaphore_mem>>)
    %add3A_123 = arith.constant 2048 : i32
    %add3A_124 = arith.addi %mul3A_2, %add3A_123 : i32
    %run_scoped3A_125 = arith.constant 1 : i32
    "tpu.region"() ({
      %run_scoped3A_408 = tpu.sem_alloc : memref<!tpu.dma_semaphore, #tpu.memory_space<semaphore_mem>>
      %dma_start3A_409 = arith.constant 0 : i32
      %dma_start3A_410 = arith.constant 0 : i32
      %dma_start3A_411 = tpu.memref_slice %arg8[%run_scoped3A_125, %dma_start3A_409, %dma_start3A_410] : memref<2x2048x16xf32, #tpu.memory_space<vmem>> -> memref<1x2048x16xf32, #tpu.memory_space<vmem>>
      %dma_start3A_412 = tpu.memref_squeeze %dma_start3A_411 : memref<1x2048x16xf32, #tpu.memory_space<vmem>> -> memref<2048x16xf32, #tpu.memory_space<vmem>>
      %dma_start3A_413 = arith.constant 0 : i32
      %dma_start3A_414 = tpu.memref_slice %arg5[%add3A_124, %dma_start3A_413] : memref<524288x16xf32, #tpu.memory_space<hbm>> -> memref<2048x16xf32, #tpu.memory_space<hbm>>
      %dma_start3A_415 = arith.constant 0 : i32
      %dma_start3A_416 = tpu.memref_slice %arg5[%add3A_124, %dma_start3A_415] : memref<524288x16xf32, #tpu.memory_space<hbm>> -> memref<2048x16xf32, #tpu.memory_space<hbm>>
      %dma_start3A_417 = arith.constant 0 : i32
      %dma_start3A_418 = arith.constant 0 : i32
      %dma_start3A_419 = tpu.memref_slice %arg8[%run_scoped3A_125, %dma_start3A_417, %dma_start3A_418] : memref<2x2048x16xf32, #tpu.memory_space<vmem>> -> memref<1x2048x16xf32, #tpu.memory_space<vmem>>
      %dma_start3A_420 = tpu.memref_squeeze %dma_start3A_419 : memref<1x2048x16xf32, #tpu.memory_space<vmem>> -> memref<2048x16xf32, #tpu.memory_space<vmem>>
      tpu.enqueue_dma source(%dma_start3A_420 : memref<2048x16xf32, #tpu.memory_space<vmem>>) target(%dma_start3A_416 : memref<2048x16xf32, #tpu.memory_space<hbm>>) target_semaphore(%run_scoped3A_408 : memref<!tpu.dma_semaphore, #tpu.memory_space<semaphore_mem>>)
      %dma_wait3A_421 = arith.constant 0 : i32
      %dma_wait3A_422 = arith.constant 0 : i32
      %dma_wait3A_423 = tpu.memref_slice %arg8[%run_scoped3A_125, %dma_wait3A_421, %dma_wait3A_422] : memref<2x2048x16xf32, #tpu.memory_space<vmem>> -> memref<1x2048x16xf32, #tpu.memory_space<vmem>>
      %dma_wait3A_424 = tpu.memref_squeeze %dma_wait3A_423 : memref<1x2048x16xf32, #tpu.memory_space<vmem>> -> memref<2048x16xf32, #tpu.memory_space<vmem>>
      %dma_wait3A_425 = arith.constant 0 : i32
      %dma_wait3A_426 = tpu.memref_slice %arg5[%add3A_124, %dma_wait3A_425] : memref<524288x16xf32, #tpu.memory_space<hbm>> -> memref<2048x16xf32, #tpu.memory_space<hbm>>
      %dma_wait3A_427 = arith.constant 0 : i32
      %dma_wait3A_428 = tpu.memref_slice %arg5[%add3A_124, %dma_wait3A_427] : memref<524288x16xf32, #tpu.memory_space<hbm>> -> memref<2048x16xf32, #tpu.memory_space<hbm>>
      %dma_wait3A_429 = arith.constant 0 : i32
      %dma_wait3A_430 = arith.constant 0 : i32
      %dma_wait3A_431 = tpu.memref_slice %arg8[%run_scoped3A_125, %dma_wait3A_429, %dma_wait3A_430] : memref<2x2048x16xf32, #tpu.memory_space<vmem>> -> memref<1x2048x16xf32, #tpu.memory_space<vmem>>
      %dma_wait3A_432 = tpu.memref_squeeze %dma_wait3A_431 : memref<1x2048x16xf32, #tpu.memory_space<vmem>> -> memref<2048x16xf32, #tpu.memory_space<vmem>>
      tpu.wait_dma2 semaphore(%run_scoped3A_408 : memref<!tpu.dma_semaphore, #tpu.memory_space<semaphore_mem>>) src(%dma_wait3A_432 : memref<2048x16xf32, #tpu.memory_space<vmem>>) dst(%dma_wait3A_428 : memref<2048x16xf32, #tpu.memory_space<hbm>>)
      tpu.yield
    }) : () -> ()
    %run_scoped3A_126 = arith.constant 1 : i32
    "tpu.region"() ({
      %run_scoped3A_408 = tpu.sem_alloc : memref<!tpu.dma_semaphore, #tpu.memory_space<semaphore_mem>>
      %dma_start3A_409 = arith.constant 0 : i32
      %dma_start3A_410 = tpu.memref_slice %arg9[%run_scoped3A_126, %dma_start3A_409] : memref<2x2048xf32, #tpu.memory_space<vmem>> -> memref<1x2048xf32, #tpu.memory_space<vmem>>
      %dma_start3A_411 = tpu.memref_squeeze %dma_start3A_410 : memref<1x2048xf32, #tpu.memory_space<vmem>> -> memref<2048xf32, #tpu.memory_space<vmem>>
      %dma_start3A_412 = tpu.memref_slice %arg6[%add3A_124] : memref<524288xf32, #tpu.memory_space<hbm>> -> memref<2048xf32, #tpu.memory_space<hbm>>
      %dma_start3A_413 = tpu.memref_slice %arg6[%add3A_124] : memref<524288xf32, #tpu.memory_space<hbm>> -> memref<2048xf32, #tpu.memory_space<hbm>>
      %dma_start3A_414 = arith.constant 0 : i32
      %dma_start3A_415 = tpu.memref_slice %arg9[%run_scoped3A_126, %dma_start3A_414] : memref<2x2048xf32, #tpu.memory_space<vmem>> -> memref<1x2048xf32, #tpu.memory_space<vmem>>
      %dma_start3A_416 = tpu.memref_squeeze %dma_start3A_415 : memref<1x2048xf32, #tpu.memory_space<vmem>> -> memref<2048xf32, #tpu.memory_space<vmem>>
      tpu.enqueue_dma source(%dma_start3A_416 : memref<2048xf32, #tpu.memory_space<vmem>>) target(%dma_start3A_413 : memref<2048xf32, #tpu.memory_space<hbm>>) target_semaphore(%run_scoped3A_408 : memref<!tpu.dma_semaphore, #tpu.memory_space<semaphore_mem>>)
      %dma_wait3A_417 = arith.constant 0 : i32
      %dma_wait3A_418 = tpu.memref_slice %arg9[%run_scoped3A_126, %dma_wait3A_417] : memref<2x2048xf32, #tpu.memory_space<vmem>> -> memref<1x2048xf32, #tpu.memory_space<vmem>>
      %dma_wait3A_419 = tpu.memref_squeeze %dma_wait3A_418 : memref<1x2048xf32, #tpu.memory_space<vmem>> -> memref<2048xf32, #tpu.memory_space<vmem>>
      %dma_wait3A_420 = tpu.memref_slice %arg6[%add3A_124] : memref<524288xf32, #tpu.memory_space<hbm>> -> memref<2048xf32, #tpu.memory_space<hbm>>
      %dma_wait3A_421 = tpu.memref_slice %arg6[%add3A_124] : memref<524288xf32, #tpu.memory_space<hbm>> -> memref<2048xf32, #tpu.memory_space<hbm>>
      %dma_wait3A_422 = arith.constant 0 : i32
      %dma_wait3A_423 = tpu.memref_slice %arg9[%run_scoped3A_126, %dma_wait3A_422] : memref<2x2048xf32, #tpu.memory_space<vmem>> -> memref<1x2048xf32, #tpu.memory_space<vmem>>
      %dma_wait3A_424 = tpu.memref_squeeze %dma_wait3A_423 : memref<1x2048xf32, #tpu.memory_space<vmem>> -> memref<2048xf32, #tpu.memory_space<vmem>>
      tpu.wait_dma2 semaphore(%run_scoped3A_408 : memref<!tpu.dma_semaphore, #tpu.memory_space<semaphore_mem>>) src(%dma_wait3A_424 : memref<2048xf32, #tpu.memory_space<vmem>>) dst(%dma_wait3A_421 : memref<2048xf32, #tpu.memory_space<hbm>>)
      tpu.yield
    }) : () -> ()
    %dma_wait3A_127 = arith.constant 0 : i32
    %dma_wait3A_128 = arith.constant 0 : i32
    %dma_wait3A_129 = arith.constant 0 : i32
    %dma_wait3A_130 = arith.constant 0 : i32
    %dma_wait3A_131 = tpu.memref_slice %arg8[%dma_wait3A_128, %dma_wait3A_129, %dma_wait3A_130] : memref<2x2048x16xf32, #tpu.memory_space<vmem>> -> memref<1x2048x16xf32, #tpu.memory_space<vmem>>
    %dma_wait3A_132 = tpu.memref_squeeze %dma_wait3A_131 : memref<1x2048x16xf32, #tpu.memory_space<vmem>> -> memref<2048x16xf32, #tpu.memory_space<vmem>>
    %dma_wait3A_133 = arith.constant 0 : i32
    %dma_wait3A_134 = tpu.memref_slice %arg7[%dma_wait3A_127, %dma_wait3A_133] : memref<2x2048xi32, #tpu.memory_space<vmem>> -> memref<1x2048xi32, #tpu.memory_space<vmem>>
    %dma_wait3A_135 = tpu.memref_squeeze %dma_wait3A_134 : memref<1x2048xi32, #tpu.memory_space<vmem>> -> memref<2048xi32, #tpu.memory_space<vmem>>
    %dma_wait3A_136 = arith.constant 0 : i32
    %dma_wait3A_137 = arith.constant 0 : i32
    %dma_wait3A_138 = tpu.memref_slice %arg2[%dma_wait3A_136, %dma_wait3A_137] : memref<1015808x16xf32, #tpu.memory_space<hbm>> -> memref<1015808x16xf32, #tpu.memory_space<hbm>>
    tpu.wait_indirect_dma semaphore(%arg10 : memref<!tpu.dma_semaphore, #tpu.memory_space<semaphore_mem>>) src(%dma_wait3A_138 : memref<1015808x16xf32, #tpu.memory_space<hbm>>) dst(%dma_wait3A_132 : memref<2048x16xf32, #tpu.memory_space<vmem>>)
    %dma_wait3A_139 = arith.constant 0 : i32
    %dma_wait3A_140 = arith.constant 0 : i32
    %dma_wait3A_141 = arith.constant 0 : i32
    %dma_wait3A_142 = tpu.memref_slice %arg9[%dma_wait3A_140, %dma_wait3A_141] : memref<2x2048xf32, #tpu.memory_space<vmem>> -> memref<1x2048xf32, #tpu.memory_space<vmem>>
    %dma_wait3A_143 = tpu.memref_squeeze %dma_wait3A_142 : memref<1x2048xf32, #tpu.memory_space<vmem>> -> memref<2048xf32, #tpu.memory_space<vmem>>
    %dma_wait3A_144 = arith.constant 0 : i32
    %dma_wait3A_145 = tpu.memref_slice %arg7[%dma_wait3A_139, %dma_wait3A_144] : memref<2x2048xi32, #tpu.memory_space<vmem>> -> memref<1x2048xi32, #tpu.memory_space<vmem>>
    %dma_wait3A_146 = tpu.memref_squeeze %dma_wait3A_145 : memref<1x2048xi32, #tpu.memory_space<vmem>> -> memref<2048xi32, #tpu.memory_space<vmem>>
    %dma_wait3A_147 = arith.constant 0 : i32
    %dma_wait3A_148 = tpu.memref_slice %arg3[%dma_wait3A_147] : memref<1015808xf32, #tpu.memory_space<hbm>> -> memref<1015808xf32, #tpu.memory_space<hbm>>
    tpu.wait_indirect_dma semaphore(%arg11 : memref<!tpu.dma_semaphore, #tpu.memory_space<semaphore_mem>>) src(%dma_wait3A_148 : memref<1015808xf32, #tpu.memory_space<hbm>>) dst(%dma_wait3A_143 : memref<2048xf32, #tpu.memory_space<vmem>>)
    %add3A_149 = arith.constant 6144 : i32
    %add3A_150 = arith.addi %mul3A_2, %add3A_149 : i32
    %run_scoped3A_151 = arith.constant 1 : i32
    "tpu.region"() ({
      %run_scoped3A_408 = tpu.sem_alloc : memref<!tpu.dma_semaphore, #tpu.memory_space<semaphore_mem>>
      %dma_start3A_409 = arith.constant 0 : i32
      %dma_start3A_410 = tpu.memref_slice %arg7[%run_scoped3A_151, %dma_start3A_409] : memref<2x2048xi32, #tpu.memory_space<vmem>> -> memref<1x2048xi32, #tpu.memory_space<vmem>>
      %dma_start3A_411 = tpu.memref_squeeze %dma_start3A_410 : memref<1x2048xi32, #tpu.memory_space<vmem>> -> memref<2048xi32, #tpu.memory_space<vmem>>
      %dma_start3A_412 = tpu.memref_slice %arg4[%add3A_150] : memref<524288xi32, #tpu.memory_space<hbm>> -> memref<2048xi32, #tpu.memory_space<hbm>>
      %dma_start3A_413 = arith.constant 0 : i32
      %dma_start3A_414 = tpu.memref_slice %arg7[%run_scoped3A_151, %dma_start3A_413] : memref<2x2048xi32, #tpu.memory_space<vmem>> -> memref<1x2048xi32, #tpu.memory_space<vmem>>
      %dma_start3A_415 = tpu.memref_squeeze %dma_start3A_414 : memref<1x2048xi32, #tpu.memory_space<vmem>> -> memref<2048xi32, #tpu.memory_space<vmem>>
      %dma_start3A_416 = tpu.memref_slice %arg4[%add3A_150] : memref<524288xi32, #tpu.memory_space<hbm>> -> memref<2048xi32, #tpu.memory_space<hbm>>
      tpu.enqueue_dma source(%dma_start3A_416 : memref<2048xi32, #tpu.memory_space<hbm>>) target(%dma_start3A_415 : memref<2048xi32, #tpu.memory_space<vmem>>) target_semaphore(%run_scoped3A_408 : memref<!tpu.dma_semaphore, #tpu.memory_space<semaphore_mem>>)
      %dma_wait3A_417 = arith.constant 0 : i32
      %dma_wait3A_418 = tpu.memref_slice %arg7[%run_scoped3A_151, %dma_wait3A_417] : memref<2x2048xi32, #tpu.memory_space<vmem>> -> memref<1x2048xi32, #tpu.memory_space<vmem>>
      %dma_wait3A_419 = tpu.memref_squeeze %dma_wait3A_418 : memref<1x2048xi32, #tpu.memory_space<vmem>> -> memref<2048xi32, #tpu.memory_space<vmem>>
      %dma_wait3A_420 = tpu.memref_slice %arg4[%add3A_150] : memref<524288xi32, #tpu.memory_space<hbm>> -> memref<2048xi32, #tpu.memory_space<hbm>>
      %dma_wait3A_421 = arith.constant 0 : i32
      %dma_wait3A_422 = tpu.memref_slice %arg7[%run_scoped3A_151, %dma_wait3A_421] : memref<2x2048xi32, #tpu.memory_space<vmem>> -> memref<1x2048xi32, #tpu.memory_space<vmem>>
      %dma_wait3A_423 = tpu.memref_squeeze %dma_wait3A_422 : memref<1x2048xi32, #tpu.memory_space<vmem>> -> memref<2048xi32, #tpu.memory_space<vmem>>
      %dma_wait3A_424 = tpu.memref_slice %arg4[%add3A_150] : memref<524288xi32, #tpu.memory_space<hbm>> -> memref<2048xi32, #tpu.memory_space<hbm>>
      tpu.wait_dma2 semaphore(%run_scoped3A_408 : memref<!tpu.dma_semaphore, #tpu.memory_space<semaphore_mem>>) src(%dma_wait3A_424 : memref<2048xi32, #tpu.memory_space<hbm>>) dst(%dma_wait3A_423 : memref<2048xi32, #tpu.memory_space<vmem>>)
      tpu.yield
    }) : () -> ()
    %dma_start3A_152 = arith.constant 1 : i32
    %dma_start3A_153 = arith.constant 1 : i32
    %dma_start3A_154 = arith.constant 0 : i32
    %dma_start3A_155 = arith.constant 0 : i32
    %dma_start3A_156 = tpu.memref_slice %arg8[%dma_start3A_153, %dma_start3A_154, %dma_start3A_155] : memref<2x2048x16xf32, #tpu.memory_space<vmem>> -> memref<1x2048x16xf32, #tpu.memory_space<vmem>>
    %dma_start3A_157 = tpu.memref_squeeze %dma_start3A_156 : memref<1x2048x16xf32, #tpu.memory_space<vmem>> -> memref<2048x16xf32, #tpu.memory_space<vmem>>
    %dma_start3A_158 = arith.constant 0 : i32
    %dma_start3A_159 = tpu.memref_slice %arg7[%dma_start3A_152, %dma_start3A_158] : memref<2x2048xi32, #tpu.memory_space<vmem>> -> memref<1x2048xi32, #tpu.memory_space<vmem>>
    %dma_start3A_160 = tpu.memref_squeeze %dma_start3A_159 : memref<1x2048xi32, #tpu.memory_space<vmem>> -> memref<2048xi32, #tpu.memory_space<vmem>>
    %dma_start3A_161 = arith.constant 0 : i32
    %dma_start3A_162 = arith.constant 0 : i32
    %dma_start3A_163 = tpu.memref_slice %arg2[%dma_start3A_161, %dma_start3A_162] : memref<1015808x16xf32, #tpu.memory_space<hbm>> -> memref<1015808x16xf32, #tpu.memory_space<hbm>>
    tpu.enqueue_indirect_dma source(%dma_start3A_163 : memref<1015808x16xf32, #tpu.memory_space<hbm>>) target(%dma_start3A_157 : memref<2048x16xf32, #tpu.memory_space<vmem>>) offsets(%dma_start3A_160 : memref<2048xi32, #tpu.memory_space<vmem>>) semaphore(%arg10 : memref<!tpu.dma_semaphore, #tpu.memory_space<semaphore_mem>>)
    %dma_start3A_164 = arith.constant 1 : i32
    %dma_start3A_165 = arith.constant 1 : i32
    %dma_start3A_166 = arith.constant 0 : i32
    %dma_start3A_167 = tpu.memref_slice %arg9[%dma_start3A_165, %dma_start3A_166] : memref<2x2048xf32, #tpu.memory_space<vmem>> -> memref<1x2048xf32, #tpu.memory_space<vmem>>
    %dma_start3A_168 = tpu.memref_squeeze %dma_start3A_167 : memref<1x2048xf32, #tpu.memory_space<vmem>> -> memref<2048xf32, #tpu.memory_space<vmem>>
    %dma_start3A_169 = arith.constant 0 : i32
    %dma_start3A_170 = tpu.memref_slice %arg7[%dma_start3A_164, %dma_start3A_169] : memref<2x2048xi32, #tpu.memory_space<vmem>> -> memref<1x2048xi32, #tpu.memory_space<vmem>>
    %dma_start3A_171 = tpu.memref_squeeze %dma_start3A_170 : memref<1x2048xi32, #tpu.memory_space<vmem>> -> memref<2048xi32, #tpu.memory_space<vmem>>
    %dma_start3A_172 = arith.constant 0 : i32
    %dma_start3A_173 = tpu.memref_slice %arg3[%dma_start3A_172] : memref<1015808xf32, #tpu.memory_space<hbm>> -> memref<1015808xf32, #tpu.memory_space<hbm>>
    tpu.enqueue_indirect_dma source(%dma_start3A_173 : memref<1015808xf32, #tpu.memory_space<hbm>>) target(%dma_start3A_168 : memref<2048xf32, #tpu.memory_space<vmem>>) offsets(%dma_start3A_171 : memref<2048xi32, #tpu.memory_space<vmem>>) semaphore(%arg11 : memref<!tpu.dma_semaphore, #tpu.memory_space<semaphore_mem>>)
    %add3A_174 = arith.constant 4096 : i32
    %add3A_175 = arith.addi %mul3A_2, %add3A_174 : i32
    %run_scoped3A_176 = arith.constant 0 : i32
    "tpu.region"() ({
      %run_scoped3A_408 = tpu.sem_alloc : memref<!tpu.dma_semaphore, #tpu.memory_space<semaphore_mem>>
      %dma_start3A_409 = arith.constant 0 : i32
      %dma_start3A_410 = arith.constant 0 : i32
      %dma_start3A_411 = tpu.memref_slice %arg8[%run_scoped3A_176, %dma_start3A_409, %dma_start3A_410] : memref<2x2048x16xf32, #tpu.memory_space<vmem>> -> memref<1x2048x16xf32, #tpu.memory_space<vmem>>
      %dma_start3A_412 = tpu.memref_squeeze %dma_start3A_411 : memref<1x2048x16xf32, #tpu.memory_space<vmem>> -> memref<2048x16xf32, #tpu.memory_space<vmem>>
      %dma_start3A_413 = arith.constant 0 : i32
      %dma_start3A_414 = tpu.memref_slice %arg5[%add3A_175, %dma_start3A_413] : memref<524288x16xf32, #tpu.memory_space<hbm>> -> memref<2048x16xf32, #tpu.memory_space<hbm>>
      %dma_start3A_415 = arith.constant 0 : i32
      %dma_start3A_416 = tpu.memref_slice %arg5[%add3A_175, %dma_start3A_415] : memref<524288x16xf32, #tpu.memory_space<hbm>> -> memref<2048x16xf32, #tpu.memory_space<hbm>>
      %dma_start3A_417 = arith.constant 0 : i32
      %dma_start3A_418 = arith.constant 0 : i32
      %dma_start3A_419 = tpu.memref_slice %arg8[%run_scoped3A_176, %dma_start3A_417, %dma_start3A_418] : memref<2x2048x16xf32, #tpu.memory_space<vmem>> -> memref<1x2048x16xf32, #tpu.memory_space<vmem>>
      %dma_start3A_420 = tpu.memref_squeeze %dma_start3A_419 : memref<1x2048x16xf32, #tpu.memory_space<vmem>> -> memref<2048x16xf32, #tpu.memory_space<vmem>>
      tpu.enqueue_dma source(%dma_start3A_420 : memref<2048x16xf32, #tpu.memory_space<vmem>>) target(%dma_start3A_416 : memref<2048x16xf32, #tpu.memory_space<hbm>>) target_semaphore(%run_scoped3A_408 : memref<!tpu.dma_semaphore, #tpu.memory_space<semaphore_mem>>)
      %dma_wait3A_421 = arith.constant 0 : i32
      %dma_wait3A_422 = arith.constant 0 : i32
      %dma_wait3A_423 = tpu.memref_slice %arg8[%run_scoped3A_176, %dma_wait3A_421, %dma_wait3A_422] : memref<2x2048x16xf32, #tpu.memory_space<vmem>> -> memref<1x2048x16xf32, #tpu.memory_space<vmem>>
      %dma_wait3A_424 = tpu.memref_squeeze %dma_wait3A_423 : memref<1x2048x16xf32, #tpu.memory_space<vmem>> -> memref<2048x16xf32, #tpu.memory_space<vmem>>
      %dma_wait3A_425 = arith.constant 0 : i32
      %dma_wait3A_426 = tpu.memref_slice %arg5[%add3A_175, %dma_wait3A_425] : memref<524288x16xf32, #tpu.memory_space<hbm>> -> memref<2048x16xf32, #tpu.memory_space<hbm>>
      %dma_wait3A_427 = arith.constant 0 : i32
      %dma_wait3A_428 = tpu.memref_slice %arg5[%add3A_175, %dma_wait3A_427] : memref<524288x16xf32, #tpu.memory_space<hbm>> -> memref<2048x16xf32, #tpu.memory_space<hbm>>
      %dma_wait3A_429 = arith.constant 0 : i32
      %dma_wait3A_430 = arith.constant 0 : i32
      %dma_wait3A_431 = tpu.memref_slice %arg8[%run_scoped3A_176, %dma_wait3A_429, %dma_wait3A_430] : memref<2x2048x16xf32, #tpu.memory_space<vmem>> -> memref<1x2048x16xf32, #tpu.memory_space<vmem>>
      %dma_wait3A_432 = tpu.memref_squeeze %dma_wait3A_431 : memref<1x2048x16xf32, #tpu.memory_space<vmem>> -> memref<2048x16xf32, #tpu.memory_space<vmem>>
      tpu.wait_dma2 semaphore(%run_scoped3A_408 : memref<!tpu.dma_semaphore, #tpu.memory_space<semaphore_mem>>) src(%dma_wait3A_432 : memref<2048x16xf32, #tpu.memory_space<vmem>>) dst(%dma_wait3A_428 : memref<2048x16xf32, #tpu.memory_space<hbm>>)
      tpu.yield
    }) : () -> ()
    %run_scoped3A_177 = arith.constant 0 : i32
    "tpu.region"() ({
      %run_scoped3A_408 = tpu.sem_alloc : memref<!tpu.dma_semaphore, #tpu.memory_space<semaphore_mem>>
      %dma_start3A_409 = arith.constant 0 : i32
      %dma_start3A_410 = tpu.memref_slice %arg9[%run_scoped3A_177, %dma_start3A_409] : memref<2x2048xf32, #tpu.memory_space<vmem>> -> memref<1x2048xf32, #tpu.memory_space<vmem>>
      %dma_start3A_411 = tpu.memref_squeeze %dma_start3A_410 : memref<1x2048xf32, #tpu.memory_space<vmem>> -> memref<2048xf32, #tpu.memory_space<vmem>>
      %dma_start3A_412 = tpu.memref_slice %arg6[%add3A_175] : memref<524288xf32, #tpu.memory_space<hbm>> -> memref<2048xf32, #tpu.memory_space<hbm>>
      %dma_start3A_413 = tpu.memref_slice %arg6[%add3A_175] : memref<524288xf32, #tpu.memory_space<hbm>> -> memref<2048xf32, #tpu.memory_space<hbm>>
      %dma_start3A_414 = arith.constant 0 : i32
      %dma_start3A_415 = tpu.memref_slice %arg9[%run_scoped3A_177, %dma_start3A_414] : memref<2x2048xf32, #tpu.memory_space<vmem>> -> memref<1x2048xf32, #tpu.memory_space<vmem>>
      %dma_start3A_416 = tpu.memref_squeeze %dma_start3A_415 : memref<1x2048xf32, #tpu.memory_space<vmem>> -> memref<2048xf32, #tpu.memory_space<vmem>>
      tpu.enqueue_dma source(%dma_start3A_416 : memref<2048xf32, #tpu.memory_space<vmem>>) target(%dma_start3A_413 : memref<2048xf32, #tpu.memory_space<hbm>>) target_semaphore(%run_scoped3A_408 : memref<!tpu.dma_semaphore, #tpu.memory_space<semaphore_mem>>)
      %dma_wait3A_417 = arith.constant 0 : i32
      %dma_wait3A_418 = tpu.memref_slice %arg9[%run_scoped3A_177, %dma_wait3A_417] : memref<2x2048xf32, #tpu.memory_space<vmem>> -> memref<1x2048xf32, #tpu.memory_space<vmem>>
      %dma_wait3A_419 = tpu.memref_squeeze %dma_wait3A_418 : memref<1x2048xf32, #tpu.memory_space<vmem>> -> memref<2048xf32, #tpu.memory_space<vmem>>
      %dma_wait3A_420 = tpu.memref_slice %arg6[%add3A_175] : memref<524288xf32, #tpu.memory_space<hbm>> -> memref<2048xf32, #tpu.memory_space<hbm>>
      %dma_wait3A_421 = tpu.memref_slice %arg6[%add3A_175] : memref<524288xf32, #tpu.memory_space<hbm>> -> memref<2048xf32, #tpu.memory_space<hbm>>
      %dma_wait3A_422 = arith.constant 0 : i32
      %dma_wait3A_423 = tpu.memref_slice %arg9[%run_scoped3A_177, %dma_wait3A_422] : memref<2x2048xf32, #tpu.memory_space<vmem>> -> memref<1x2048xf32, #tpu.memory_space<vmem>>
      %dma_wait3A_424 = tpu.memref_squeeze %dma_wait3A_423 : memref<1x2048xf32, #tpu.memory_space<vmem>> -> memref<2048xf32, #tpu.memory_space<vmem>>
      tpu.wait_dma2 semaphore(%run_scoped3A_408 : memref<!tpu.dma_semaphore, #tpu.memory_space<semaphore_mem>>) src(%dma_wait3A_424 : memref<2048xf32, #tpu.memory_space<vmem>>) dst(%dma_wait3A_421 : memref<2048xf32, #tpu.memory_space<hbm>>)
      tpu.yield
    }) : () -> ()
    %dma_wait3A_178 = arith.constant 1 : i32
    %dma_wait3A_179 = arith.constant 1 : i32
    %dma_wait3A_180 = arith.constant 0 : i32
    %dma_wait3A_181 = arith.constant 0 : i32
    %dma_wait3A_182 = tpu.memref_slice %arg8[%dma_wait3A_179, %dma_wait3A_180, %dma_wait3A_181] : memref<2x2048x16xf32, #tpu.memory_space<vmem>> -> memref<1x2048x16xf32, #tpu.memory_space<vmem>>
    %dma_wait3A_183 = tpu.memref_squeeze %dma_wait3A_182 : memref<1x2048x16xf32, #tpu.memory_space<vmem>> -> memref<2048x16xf32, #tpu.memory_space<vmem>>
    %dma_wait3A_184 = arith.constant 0 : i32
    %dma_wait3A_185 = tpu.memref_slice %arg7[%dma_wait3A_178, %dma_wait3A_184] : memref<2x2048xi32, #tpu.memory_space<vmem>> -> memref<1x2048xi32, #tpu.memory_space<vmem>>
    %dma_wait3A_186 = tpu.memref_squeeze %dma_wait3A_185 : memref<1x2048xi32, #tpu.memory_space<vmem>> -> memref<2048xi32, #tpu.memory_space<vmem>>
    %dma_wait3A_187 = arith.constant 0 : i32
    %dma_wait3A_188 = arith.constant 0 : i32
    %dma_wait3A_189 = tpu.memref_slice %arg2[%dma_wait3A_187, %dma_wait3A_188] : memref<1015808x16xf32, #tpu.memory_space<hbm>> -> memref<1015808x16xf32, #tpu.memory_space<hbm>>
    tpu.wait_indirect_dma semaphore(%arg10 : memref<!tpu.dma_semaphore, #tpu.memory_space<semaphore_mem>>) src(%dma_wait3A_189 : memref<1015808x16xf32, #tpu.memory_space<hbm>>) dst(%dma_wait3A_183 : memref<2048x16xf32, #tpu.memory_space<vmem>>)
    %dma_wait3A_190 = arith.constant 1 : i32
    %dma_wait3A_191 = arith.constant 1 : i32
    %dma_wait3A_192 = arith.constant 0 : i32
    %dma_wait3A_193 = tpu.memref_slice %arg9[%dma_wait3A_191, %dma_wait3A_192] : memref<2x2048xf32, #tpu.memory_space<vmem>> -> memref<1x2048xf32, #tpu.memory_space<vmem>>
    %dma_wait3A_194 = tpu.memref_squeeze %dma_wait3A_193 : memref<1x2048xf32, #tpu.memory_space<vmem>> -> memref<2048xf32, #tpu.memory_space<vmem>>
    %dma_wait3A_195 = arith.constant 0 : i32
    %dma_wait3A_196 = tpu.memref_slice %arg7[%dma_wait3A_190, %dma_wait3A_195] : memref<2x2048xi32, #tpu.memory_space<vmem>> -> memref<1x2048xi32, #tpu.memory_space<vmem>>
    %dma_wait3A_197 = tpu.memref_squeeze %dma_wait3A_196 : memref<1x2048xi32, #tpu.memory_space<vmem>> -> memref<2048xi32, #tpu.memory_space<vmem>>
    %dma_wait3A_198 = arith.constant 0 : i32
    %dma_wait3A_199 = tpu.memref_slice %arg3[%dma_wait3A_198] : memref<1015808xf32, #tpu.memory_space<hbm>> -> memref<1015808xf32, #tpu.memory_space<hbm>>
    tpu.wait_indirect_dma semaphore(%arg11 : memref<!tpu.dma_semaphore, #tpu.memory_space<semaphore_mem>>) src(%dma_wait3A_199 : memref<1015808xf32, #tpu.memory_space<hbm>>) dst(%dma_wait3A_194 : memref<2048xf32, #tpu.memory_space<vmem>>)
    %add3A_200 = arith.constant 8192 : i32
    %add3A_201 = arith.addi %mul3A_2, %add3A_200 : i32
    %run_scoped3A_202 = arith.constant 0 : i32
    "tpu.region"() ({
      %run_scoped3A_408 = tpu.sem_alloc : memref<!tpu.dma_semaphore, #tpu.memory_space<semaphore_mem>>
      %dma_start3A_409 = arith.constant 0 : i32
      %dma_start3A_410 = tpu.memref_slice %arg7[%run_scoped3A_202, %dma_start3A_409] : memref<2x2048xi32, #tpu.memory_space<vmem>> -> memref<1x2048xi32, #tpu.memory_space<vmem>>
      %dma_start3A_411 = tpu.memref_squeeze %dma_start3A_410 : memref<1x2048xi32, #tpu.memory_space<vmem>> -> memref<2048xi32, #tpu.memory_space<vmem>>
      %dma_start3A_412 = tpu.memref_slice %arg4[%add3A_201] : memref<524288xi32, #tpu.memory_space<hbm>> -> memref<2048xi32, #tpu.memory_space<hbm>>
      %dma_start3A_413 = arith.constant 0 : i32
      %dma_start3A_414 = tpu.memref_slice %arg7[%run_scoped3A_202, %dma_start3A_413] : memref<2x2048xi32, #tpu.memory_space<vmem>> -> memref<1x2048xi32, #tpu.memory_space<vmem>>
      %dma_start3A_415 = tpu.memref_squeeze %dma_start3A_414 : memref<1x2048xi32, #tpu.memory_space<vmem>> -> memref<2048xi32, #tpu.memory_space<vmem>>
      %dma_start3A_416 = tpu.memref_slice %arg4[%add3A_201] : memref<524288xi32, #tpu.memory_space<hbm>> -> memref<2048xi32, #tpu.memory_space<hbm>>
      tpu.enqueue_dma source(%dma_start3A_416 : memref<2048xi32, #tpu.memory_space<hbm>>) target(%dma_start3A_415 : memref<2048xi32, #tpu.memory_space<vmem>>) target_semaphore(%run_scoped3A_408 : memref<!tpu.dma_semaphore, #tpu.memory_space<semaphore_mem>>)
      %dma_wait3A_417 = arith.constant 0 : i32
      %dma_wait3A_418 = tpu.memref_slice %arg7[%run_scoped3A_202, %dma_wait3A_417] : memref<2x2048xi32, #tpu.memory_space<vmem>> -> memref<1x2048xi32, #tpu.memory_space<vmem>>
      %dma_wait3A_419 = tpu.memref_squeeze %dma_wait3A_418 : memref<1x2048xi32, #tpu.memory_space<vmem>> -> memref<2048xi32, #tpu.memory_space<vmem>>
      %dma_wait3A_420 = tpu.memref_slice %arg4[%add3A_201] : memref<524288xi32, #tpu.memory_space<hbm>> -> memref<2048xi32, #tpu.memory_space<hbm>>
      %dma_wait3A_421 = arith.constant 0 : i32
      %dma_wait3A_422 = tpu.memref_slice %arg7[%run_scoped3A_202, %dma_wait3A_421] : memref<2x2048xi32, #tpu.memory_space<vmem>> -> memref<1x2048xi32, #tpu.memory_space<vmem>>
      %dma_wait3A_423 = tpu.memref_squeeze %dma_wait3A_422 : memref<1x2048xi32, #tpu.memory_space<vmem>> -> memref<2048xi32, #tpu.memory_space<vmem>>
      %dma_wait3A_424 = tpu.memref_slice %arg4[%add3A_201] : memref<524288xi32, #tpu.memory_space<hbm>> -> memref<2048xi32, #tpu.memory_space<hbm>>
      tpu.wait_dma2 semaphore(%run_scoped3A_408 : memref<!tpu.dma_semaphore, #tpu.memory_space<semaphore_mem>>) src(%dma_wait3A_424 : memref<2048xi32, #tpu.memory_space<hbm>>) dst(%dma_wait3A_423 : memref<2048xi32, #tpu.memory_space<vmem>>)
      tpu.yield
    }) : () -> ()
    %dma_start3A_203 = arith.constant 0 : i32
    %dma_start3A_204 = arith.constant 0 : i32
    %dma_start3A_205 = arith.constant 0 : i32
    %dma_start3A_206 = arith.constant 0 : i32
    %dma_start3A_207 = tpu.memref_slice %arg8[%dma_start3A_204, %dma_start3A_205, %dma_start3A_206] : memref<2x2048x16xf32, #tpu.memory_space<vmem>> -> memref<1x2048x16xf32, #tpu.memory_space<vmem>>
    %dma_start3A_208 = tpu.memref_squeeze %dma_start3A_207 : memref<1x2048x16xf32, #tpu.memory_space<vmem>> -> memref<2048x16xf32, #tpu.memory_space<vmem>>
    %dma_start3A_209 = arith.constant 0 : i32
    %dma_start3A_210 = tpu.memref_slice %arg7[%dma_start3A_203, %dma_start3A_209] : memref<2x2048xi32, #tpu.memory_space<vmem>> -> memref<1x2048xi32, #tpu.memory_space<vmem>>
    %dma_start3A_211 = tpu.memref_squeeze %dma_start3A_210 : memref<1x2048xi32, #tpu.memory_space<vmem>> -> memref<2048xi32, #tpu.memory_space<vmem>>
    %dma_start3A_212 = arith.constant 0 : i32
    %dma_start3A_213 = arith.constant 0 : i32
    %dma_start3A_214 = tpu.memref_slice %arg2[%dma_start3A_212, %dma_start3A_213] : memref<1015808x16xf32, #tpu.memory_space<hbm>> -> memref<1015808x16xf32, #tpu.memory_space<hbm>>
    tpu.enqueue_indirect_dma source(%dma_start3A_214 : memref<1015808x16xf32, #tpu.memory_space<hbm>>) target(%dma_start3A_208 : memref<2048x16xf32, #tpu.memory_space<vmem>>) offsets(%dma_start3A_211 : memref<2048xi32, #tpu.memory_space<vmem>>) semaphore(%arg10 : memref<!tpu.dma_semaphore, #tpu.memory_space<semaphore_mem>>)
    %dma_start3A_215 = arith.constant 0 : i32
    %dma_start3A_216 = arith.constant 0 : i32
    %dma_start3A_217 = arith.constant 0 : i32
    %dma_start3A_218 = tpu.memref_slice %arg9[%dma_start3A_216, %dma_start3A_217] : memref<2x2048xf32, #tpu.memory_space<vmem>> -> memref<1x2048xf32, #tpu.memory_space<vmem>>
    %dma_start3A_219 = tpu.memref_squeeze %dma_start3A_218 : memref<1x2048xf32, #tpu.memory_space<vmem>> -> memref<2048xf32, #tpu.memory_space<vmem>>
    %dma_start3A_220 = arith.constant 0 : i32
    %dma_start3A_221 = tpu.memref_slice %arg7[%dma_start3A_215, %dma_start3A_220] : memref<2x2048xi32, #tpu.memory_space<vmem>> -> memref<1x2048xi32, #tpu.memory_space<vmem>>
    %dma_start3A_222 = tpu.memref_squeeze %dma_start3A_221 : memref<1x2048xi32, #tpu.memory_space<vmem>> -> memref<2048xi32, #tpu.memory_space<vmem>>
    %dma_start3A_223 = arith.constant 0 : i32
    %dma_start3A_224 = tpu.memref_slice %arg3[%dma_start3A_223] : memref<1015808xf32, #tpu.memory_space<hbm>> -> memref<1015808xf32, #tpu.memory_space<hbm>>
    tpu.enqueue_indirect_dma source(%dma_start3A_224 : memref<1015808xf32, #tpu.memory_space<hbm>>) target(%dma_start3A_219 : memref<2048xf32, #tpu.memory_space<vmem>>) offsets(%dma_start3A_222 : memref<2048xi32, #tpu.memory_space<vmem>>) semaphore(%arg11 : memref<!tpu.dma_semaphore, #tpu.memory_space<semaphore_mem>>)
    %add3A_225 = arith.constant 6144 : i32
    %add3A_226 = arith.addi %mul3A_2, %add3A_225 : i32
    %run_scoped3A_227 = arith.constant 1 : i32
    "tpu.region"() ({
      %run_scoped3A_408 = tpu.sem_alloc : memref<!tpu.dma_semaphore, #tpu.memory_space<semaphore_mem>>
      %dma_start3A_409 = arith.constant 0 : i32
      %dma_start3A_410 = arith.constant 0 : i32
      %dma_start3A_411 = tpu.memref_slice %arg8[%run_scoped3A_227, %dma_start3A_409, %dma_start3A_410] : memref<2x2048x16xf32, #tpu.memory_space<vmem>> -> memref<1x2048x16xf32, #tpu.memory_space<vmem>>
      %dma_start3A_412 = tpu.memref_squeeze %dma_start3A_411 : memref<1x2048x16xf32, #tpu.memory_space<vmem>> -> memref<2048x16xf32, #tpu.memory_space<vmem>>
      %dma_start3A_413 = arith.constant 0 : i32
      %dma_start3A_414 = tpu.memref_slice %arg5[%add3A_226, %dma_start3A_413] : memref<524288x16xf32, #tpu.memory_space<hbm>> -> memref<2048x16xf32, #tpu.memory_space<hbm>>
      %dma_start3A_415 = arith.constant 0 : i32
      %dma_start3A_416 = tpu.memref_slice %arg5[%add3A_226, %dma_start3A_415] : memref<524288x16xf32, #tpu.memory_space<hbm>> -> memref<2048x16xf32, #tpu.memory_space<hbm>>
      %dma_start3A_417 = arith.constant 0 : i32
      %dma_start3A_418 = arith.constant 0 : i32
      %dma_start3A_419 = tpu.memref_slice %arg8[%run_scoped3A_227, %dma_start3A_417, %dma_start3A_418] : memref<2x2048x16xf32, #tpu.memory_space<vmem>> -> memref<1x2048x16xf32, #tpu.memory_space<vmem>>
      %dma_start3A_420 = tpu.memref_squeeze %dma_start3A_419 : memref<1x2048x16xf32, #tpu.memory_space<vmem>> -> memref<2048x16xf32, #tpu.memory_space<vmem>>
      tpu.enqueue_dma source(%dma_start3A_420 : memref<2048x16xf32, #tpu.memory_space<vmem>>) target(%dma_start3A_416 : memref<2048x16xf32, #tpu.memory_space<hbm>>) target_semaphore(%run_scoped3A_408 : memref<!tpu.dma_semaphore, #tpu.memory_space<semaphore_mem>>)
      %dma_wait3A_421 = arith.constant 0 : i32
      %dma_wait3A_422 = arith.constant 0 : i32
      %dma_wait3A_423 = tpu.memref_slice %arg8[%run_scoped3A_227, %dma_wait3A_421, %dma_wait3A_422] : memref<2x2048x16xf32, #tpu.memory_space<vmem>> -> memref<1x2048x16xf32, #tpu.memory_space<vmem>>
      %dma_wait3A_424 = tpu.memref_squeeze %dma_wait3A_423 : memref<1x2048x16xf32, #tpu.memory_space<vmem>> -> memref<2048x16xf32, #tpu.memory_space<vmem>>
      %dma_wait3A_425 = arith.constant 0 : i32
      %dma_wait3A_426 = tpu.memref_slice %arg5[%add3A_226, %dma_wait3A_425] : memref<524288x16xf32, #tpu.memory_space<hbm>> -> memref<2048x16xf32, #tpu.memory_space<hbm>>
      %dma_wait3A_427 = arith.constant 0 : i32
      %dma_wait3A_428 = tpu.memref_slice %arg5[%add3A_226, %dma_wait3A_427] : memref<524288x16xf32, #tpu.memory_space<hbm>> -> memref<2048x16xf32, #tpu.memory_space<hbm>>
      %dma_wait3A_429 = arith.constant 0 : i32
      %dma_wait3A_430 = arith.constant 0 : i32
      %dma_wait3A_431 = tpu.memref_slice %arg8[%run_scoped3A_227, %dma_wait3A_429, %dma_wait3A_430] : memref<2x2048x16xf32, #tpu.memory_space<vmem>> -> memref<1x2048x16xf32, #tpu.memory_space<vmem>>
      %dma_wait3A_432 = tpu.memref_squeeze %dma_wait3A_431 : memref<1x2048x16xf32, #tpu.memory_space<vmem>> -> memref<2048x16xf32, #tpu.memory_space<vmem>>
      tpu.wait_dma2 semaphore(%run_scoped3A_408 : memref<!tpu.dma_semaphore, #tpu.memory_space<semaphore_mem>>) src(%dma_wait3A_432 : memref<2048x16xf32, #tpu.memory_space<vmem>>) dst(%dma_wait3A_428 : memref<2048x16xf32, #tpu.memory_space<hbm>>)
      tpu.yield
    }) : () -> ()
    %run_scoped3A_228 = arith.constant 1 : i32
    "tpu.region"() ({
      %run_scoped3A_408 = tpu.sem_alloc : memref<!tpu.dma_semaphore, #tpu.memory_space<semaphore_mem>>
      %dma_start3A_409 = arith.constant 0 : i32
      %dma_start3A_410 = tpu.memref_slice %arg9[%run_scoped3A_228, %dma_start3A_409] : memref<2x2048xf32, #tpu.memory_space<vmem>> -> memref<1x2048xf32, #tpu.memory_space<vmem>>
      %dma_start3A_411 = tpu.memref_squeeze %dma_start3A_410 : memref<1x2048xf32, #tpu.memory_space<vmem>> -> memref<2048xf32, #tpu.memory_space<vmem>>
      %dma_start3A_412 = tpu.memref_slice %arg6[%add3A_226] : memref<524288xf32, #tpu.memory_space<hbm>> -> memref<2048xf32, #tpu.memory_space<hbm>>
      %dma_start3A_413 = tpu.memref_slice %arg6[%add3A_226] : memref<524288xf32, #tpu.memory_space<hbm>> -> memref<2048xf32, #tpu.memory_space<hbm>>
      %dma_start3A_414 = arith.constant 0 : i32
      %dma_start3A_415 = tpu.memref_slice %arg9[%run_scoped3A_228, %dma_start3A_414] : memref<2x2048xf32, #tpu.memory_space<vmem>> -> memref<1x2048xf32, #tpu.memory_space<vmem>>
      %dma_start3A_416 = tpu.memref_squeeze %dma_start3A_415 : memref<1x2048xf32, #tpu.memory_space<vmem>> -> memref<2048xf32, #tpu.memory_space<vmem>>
      tpu.enqueue_dma source(%dma_start3A_416 : memref<2048xf32, #tpu.memory_space<vmem>>) target(%dma_start3A_413 : memref<2048xf32, #tpu.memory_space<hbm>>) target_semaphore(%run_scoped3A_408 : memref<!tpu.dma_semaphore, #tpu.memory_space<semaphore_mem>>)
      %dma_wait3A_417 = arith.constant 0 : i32
      %dma_wait3A_418 = tpu.memref_slice %arg9[%run_scoped3A_228, %dma_wait3A_417] : memref<2x2048xf32, #tpu.memory_space<vmem>> -> memref<1x2048xf32, #tpu.memory_space<vmem>>
      %dma_wait3A_419 = tpu.memref_squeeze %dma_wait3A_418 : memref<1x2048xf32, #tpu.memory_space<vmem>> -> memref<2048xf32, #tpu.memory_space<vmem>>
      %dma_wait3A_420 = tpu.memref_slice %arg6[%add3A_226] : memref<524288xf32, #tpu.memory_space<hbm>> -> memref<2048xf32, #tpu.memory_space<hbm>>
      %dma_wait3A_421 = tpu.memref_slice %arg6[%add3A_226] : memref<524288xf32, #tpu.memory_space<hbm>> -> memref<2048xf32, #tpu.memory_space<hbm>>
      %dma_wait3A_422 = arith.constant 0 : i32
      %dma_wait3A_423 = tpu.memref_slice %arg9[%run_scoped3A_228, %dma_wait3A_422] : memref<2x2048xf32, #tpu.memory_space<vmem>> -> memref<1x2048xf32, #tpu.memory_space<vmem>>
      %dma_wait3A_424 = tpu.memref_squeeze %dma_wait3A_423 : memref<1x2048xf32, #tpu.memory_space<vmem>> -> memref<2048xf32, #tpu.memory_space<vmem>>
      tpu.wait_dma2 semaphore(%run_scoped3A_408 : memref<!tpu.dma_semaphore, #tpu.memory_space<semaphore_mem>>) src(%dma_wait3A_424 : memref<2048xf32, #tpu.memory_space<vmem>>) dst(%dma_wait3A_421 : memref<2048xf32, #tpu.memory_space<hbm>>)
      tpu.yield
    }) : () -> ()
    %dma_wait3A_229 = arith.constant 0 : i32
    %dma_wait3A_230 = arith.constant 0 : i32
    %dma_wait3A_231 = arith.constant 0 : i32
    %dma_wait3A_232 = arith.constant 0 : i32
    %dma_wait3A_233 = tpu.memref_slice %arg8[%dma_wait3A_230, %dma_wait3A_231, %dma_wait3A_232] : memref<2x2048x16xf32, #tpu.memory_space<vmem>> -> memref<1x2048x16xf32, #tpu.memory_space<vmem>>
    %dma_wait3A_234 = tpu.memref_squeeze %dma_wait3A_233 : memref<1x2048x16xf32, #tpu.memory_space<vmem>> -> memref<2048x16xf32, #tpu.memory_space<vmem>>
    %dma_wait3A_235 = arith.constant 0 : i32
    %dma_wait3A_236 = tpu.memref_slice %arg7[%dma_wait3A_229, %dma_wait3A_235] : memref<2x2048xi32, #tpu.memory_space<vmem>> -> memref<1x2048xi32, #tpu.memory_space<vmem>>
    %dma_wait3A_237 = tpu.memref_squeeze %dma_wait3A_236 : memref<1x2048xi32, #tpu.memory_space<vmem>> -> memref<2048xi32, #tpu.memory_space<vmem>>
    %dma_wait3A_238 = arith.constant 0 : i32
    %dma_wait3A_239 = arith.constant 0 : i32
    %dma_wait3A_240 = tpu.memref_slice %arg2[%dma_wait3A_238, %dma_wait3A_239] : memref<1015808x16xf32, #tpu.memory_space<hbm>> -> memref<1015808x16xf32, #tpu.memory_space<hbm>>
    tpu.wait_indirect_dma semaphore(%arg10 : memref<!tpu.dma_semaphore, #tpu.memory_space<semaphore_mem>>) src(%dma_wait3A_240 : memref<1015808x16xf32, #tpu.memory_space<hbm>>) dst(%dma_wait3A_234 : memref<2048x16xf32, #tpu.memory_space<vmem>>)
    %dma_wait3A_241 = arith.constant 0 : i32
    %dma_wait3A_242 = arith.constant 0 : i32
    %dma_wait3A_243 = arith.constant 0 : i32
    %dma_wait3A_244 = tpu.memref_slice %arg9[%dma_wait3A_242, %dma_wait3A_243] : memref<2x2048xf32, #tpu.memory_space<vmem>> -> memref<1x2048xf32, #tpu.memory_space<vmem>>
    %dma_wait3A_245 = tpu.memref_squeeze %dma_wait3A_244 : memref<1x2048xf32, #tpu.memory_space<vmem>> -> memref<2048xf32, #tpu.memory_space<vmem>>
    %dma_wait3A_246 = arith.constant 0 : i32
    %dma_wait3A_247 = tpu.memref_slice %arg7[%dma_wait3A_241, %dma_wait3A_246] : memref<2x2048xi32, #tpu.memory_space<vmem>> -> memref<1x2048xi32, #tpu.memory_space<vmem>>
    %dma_wait3A_248 = tpu.memref_squeeze %dma_wait3A_247 : memref<1x2048xi32, #tpu.memory_space<vmem>> -> memref<2048xi32, #tpu.memory_space<vmem>>
    %dma_wait3A_249 = arith.constant 0 : i32
    %dma_wait3A_250 = tpu.memref_slice %arg3[%dma_wait3A_249] : memref<1015808xf32, #tpu.memory_space<hbm>> -> memref<1015808xf32, #tpu.memory_space<hbm>>
    tpu.wait_indirect_dma semaphore(%arg11 : memref<!tpu.dma_semaphore, #tpu.memory_space<semaphore_mem>>) src(%dma_wait3A_250 : memref<1015808xf32, #tpu.memory_space<hbm>>) dst(%dma_wait3A_245 : memref<2048xf32, #tpu.memory_space<vmem>>)
    %add3A_251 = arith.constant 10240 : i32
    %add3A_252 = arith.addi %mul3A_2, %add3A_251 : i32
    %run_scoped3A_253 = arith.constant 1 : i32
    "tpu.region"() ({
      %run_scoped3A_408 = tpu.sem_alloc : memref<!tpu.dma_semaphore, #tpu.memory_space<semaphore_mem>>
      %dma_start3A_409 = arith.constant 0 : i32
      %dma_start3A_410 = tpu.memref_slice %arg7[%run_scoped3A_253, %dma_start3A_409] : memref<2x2048xi32, #tpu.memory_space<vmem>> -> memref<1x2048xi32, #tpu.memory_space<vmem>>
      %dma_start3A_411 = tpu.memref_squeeze %dma_start3A_410 : memref<1x2048xi32, #tpu.memory_space<vmem>> -> memref<2048xi32, #tpu.memory_space<vmem>>
      %dma_start3A_412 = tpu.memref_slice %arg4[%add3A_252] : memref<524288xi32, #tpu.memory_space<hbm>> -> memref<2048xi32, #tpu.memory_space<hbm>>
      %dma_start3A_413 = arith.constant 0 : i32
      %dma_start3A_414 = tpu.memref_slice %arg7[%run_scoped3A_253, %dma_start3A_413] : memref<2x2048xi32, #tpu.memory_space<vmem>> -> memref<1x2048xi32, #tpu.memory_space<vmem>>
      %dma_start3A_415 = tpu.memref_squeeze %dma_start3A_414 : memref<1x2048xi32, #tpu.memory_space<vmem>> -> memref<2048xi32, #tpu.memory_space<vmem>>
      %dma_start3A_416 = tpu.memref_slice %arg4[%add3A_252] : memref<524288xi32, #tpu.memory_space<hbm>> -> memref<2048xi32, #tpu.memory_space<hbm>>
      tpu.enqueue_dma source(%dma_start3A_416 : memref<2048xi32, #tpu.memory_space<hbm>>) target(%dma_start3A_415 : memref<2048xi32, #tpu.memory_space<vmem>>) target_semaphore(%run_scoped3A_408 : memref<!tpu.dma_semaphore, #tpu.memory_space<semaphore_mem>>)
      %dma_wait3A_417 = arith.constant 0 : i32
      %dma_wait3A_418 = tpu.memref_slice %arg7[%run_scoped3A_253, %dma_wait3A_417] : memref<2x2048xi32, #tpu.memory_space<vmem>> -> memref<1x2048xi32, #tpu.memory_space<vmem>>
      %dma_wait3A_419 = tpu.memref_squeeze %dma_wait3A_418 : memref<1x2048xi32, #tpu.memory_space<vmem>> -> memref<2048xi32, #tpu.memory_space<vmem>>
      %dma_wait3A_420 = tpu.memref_slice %arg4[%add3A_252] : memref<524288xi32, #tpu.memory_space<hbm>> -> memref<2048xi32, #tpu.memory_space<hbm>>
      %dma_wait3A_421 = arith.constant 0 : i32
      %dma_wait3A_422 = tpu.memref_slice %arg7[%run_scoped3A_253, %dma_wait3A_421] : memref<2x2048xi32, #tpu.memory_space<vmem>> -> memref<1x2048xi32, #tpu.memory_space<vmem>>
      %dma_wait3A_423 = tpu.memref_squeeze %dma_wait3A_422 : memref<1x2048xi32, #tpu.memory_space<vmem>> -> memref<2048xi32, #tpu.memory_space<vmem>>
      %dma_wait3A_424 = tpu.memref_slice %arg4[%add3A_252] : memref<524288xi32, #tpu.memory_space<hbm>> -> memref<2048xi32, #tpu.memory_space<hbm>>
      tpu.wait_dma2 semaphore(%run_scoped3A_408 : memref<!tpu.dma_semaphore, #tpu.memory_space<semaphore_mem>>) src(%dma_wait3A_424 : memref<2048xi32, #tpu.memory_space<hbm>>) dst(%dma_wait3A_423 : memref<2048xi32, #tpu.memory_space<vmem>>)
      tpu.yield
    }) : () -> ()
    %dma_start3A_254 = arith.constant 1 : i32
    %dma_start3A_255 = arith.constant 1 : i32
    %dma_start3A_256 = arith.constant 0 : i32
    %dma_start3A_257 = arith.constant 0 : i32
    %dma_start3A_258 = tpu.memref_slice %arg8[%dma_start3A_255, %dma_start3A_256, %dma_start3A_257] : memref<2x2048x16xf32, #tpu.memory_space<vmem>> -> memref<1x2048x16xf32, #tpu.memory_space<vmem>>
    %dma_start3A_259 = tpu.memref_squeeze %dma_start3A_258 : memref<1x2048x16xf32, #tpu.memory_space<vmem>> -> memref<2048x16xf32, #tpu.memory_space<vmem>>
    %dma_start3A_260 = arith.constant 0 : i32
    %dma_start3A_261 = tpu.memref_slice %arg7[%dma_start3A_254, %dma_start3A_260] : memref<2x2048xi32, #tpu.memory_space<vmem>> -> memref<1x2048xi32, #tpu.memory_space<vmem>>
    %dma_start3A_262 = tpu.memref_squeeze %dma_start3A_261 : memref<1x2048xi32, #tpu.memory_space<vmem>> -> memref<2048xi32, #tpu.memory_space<vmem>>
    %dma_start3A_263 = arith.constant 0 : i32
    %dma_start3A_264 = arith.constant 0 : i32
    %dma_start3A_265 = tpu.memref_slice %arg2[%dma_start3A_263, %dma_start3A_264] : memref<1015808x16xf32, #tpu.memory_space<hbm>> -> memref<1015808x16xf32, #tpu.memory_space<hbm>>
    tpu.enqueue_indirect_dma source(%dma_start3A_265 : memref<1015808x16xf32, #tpu.memory_space<hbm>>) target(%dma_start3A_259 : memref<2048x16xf32, #tpu.memory_space<vmem>>) offsets(%dma_start3A_262 : memref<2048xi32, #tpu.memory_space<vmem>>) semaphore(%arg10 : memref<!tpu.dma_semaphore, #tpu.memory_space<semaphore_mem>>)
    %dma_start3A_266 = arith.constant 1 : i32
    %dma_start3A_267 = arith.constant 1 : i32
    %dma_start3A_268 = arith.constant 0 : i32
    %dma_start3A_269 = tpu.memref_slice %arg9[%dma_start3A_267, %dma_start3A_268] : memref<2x2048xf32, #tpu.memory_space<vmem>> -> memref<1x2048xf32, #tpu.memory_space<vmem>>
    %dma_start3A_270 = tpu.memref_squeeze %dma_start3A_269 : memref<1x2048xf32, #tpu.memory_space<vmem>> -> memref<2048xf32, #tpu.memory_space<vmem>>
    %dma_start3A_271 = arith.constant 0 : i32
    %dma_start3A_272 = tpu.memref_slice %arg7[%dma_start3A_266, %dma_start3A_271] : memref<2x2048xi32, #tpu.memory_space<vmem>> -> memref<1x2048xi32, #tpu.memory_space<vmem>>
    %dma_start3A_273 = tpu.memref_squeeze %dma_start3A_272 : memref<1x2048xi32, #tpu.memory_space<vmem>> -> memref<2048xi32, #tpu.memory_space<vmem>>
    %dma_start3A_274 = arith.constant 0 : i32
    %dma_start3A_275 = tpu.memref_slice %arg3[%dma_start3A_274] : memref<1015808xf32, #tpu.memory_space<hbm>> -> memref<1015808xf32, #tpu.memory_space<hbm>>
    tpu.enqueue_indirect_dma source(%dma_start3A_275 : memref<1015808xf32, #tpu.memory_space<hbm>>) target(%dma_start3A_270 : memref<2048xf32, #tpu.memory_space<vmem>>) offsets(%dma_start3A_273 : memref<2048xi32, #tpu.memory_space<vmem>>) semaphore(%arg11 : memref<!tpu.dma_semaphore, #tpu.memory_space<semaphore_mem>>)
    %add3A_276 = arith.constant 8192 : i32
    %add3A_277 = arith.addi %mul3A_2, %add3A_276 : i32
    %run_scoped3A_278 = arith.constant 0 : i32
    "tpu.region"() ({
      %run_scoped3A_408 = tpu.sem_alloc : memref<!tpu.dma_semaphore, #tpu.memory_space<semaphore_mem>>
      %dma_start3A_409 = arith.constant 0 : i32
      %dma_start3A_410 = arith.constant 0 : i32
      %dma_start3A_411 = tpu.memref_slice %arg8[%run_scoped3A_278, %dma_start3A_409, %dma_start3A_410] : memref<2x2048x16xf32, #tpu.memory_space<vmem>> -> memref<1x2048x16xf32, #tpu.memory_space<vmem>>
      %dma_start3A_412 = tpu.memref_squeeze %dma_start3A_411 : memref<1x2048x16xf32, #tpu.memory_space<vmem>> -> memref<2048x16xf32, #tpu.memory_space<vmem>>
      %dma_start3A_413 = arith.constant 0 : i32
      %dma_start3A_414 = tpu.memref_slice %arg5[%add3A_277, %dma_start3A_413] : memref<524288x16xf32, #tpu.memory_space<hbm>> -> memref<2048x16xf32, #tpu.memory_space<hbm>>
      %dma_start3A_415 = arith.constant 0 : i32
      %dma_start3A_416 = tpu.memref_slice %arg5[%add3A_277, %dma_start3A_415] : memref<524288x16xf32, #tpu.memory_space<hbm>> -> memref<2048x16xf32, #tpu.memory_space<hbm>>
      %dma_start3A_417 = arith.constant 0 : i32
      %dma_start3A_418 = arith.constant 0 : i32
      %dma_start3A_419 = tpu.memref_slice %arg8[%run_scoped3A_278, %dma_start3A_417, %dma_start3A_418] : memref<2x2048x16xf32, #tpu.memory_space<vmem>> -> memref<1x2048x16xf32, #tpu.memory_space<vmem>>
      %dma_start3A_420 = tpu.memref_squeeze %dma_start3A_419 : memref<1x2048x16xf32, #tpu.memory_space<vmem>> -> memref<2048x16xf32, #tpu.memory_space<vmem>>
      tpu.enqueue_dma source(%dma_start3A_420 : memref<2048x16xf32, #tpu.memory_space<vmem>>) target(%dma_start3A_416 : memref<2048x16xf32, #tpu.memory_space<hbm>>) target_semaphore(%run_scoped3A_408 : memref<!tpu.dma_semaphore, #tpu.memory_space<semaphore_mem>>)
      %dma_wait3A_421 = arith.constant 0 : i32
      %dma_wait3A_422 = arith.constant 0 : i32
      %dma_wait3A_423 = tpu.memref_slice %arg8[%run_scoped3A_278, %dma_wait3A_421, %dma_wait3A_422] : memref<2x2048x16xf32, #tpu.memory_space<vmem>> -> memref<1x2048x16xf32, #tpu.memory_space<vmem>>
      %dma_wait3A_424 = tpu.memref_squeeze %dma_wait3A_423 : memref<1x2048x16xf32, #tpu.memory_space<vmem>> -> memref<2048x16xf32, #tpu.memory_space<vmem>>
      %dma_wait3A_425 = arith.constant 0 : i32
      %dma_wait3A_426 = tpu.memref_slice %arg5[%add3A_277, %dma_wait3A_425] : memref<524288x16xf32, #tpu.memory_space<hbm>> -> memref<2048x16xf32, #tpu.memory_space<hbm>>
      %dma_wait3A_427 = arith.constant 0 : i32
      %dma_wait3A_428 = tpu.memref_slice %arg5[%add3A_277, %dma_wait3A_427] : memref<524288x16xf32, #tpu.memory_space<hbm>> -> memref<2048x16xf32, #tpu.memory_space<hbm>>
      %dma_wait3A_429 = arith.constant 0 : i32
      %dma_wait3A_430 = arith.constant 0 : i32
      %dma_wait3A_431 = tpu.memref_slice %arg8[%run_scoped3A_278, %dma_wait3A_429, %dma_wait3A_430] : memref<2x2048x16xf32, #tpu.memory_space<vmem>> -> memref<1x2048x16xf32, #tpu.memory_space<vmem>>
      %dma_wait3A_432 = tpu.memref_squeeze %dma_wait3A_431 : memref<1x2048x16xf32, #tpu.memory_space<vmem>> -> memref<2048x16xf32, #tpu.memory_space<vmem>>
      tpu.wait_dma2 semaphore(%run_scoped3A_408 : memref<!tpu.dma_semaphore, #tpu.memory_space<semaphore_mem>>) src(%dma_wait3A_432 : memref<2048x16xf32, #tpu.memory_space<vmem>>) dst(%dma_wait3A_428 : memref<2048x16xf32, #tpu.memory_space<hbm>>)
      tpu.yield
    }) : () -> ()
    %run_scoped3A_279 = arith.constant 0 : i32
    "tpu.region"() ({
      %run_scoped3A_408 = tpu.sem_alloc : memref<!tpu.dma_semaphore, #tpu.memory_space<semaphore_mem>>
      %dma_start3A_409 = arith.constant 0 : i32
      %dma_start3A_410 = tpu.memref_slice %arg9[%run_scoped3A_279, %dma_start3A_409] : memref<2x2048xf32, #tpu.memory_space<vmem>> -> memref<1x2048xf32, #tpu.memory_space<vmem>>
      %dma_start3A_411 = tpu.memref_squeeze %dma_start3A_410 : memref<1x2048xf32, #tpu.memory_space<vmem>> -> memref<2048xf32, #tpu.memory_space<vmem>>
      %dma_start3A_412 = tpu.memref_slice %arg6[%add3A_277] : memref<524288xf32, #tpu.memory_space<hbm>> -> memref<2048xf32, #tpu.memory_space<hbm>>
      %dma_start3A_413 = tpu.memref_slice %arg6[%add3A_277] : memref<524288xf32, #tpu.memory_space<hbm>> -> memref<2048xf32, #tpu.memory_space<hbm>>
      %dma_start3A_414 = arith.constant 0 : i32
      %dma_start3A_415 = tpu.memref_slice %arg9[%run_scoped3A_279, %dma_start3A_414] : memref<2x2048xf32, #tpu.memory_space<vmem>> -> memref<1x2048xf32, #tpu.memory_space<vmem>>
      %dma_start3A_416 = tpu.memref_squeeze %dma_start3A_415 : memref<1x2048xf32, #tpu.memory_space<vmem>> -> memref<2048xf32, #tpu.memory_space<vmem>>
      tpu.enqueue_dma source(%dma_start3A_416 : memref<2048xf32, #tpu.memory_space<vmem>>) target(%dma_start3A_413 : memref<2048xf32, #tpu.memory_space<hbm>>) target_semaphore(%run_scoped3A_408 : memref<!tpu.dma_semaphore, #tpu.memory_space<semaphore_mem>>)
      %dma_wait3A_417 = arith.constant 0 : i32
      %dma_wait3A_418 = tpu.memref_slice %arg9[%run_scoped3A_279, %dma_wait3A_417] : memref<2x2048xf32, #tpu.memory_space<vmem>> -> memref<1x2048xf32, #tpu.memory_space<vmem>>
      %dma_wait3A_419 = tpu.memref_squeeze %dma_wait3A_418 : memref<1x2048xf32, #tpu.memory_space<vmem>> -> memref<2048xf32, #tpu.memory_space<vmem>>
      %dma_wait3A_420 = tpu.memref_slice %arg6[%add3A_277] : memref<524288xf32, #tpu.memory_space<hbm>> -> memref<2048xf32, #tpu.memory_space<hbm>>
      %dma_wait3A_421 = tpu.memref_slice %arg6[%add3A_277] : memref<524288xf32, #tpu.memory_space<hbm>> -> memref<2048xf32, #tpu.memory_space<hbm>>
      %dma_wait3A_422 = arith.constant 0 : i32
      %dma_wait3A_423 = tpu.memref_slice %arg9[%run_scoped3A_279, %dma_wait3A_422] : memref<2x2048xf32, #tpu.memory_space<vmem>> -> memref<1x2048xf32, #tpu.memory_space<vmem>>
      %dma_wait3A_424 = tpu.memref_squeeze %dma_wait3A_423 : memref<1x2048xf32, #tpu.memory_space<vmem>> -> memref<2048xf32, #tpu.memory_space<vmem>>
      tpu.wait_dma2 semaphore(%run_scoped3A_408 : memref<!tpu.dma_semaphore, #tpu.memory_space<semaphore_mem>>) src(%dma_wait3A_424 : memref<2048xf32, #tpu.memory_space<vmem>>) dst(%dma_wait3A_421 : memref<2048xf32, #tpu.memory_space<hbm>>)
      tpu.yield
    }) : () -> ()
    %dma_wait3A_280 = arith.constant 1 : i32
    %dma_wait3A_281 = arith.constant 1 : i32
    %dma_wait3A_282 = arith.constant 0 : i32
    %dma_wait3A_283 = arith.constant 0 : i32
    %dma_wait3A_284 = tpu.memref_slice %arg8[%dma_wait3A_281, %dma_wait3A_282, %dma_wait3A_283] : memref<2x2048x16xf32, #tpu.memory_space<vmem>> -> memref<1x2048x16xf32, #tpu.memory_space<vmem>>
    %dma_wait3A_285 = tpu.memref_squeeze %dma_wait3A_284 : memref<1x2048x16xf32, #tpu.memory_space<vmem>> -> memref<2048x16xf32, #tpu.memory_space<vmem>>
    %dma_wait3A_286 = arith.constant 0 : i32
    %dma_wait3A_287 = tpu.memref_slice %arg7[%dma_wait3A_280, %dma_wait3A_286] : memref<2x2048xi32, #tpu.memory_space<vmem>> -> memref<1x2048xi32, #tpu.memory_space<vmem>>
    %dma_wait3A_288 = tpu.memref_squeeze %dma_wait3A_287 : memref<1x2048xi32, #tpu.memory_space<vmem>> -> memref<2048xi32, #tpu.memory_space<vmem>>
    %dma_wait3A_289 = arith.constant 0 : i32
    %dma_wait3A_290 = arith.constant 0 : i32
    %dma_wait3A_291 = tpu.memref_slice %arg2[%dma_wait3A_289, %dma_wait3A_290] : memref<1015808x16xf32, #tpu.memory_space<hbm>> -> memref<1015808x16xf32, #tpu.memory_space<hbm>>
    tpu.wait_indirect_dma semaphore(%arg10 : memref<!tpu.dma_semaphore, #tpu.memory_space<semaphore_mem>>) src(%dma_wait3A_291 : memref<1015808x16xf32, #tpu.memory_space<hbm>>) dst(%dma_wait3A_285 : memref<2048x16xf32, #tpu.memory_space<vmem>>)
    %dma_wait3A_292 = arith.constant 1 : i32
    %dma_wait3A_293 = arith.constant 1 : i32
    %dma_wait3A_294 = arith.constant 0 : i32
    %dma_wait3A_295 = tpu.memref_slice %arg9[%dma_wait3A_293, %dma_wait3A_294] : memref<2x2048xf32, #tpu.memory_space<vmem>> -> memref<1x2048xf32, #tpu.memory_space<vmem>>
    %dma_wait3A_296 = tpu.memref_squeeze %dma_wait3A_295 : memref<1x2048xf32, #tpu.memory_space<vmem>> -> memref<2048xf32, #tpu.memory_space<vmem>>
    %dma_wait3A_297 = arith.constant 0 : i32
    %dma_wait3A_298 = tpu.memref_slice %arg7[%dma_wait3A_292, %dma_wait3A_297] : memref<2x2048xi32, #tpu.memory_space<vmem>> -> memref<1x2048xi32, #tpu.memory_space<vmem>>
    %dma_wait3A_299 = tpu.memref_squeeze %dma_wait3A_298 : memref<1x2048xi32, #tpu.memory_space<vmem>> -> memref<2048xi32, #tpu.memory_space<vmem>>
    %dma_wait3A_300 = arith.constant 0 : i32
    %dma_wait3A_301 = tpu.memref_slice %arg3[%dma_wait3A_300] : memref<1015808xf32, #tpu.memory_space<hbm>> -> memref<1015808xf32, #tpu.memory_space<hbm>>
    tpu.wait_indirect_dma semaphore(%arg11 : memref<!tpu.dma_semaphore, #tpu.memory_space<semaphore_mem>>) src(%dma_wait3A_301 : memref<1015808xf32, #tpu.memory_space<hbm>>) dst(%dma_wait3A_296 : memref<2048xf32, #tpu.memory_space<vmem>>)
    %add3A_302 = arith.constant 12288 : i32
    %add3A_303 = arith.addi %mul3A_2, %add3A_302 : i32
    %run_scoped3A_304 = arith.constant 0 : i32
    "tpu.region"() ({
      %run_scoped3A_408 = tpu.sem_alloc : memref<!tpu.dma_semaphore, #tpu.memory_space<semaphore_mem>>
      %dma_start3A_409 = arith.constant 0 : i32
      %dma_start3A_410 = tpu.memref_slice %arg7[%run_scoped3A_304, %dma_start3A_409] : memref<2x2048xi32, #tpu.memory_space<vmem>> -> memref<1x2048xi32, #tpu.memory_space<vmem>>
      %dma_start3A_411 = tpu.memref_squeeze %dma_start3A_410 : memref<1x2048xi32, #tpu.memory_space<vmem>> -> memref<2048xi32, #tpu.memory_space<vmem>>
      %dma_start3A_412 = tpu.memref_slice %arg4[%add3A_303] : memref<524288xi32, #tpu.memory_space<hbm>> -> memref<2048xi32, #tpu.memory_space<hbm>>
      %dma_start3A_413 = arith.constant 0 : i32
      %dma_start3A_414 = tpu.memref_slice %arg7[%run_scoped3A_304, %dma_start3A_413] : memref<2x2048xi32, #tpu.memory_space<vmem>> -> memref<1x2048xi32, #tpu.memory_space<vmem>>
      %dma_start3A_415 = tpu.memref_squeeze %dma_start3A_414 : memref<1x2048xi32, #tpu.memory_space<vmem>> -> memref<2048xi32, #tpu.memory_space<vmem>>
      %dma_start3A_416 = tpu.memref_slice %arg4[%add3A_303] : memref<524288xi32, #tpu.memory_space<hbm>> -> memref<2048xi32, #tpu.memory_space<hbm>>
      tpu.enqueue_dma source(%dma_start3A_416 : memref<2048xi32, #tpu.memory_space<hbm>>) target(%dma_start3A_415 : memref<2048xi32, #tpu.memory_space<vmem>>) target_semaphore(%run_scoped3A_408 : memref<!tpu.dma_semaphore, #tpu.memory_space<semaphore_mem>>)
      %dma_wait3A_417 = arith.constant 0 : i32
      %dma_wait3A_418 = tpu.memref_slice %arg7[%run_scoped3A_304, %dma_wait3A_417] : memref<2x2048xi32, #tpu.memory_space<vmem>> -> memref<1x2048xi32, #tpu.memory_space<vmem>>
      %dma_wait3A_419 = tpu.memref_squeeze %dma_wait3A_418 : memref<1x2048xi32, #tpu.memory_space<vmem>> -> memref<2048xi32, #tpu.memory_space<vmem>>
      %dma_wait3A_420 = tpu.memref_slice %arg4[%add3A_303] : memref<524288xi32, #tpu.memory_space<hbm>> -> memref<2048xi32, #tpu.memory_space<hbm>>
      %dma_wait3A_421 = arith.constant 0 : i32
      %dma_wait3A_422 = tpu.memref_slice %arg7[%run_scoped3A_304, %dma_wait3A_421] : memref<2x2048xi32, #tpu.memory_space<vmem>> -> memref<1x2048xi32, #tpu.memory_space<vmem>>
      %dma_wait3A_423 = tpu.memref_squeeze %dma_wait3A_422 : memref<1x2048xi32, #tpu.memory_space<vmem>> -> memref<2048xi32, #tpu.memory_space<vmem>>
      %dma_wait3A_424 = tpu.memref_slice %arg4[%add3A_303] : memref<524288xi32, #tpu.memory_space<hbm>> -> memref<2048xi32, #tpu.memory_space<hbm>>
      tpu.wait_dma2 semaphore(%run_scoped3A_408 : memref<!tpu.dma_semaphore, #tpu.memory_space<semaphore_mem>>) src(%dma_wait3A_424 : memref<2048xi32, #tpu.memory_space<hbm>>) dst(%dma_wait3A_423 : memref<2048xi32, #tpu.memory_space<vmem>>)
      tpu.yield
    }) : () -> ()
    %dma_start3A_305 = arith.constant 0 : i32
    %dma_start3A_306 = arith.constant 0 : i32
    %dma_start3A_307 = arith.constant 0 : i32
    %dma_start3A_308 = arith.constant 0 : i32
    %dma_start3A_309 = tpu.memref_slice %arg8[%dma_start3A_306, %dma_start3A_307, %dma_start3A_308] : memref<2x2048x16xf32, #tpu.memory_space<vmem>> -> memref<1x2048x16xf32, #tpu.memory_space<vmem>>
    %dma_start3A_310 = tpu.memref_squeeze %dma_start3A_309 : memref<1x2048x16xf32, #tpu.memory_space<vmem>> -> memref<2048x16xf32, #tpu.memory_space<vmem>>
    %dma_start3A_311 = arith.constant 0 : i32
    %dma_start3A_312 = tpu.memref_slice %arg7[%dma_start3A_305, %dma_start3A_311] : memref<2x2048xi32, #tpu.memory_space<vmem>> -> memref<1x2048xi32, #tpu.memory_space<vmem>>
    %dma_start3A_313 = tpu.memref_squeeze %dma_start3A_312 : memref<1x2048xi32, #tpu.memory_space<vmem>> -> memref<2048xi32, #tpu.memory_space<vmem>>
    %dma_start3A_314 = arith.constant 0 : i32
    %dma_start3A_315 = arith.constant 0 : i32
    %dma_start3A_316 = tpu.memref_slice %arg2[%dma_start3A_314, %dma_start3A_315] : memref<1015808x16xf32, #tpu.memory_space<hbm>> -> memref<1015808x16xf32, #tpu.memory_space<hbm>>
    tpu.enqueue_indirect_dma source(%dma_start3A_316 : memref<1015808x16xf32, #tpu.memory_space<hbm>>) target(%dma_start3A_310 : memref<2048x16xf32, #tpu.memory_space<vmem>>) offsets(%dma_start3A_313 : memref<2048xi32, #tpu.memory_space<vmem>>) semaphore(%arg10 : memref<!tpu.dma_semaphore, #tpu.memory_space<semaphore_mem>>)
    %dma_start3A_317 = arith.constant 0 : i32
    %dma_start3A_318 = arith.constant 0 : i32
    %dma_start3A_319 = arith.constant 0 : i32
    %dma_start3A_320 = tpu.memref_slice %arg9[%dma_start3A_318, %dma_start3A_319] : memref<2x2048xf32, #tpu.memory_space<vmem>> -> memref<1x2048xf32, #tpu.memory_space<vmem>>
    %dma_start3A_321 = tpu.memref_squeeze %dma_start3A_320 : memref<1x2048xf32, #tpu.memory_space<vmem>> -> memref<2048xf32, #tpu.memory_space<vmem>>
    %dma_start3A_322 = arith.constant 0 : i32
    %dma_start3A_323 = tpu.memref_slice %arg7[%dma_start3A_317, %dma_start3A_322] : memref<2x2048xi32, #tpu.memory_space<vmem>> -> memref<1x2048xi32, #tpu.memory_space<vmem>>
    %dma_start3A_324 = tpu.memref_squeeze %dma_start3A_323 : memref<1x2048xi32, #tpu.memory_space<vmem>> -> memref<2048xi32, #tpu.memory_space<vmem>>
    %dma_start3A_325 = arith.constant 0 : i32
    %dma_start3A_326 = tpu.memref_slice %arg3[%dma_start3A_325] : memref<1015808xf32, #tpu.memory_space<hbm>> -> memref<1015808xf32, #tpu.memory_space<hbm>>
    tpu.enqueue_indirect_dma source(%dma_start3A_326 : memref<1015808xf32, #tpu.memory_space<hbm>>) target(%dma_start3A_321 : memref<2048xf32, #tpu.memory_space<vmem>>) offsets(%dma_start3A_324 : memref<2048xi32, #tpu.memory_space<vmem>>) semaphore(%arg11 : memref<!tpu.dma_semaphore, #tpu.memory_space<semaphore_mem>>)
    %add3A_327 = arith.constant 10240 : i32
    %add3A_328 = arith.addi %mul3A_2, %add3A_327 : i32
    %run_scoped3A_329 = arith.constant 1 : i32
    "tpu.region"() ({
      %run_scoped3A_408 = tpu.sem_alloc : memref<!tpu.dma_semaphore, #tpu.memory_space<semaphore_mem>>
      %dma_start3A_409 = arith.constant 0 : i32
      %dma_start3A_410 = arith.constant 0 : i32
      %dma_start3A_411 = tpu.memref_slice %arg8[%run_scoped3A_329, %dma_start3A_409, %dma_start3A_410] : memref<2x2048x16xf32, #tpu.memory_space<vmem>> -> memref<1x2048x16xf32, #tpu.memory_space<vmem>>
      %dma_start3A_412 = tpu.memref_squeeze %dma_start3A_411 : memref<1x2048x16xf32, #tpu.memory_space<vmem>> -> memref<2048x16xf32, #tpu.memory_space<vmem>>
      %dma_start3A_413 = arith.constant 0 : i32
      %dma_start3A_414 = tpu.memref_slice %arg5[%add3A_328, %dma_start3A_413] : memref<524288x16xf32, #tpu.memory_space<hbm>> -> memref<2048x16xf32, #tpu.memory_space<hbm>>
      %dma_start3A_415 = arith.constant 0 : i32
      %dma_start3A_416 = tpu.memref_slice %arg5[%add3A_328, %dma_start3A_415] : memref<524288x16xf32, #tpu.memory_space<hbm>> -> memref<2048x16xf32, #tpu.memory_space<hbm>>
      %dma_start3A_417 = arith.constant 0 : i32
      %dma_start3A_418 = arith.constant 0 : i32
      %dma_start3A_419 = tpu.memref_slice %arg8[%run_scoped3A_329, %dma_start3A_417, %dma_start3A_418] : memref<2x2048x16xf32, #tpu.memory_space<vmem>> -> memref<1x2048x16xf32, #tpu.memory_space<vmem>>
      %dma_start3A_420 = tpu.memref_squeeze %dma_start3A_419 : memref<1x2048x16xf32, #tpu.memory_space<vmem>> -> memref<2048x16xf32, #tpu.memory_space<vmem>>
      tpu.enqueue_dma source(%dma_start3A_420 : memref<2048x16xf32, #tpu.memory_space<vmem>>) target(%dma_start3A_416 : memref<2048x16xf32, #tpu.memory_space<hbm>>) target_semaphore(%run_scoped3A_408 : memref<!tpu.dma_semaphore, #tpu.memory_space<semaphore_mem>>)
      %dma_wait3A_421 = arith.constant 0 : i32
      %dma_wait3A_422 = arith.constant 0 : i32
      %dma_wait3A_423 = tpu.memref_slice %arg8[%run_scoped3A_329, %dma_wait3A_421, %dma_wait3A_422] : memref<2x2048x16xf32, #tpu.memory_space<vmem>> -> memref<1x2048x16xf32, #tpu.memory_space<vmem>>
      %dma_wait3A_424 = tpu.memref_squeeze %dma_wait3A_423 : memref<1x2048x16xf32, #tpu.memory_space<vmem>> -> memref<2048x16xf32, #tpu.memory_space<vmem>>
      %dma_wait3A_425 = arith.constant 0 : i32
      %dma_wait3A_426 = tpu.memref_slice %arg5[%add3A_328, %dma_wait3A_425] : memref<524288x16xf32, #tpu.memory_space<hbm>> -> memref<2048x16xf32, #tpu.memory_space<hbm>>
      %dma_wait3A_427 = arith.constant 0 : i32
      %dma_wait3A_428 = tpu.memref_slice %arg5[%add3A_328, %dma_wait3A_427] : memref<524288x16xf32, #tpu.memory_space<hbm>> -> memref<2048x16xf32, #tpu.memory_space<hbm>>
      %dma_wait3A_429 = arith.constant 0 : i32
      %dma_wait3A_430 = arith.constant 0 : i32
      %dma_wait3A_431 = tpu.memref_slice %arg8[%run_scoped3A_329, %dma_wait3A_429, %dma_wait3A_430] : memref<2x2048x16xf32, #tpu.memory_space<vmem>> -> memref<1x2048x16xf32, #tpu.memory_space<vmem>>
      %dma_wait3A_432 = tpu.memref_squeeze %dma_wait3A_431 : memref<1x2048x16xf32, #tpu.memory_space<vmem>> -> memref<2048x16xf32, #tpu.memory_space<vmem>>
      tpu.wait_dma2 semaphore(%run_scoped3A_408 : memref<!tpu.dma_semaphore, #tpu.memory_space<semaphore_mem>>) src(%dma_wait3A_432 : memref<2048x16xf32, #tpu.memory_space<vmem>>) dst(%dma_wait3A_428 : memref<2048x16xf32, #tpu.memory_space<hbm>>)
      tpu.yield
    }) : () -> ()
    %run_scoped3A_330 = arith.constant 1 : i32
    "tpu.region"() ({
      %run_scoped3A_408 = tpu.sem_alloc : memref<!tpu.dma_semaphore, #tpu.memory_space<semaphore_mem>>
      %dma_start3A_409 = arith.constant 0 : i32
      %dma_start3A_410 = tpu.memref_slice %arg9[%run_scoped3A_330, %dma_start3A_409] : memref<2x2048xf32, #tpu.memory_space<vmem>> -> memref<1x2048xf32, #tpu.memory_space<vmem>>
      %dma_start3A_411 = tpu.memref_squeeze %dma_start3A_410 : memref<1x2048xf32, #tpu.memory_space<vmem>> -> memref<2048xf32, #tpu.memory_space<vmem>>
      %dma_start3A_412 = tpu.memref_slice %arg6[%add3A_328] : memref<524288xf32, #tpu.memory_space<hbm>> -> memref<2048xf32, #tpu.memory_space<hbm>>
      %dma_start3A_413 = tpu.memref_slice %arg6[%add3A_328] : memref<524288xf32, #tpu.memory_space<hbm>> -> memref<2048xf32, #tpu.memory_space<hbm>>
      %dma_start3A_414 = arith.constant 0 : i32
      %dma_start3A_415 = tpu.memref_slice %arg9[%run_scoped3A_330, %dma_start3A_414] : memref<2x2048xf32, #tpu.memory_space<vmem>> -> memref<1x2048xf32, #tpu.memory_space<vmem>>
      %dma_start3A_416 = tpu.memref_squeeze %dma_start3A_415 : memref<1x2048xf32, #tpu.memory_space<vmem>> -> memref<2048xf32, #tpu.memory_space<vmem>>
      tpu.enqueue_dma source(%dma_start3A_416 : memref<2048xf32, #tpu.memory_space<vmem>>) target(%dma_start3A_413 : memref<2048xf32, #tpu.memory_space<hbm>>) target_semaphore(%run_scoped3A_408 : memref<!tpu.dma_semaphore, #tpu.memory_space<semaphore_mem>>)
      %dma_wait3A_417 = arith.constant 0 : i32
      %dma_wait3A_418 = tpu.memref_slice %arg9[%run_scoped3A_330, %dma_wait3A_417] : memref<2x2048xf32, #tpu.memory_space<vmem>> -> memref<1x2048xf32, #tpu.memory_space<vmem>>
      %dma_wait3A_419 = tpu.memref_squeeze %dma_wait3A_418 : memref<1x2048xf32, #tpu.memory_space<vmem>> -> memref<2048xf32, #tpu.memory_space<vmem>>
      %dma_wait3A_420 = tpu.memref_slice %arg6[%add3A_328] : memref<524288xf32, #tpu.memory_space<hbm>> -> memref<2048xf32, #tpu.memory_space<hbm>>
      %dma_wait3A_421 = tpu.memref_slice %arg6[%add3A_328] : memref<524288xf32, #tpu.memory_space<hbm>> -> memref<2048xf32, #tpu.memory_space<hbm>>
      %dma_wait3A_422 = arith.constant 0 : i32
      %dma_wait3A_423 = tpu.memref_slice %arg9[%run_scoped3A_330, %dma_wait3A_422] : memref<2x2048xf32, #tpu.memory_space<vmem>> -> memref<1x2048xf32, #tpu.memory_space<vmem>>
      %dma_wait3A_424 = tpu.memref_squeeze %dma_wait3A_423 : memref<1x2048xf32, #tpu.memory_space<vmem>> -> memref<2048xf32, #tpu.memory_space<vmem>>
      tpu.wait_dma2 semaphore(%run_scoped3A_408 : memref<!tpu.dma_semaphore, #tpu.memory_space<semaphore_mem>>) src(%dma_wait3A_424 : memref<2048xf32, #tpu.memory_space<vmem>>) dst(%dma_wait3A_421 : memref<2048xf32, #tpu.memory_space<hbm>>)
      tpu.yield
    }) : () -> ()
    %dma_wait3A_331 = arith.constant 0 : i32
    %dma_wait3A_332 = arith.constant 0 : i32
    %dma_wait3A_333 = arith.constant 0 : i32
    %dma_wait3A_334 = arith.constant 0 : i32
    %dma_wait3A_335 = tpu.memref_slice %arg8[%dma_wait3A_332, %dma_wait3A_333, %dma_wait3A_334] : memref<2x2048x16xf32, #tpu.memory_space<vmem>> -> memref<1x2048x16xf32, #tpu.memory_space<vmem>>
    %dma_wait3A_336 = tpu.memref_squeeze %dma_wait3A_335 : memref<1x2048x16xf32, #tpu.memory_space<vmem>> -> memref<2048x16xf32, #tpu.memory_space<vmem>>
    %dma_wait3A_337 = arith.constant 0 : i32
    %dma_wait3A_338 = tpu.memref_slice %arg7[%dma_wait3A_331, %dma_wait3A_337] : memref<2x2048xi32, #tpu.memory_space<vmem>> -> memref<1x2048xi32, #tpu.memory_space<vmem>>
    %dma_wait3A_339 = tpu.memref_squeeze %dma_wait3A_338 : memref<1x2048xi32, #tpu.memory_space<vmem>> -> memref<2048xi32, #tpu.memory_space<vmem>>
    %dma_wait3A_340 = arith.constant 0 : i32
    %dma_wait3A_341 = arith.constant 0 : i32
    %dma_wait3A_342 = tpu.memref_slice %arg2[%dma_wait3A_340, %dma_wait3A_341] : memref<1015808x16xf32, #tpu.memory_space<hbm>> -> memref<1015808x16xf32, #tpu.memory_space<hbm>>
    tpu.wait_indirect_dma semaphore(%arg10 : memref<!tpu.dma_semaphore, #tpu.memory_space<semaphore_mem>>) src(%dma_wait3A_342 : memref<1015808x16xf32, #tpu.memory_space<hbm>>) dst(%dma_wait3A_336 : memref<2048x16xf32, #tpu.memory_space<vmem>>)
    %dma_wait3A_343 = arith.constant 0 : i32
    %dma_wait3A_344 = arith.constant 0 : i32
    %dma_wait3A_345 = arith.constant 0 : i32
    %dma_wait3A_346 = tpu.memref_slice %arg9[%dma_wait3A_344, %dma_wait3A_345] : memref<2x2048xf32, #tpu.memory_space<vmem>> -> memref<1x2048xf32, #tpu.memory_space<vmem>>
    %dma_wait3A_347 = tpu.memref_squeeze %dma_wait3A_346 : memref<1x2048xf32, #tpu.memory_space<vmem>> -> memref<2048xf32, #tpu.memory_space<vmem>>
    %dma_wait3A_348 = arith.constant 0 : i32
    %dma_wait3A_349 = tpu.memref_slice %arg7[%dma_wait3A_343, %dma_wait3A_348] : memref<2x2048xi32, #tpu.memory_space<vmem>> -> memref<1x2048xi32, #tpu.memory_space<vmem>>
    %dma_wait3A_350 = tpu.memref_squeeze %dma_wait3A_349 : memref<1x2048xi32, #tpu.memory_space<vmem>> -> memref<2048xi32, #tpu.memory_space<vmem>>
    %dma_wait3A_351 = arith.constant 0 : i32
    %dma_wait3A_352 = tpu.memref_slice %arg3[%dma_wait3A_351] : memref<1015808xf32, #tpu.memory_space<hbm>> -> memref<1015808xf32, #tpu.memory_space<hbm>>
    tpu.wait_indirect_dma semaphore(%arg11 : memref<!tpu.dma_semaphore, #tpu.memory_space<semaphore_mem>>) src(%dma_wait3A_352 : memref<1015808xf32, #tpu.memory_space<hbm>>) dst(%dma_wait3A_347 : memref<2048xf32, #tpu.memory_space<vmem>>)
    %add3A_353 = arith.constant 14336 : i32
    %add3A_354 = arith.addi %mul3A_2, %add3A_353 : i32
    %run_scoped3A_355 = arith.constant 1 : i32
    "tpu.region"() ({
      %run_scoped3A_408 = tpu.sem_alloc : memref<!tpu.dma_semaphore, #tpu.memory_space<semaphore_mem>>
      %dma_start3A_409 = arith.constant 0 : i32
      %dma_start3A_410 = tpu.memref_slice %arg7[%run_scoped3A_355, %dma_start3A_409] : memref<2x2048xi32, #tpu.memory_space<vmem>> -> memref<1x2048xi32, #tpu.memory_space<vmem>>
      %dma_start3A_411 = tpu.memref_squeeze %dma_start3A_410 : memref<1x2048xi32, #tpu.memory_space<vmem>> -> memref<2048xi32, #tpu.memory_space<vmem>>
      %dma_start3A_412 = tpu.memref_slice %arg4[%add3A_354] : memref<524288xi32, #tpu.memory_space<hbm>> -> memref<2048xi32, #tpu.memory_space<hbm>>
      %dma_start3A_413 = arith.constant 0 : i32
      %dma_start3A_414 = tpu.memref_slice %arg7[%run_scoped3A_355, %dma_start3A_413] : memref<2x2048xi32, #tpu.memory_space<vmem>> -> memref<1x2048xi32, #tpu.memory_space<vmem>>
      %dma_start3A_415 = tpu.memref_squeeze %dma_start3A_414 : memref<1x2048xi32, #tpu.memory_space<vmem>> -> memref<2048xi32, #tpu.memory_space<vmem>>
      %dma_start3A_416 = tpu.memref_slice %arg4[%add3A_354] : memref<524288xi32, #tpu.memory_space<hbm>> -> memref<2048xi32, #tpu.memory_space<hbm>>
      tpu.enqueue_dma source(%dma_start3A_416 : memref<2048xi32, #tpu.memory_space<hbm>>) target(%dma_start3A_415 : memref<2048xi32, #tpu.memory_space<vmem>>) target_semaphore(%run_scoped3A_408 : memref<!tpu.dma_semaphore, #tpu.memory_space<semaphore_mem>>)
      %dma_wait3A_417 = arith.constant 0 : i32
      %dma_wait3A_418 = tpu.memref_slice %arg7[%run_scoped3A_355, %dma_wait3A_417] : memref<2x2048xi32, #tpu.memory_space<vmem>> -> memref<1x2048xi32, #tpu.memory_space<vmem>>
      %dma_wait3A_419 = tpu.memref_squeeze %dma_wait3A_418 : memref<1x2048xi32, #tpu.memory_space<vmem>> -> memref<2048xi32, #tpu.memory_space<vmem>>
      %dma_wait3A_420 = tpu.memref_slice %arg4[%add3A_354] : memref<524288xi32, #tpu.memory_space<hbm>> -> memref<2048xi32, #tpu.memory_space<hbm>>
      %dma_wait3A_421 = arith.constant 0 : i32
      %dma_wait3A_422 = tpu.memref_slice %arg7[%run_scoped3A_355, %dma_wait3A_421] : memref<2x2048xi32, #tpu.memory_space<vmem>> -> memref<1x2048xi32, #tpu.memory_space<vmem>>
      %dma_wait3A_423 = tpu.memref_squeeze %dma_wait3A_422 : memref<1x2048xi32, #tpu.memory_space<vmem>> -> memref<2048xi32, #tpu.memory_space<vmem>>
      %dma_wait3A_424 = tpu.memref_slice %arg4[%add3A_354] : memref<524288xi32, #tpu.memory_space<hbm>> -> memref<2048xi32, #tpu.memory_space<hbm>>
      tpu.wait_dma2 semaphore(%run_scoped3A_408 : memref<!tpu.dma_semaphore, #tpu.memory_space<semaphore_mem>>) src(%dma_wait3A_424 : memref<2048xi32, #tpu.memory_space<hbm>>) dst(%dma_wait3A_423 : memref<2048xi32, #tpu.memory_space<vmem>>)
      tpu.yield
    }) : () -> ()
    %dma_start3A_356 = arith.constant 1 : i32
    %dma_start3A_357 = arith.constant 1 : i32
    %dma_start3A_358 = arith.constant 0 : i32
    %dma_start3A_359 = arith.constant 0 : i32
    %dma_start3A_360 = tpu.memref_slice %arg8[%dma_start3A_357, %dma_start3A_358, %dma_start3A_359] : memref<2x2048x16xf32, #tpu.memory_space<vmem>> -> memref<1x2048x16xf32, #tpu.memory_space<vmem>>
    %dma_start3A_361 = tpu.memref_squeeze %dma_start3A_360 : memref<1x2048x16xf32, #tpu.memory_space<vmem>> -> memref<2048x16xf32, #tpu.memory_space<vmem>>
    %dma_start3A_362 = arith.constant 0 : i32
    %dma_start3A_363 = tpu.memref_slice %arg7[%dma_start3A_356, %dma_start3A_362] : memref<2x2048xi32, #tpu.memory_space<vmem>> -> memref<1x2048xi32, #tpu.memory_space<vmem>>
    %dma_start3A_364 = tpu.memref_squeeze %dma_start3A_363 : memref<1x2048xi32, #tpu.memory_space<vmem>> -> memref<2048xi32, #tpu.memory_space<vmem>>
    %dma_start3A_365 = arith.constant 0 : i32
    %dma_start3A_366 = arith.constant 0 : i32
    %dma_start3A_367 = tpu.memref_slice %arg2[%dma_start3A_365, %dma_start3A_366] : memref<1015808x16xf32, #tpu.memory_space<hbm>> -> memref<1015808x16xf32, #tpu.memory_space<hbm>>
    tpu.enqueue_indirect_dma source(%dma_start3A_367 : memref<1015808x16xf32, #tpu.memory_space<hbm>>) target(%dma_start3A_361 : memref<2048x16xf32, #tpu.memory_space<vmem>>) offsets(%dma_start3A_364 : memref<2048xi32, #tpu.memory_space<vmem>>) semaphore(%arg10 : memref<!tpu.dma_semaphore, #tpu.memory_space<semaphore_mem>>)
    %dma_start3A_368 = arith.constant 1 : i32
    %dma_start3A_369 = arith.constant 1 : i32
    %dma_start3A_370 = arith.constant 0 : i32
    %dma_start3A_371 = tpu.memref_slice %arg9[%dma_start3A_369, %dma_start3A_370] : memref<2x2048xf32, #tpu.memory_space<vmem>> -> memref<1x2048xf32, #tpu.memory_space<vmem>>
    %dma_start3A_372 = tpu.memref_squeeze %dma_start3A_371 : memref<1x2048xf32, #tpu.memory_space<vmem>> -> memref<2048xf32, #tpu.memory_space<vmem>>
    %dma_start3A_373 = arith.constant 0 : i32
    %dma_start3A_374 = tpu.memref_slice %arg7[%dma_start3A_368, %dma_start3A_373] : memref<2x2048xi32, #tpu.memory_space<vmem>> -> memref<1x2048xi32, #tpu.memory_space<vmem>>
    %dma_start3A_375 = tpu.memref_squeeze %dma_start3A_374 : memref<1x2048xi32, #tpu.memory_space<vmem>> -> memref<2048xi32, #tpu.memory_space<vmem>>
    %dma_start3A_376 = arith.constant 0 : i32
    %dma_start3A_377 = tpu.memref_slice %arg3[%dma_start3A_376] : memref<1015808xf32, #tpu.memory_space<hbm>> -> memref<1015808xf32, #tpu.memory_space<hbm>>
    tpu.enqueue_indirect_dma source(%dma_start3A_377 : memref<1015808xf32, #tpu.memory_space<hbm>>) target(%dma_start3A_372 : memref<2048xf32, #tpu.memory_space<vmem>>) offsets(%dma_start3A_375 : memref<2048xi32, #tpu.memory_space<vmem>>) semaphore(%arg11 : memref<!tpu.dma_semaphore, #tpu.memory_space<semaphore_mem>>)
    %add3A_378 = arith.constant 12288 : i32
    %add3A_379 = arith.addi %mul3A_2, %add3A_378 : i32
    %run_scoped3A_380 = arith.constant 0 : i32
    "tpu.region"() ({
      %run_scoped3A_408 = tpu.sem_alloc : memref<!tpu.dma_semaphore, #tpu.memory_space<semaphore_mem>>
      %dma_start3A_409 = arith.constant 0 : i32
      %dma_start3A_410 = arith.constant 0 : i32
      %dma_start3A_411 = tpu.memref_slice %arg8[%run_scoped3A_380, %dma_start3A_409, %dma_start3A_410] : memref<2x2048x16xf32, #tpu.memory_space<vmem>> -> memref<1x2048x16xf32, #tpu.memory_space<vmem>>
      %dma_start3A_412 = tpu.memref_squeeze %dma_start3A_411 : memref<1x2048x16xf32, #tpu.memory_space<vmem>> -> memref<2048x16xf32, #tpu.memory_space<vmem>>
      %dma_start3A_413 = arith.constant 0 : i32
      %dma_start3A_414 = tpu.memref_slice %arg5[%add3A_379, %dma_start3A_413] : memref<524288x16xf32, #tpu.memory_space<hbm>> -> memref<2048x16xf32, #tpu.memory_space<hbm>>
      %dma_start3A_415 = arith.constant 0 : i32
      %dma_start3A_416 = tpu.memref_slice %arg5[%add3A_379, %dma_start3A_415] : memref<524288x16xf32, #tpu.memory_space<hbm>> -> memref<2048x16xf32, #tpu.memory_space<hbm>>
      %dma_start3A_417 = arith.constant 0 : i32
      %dma_start3A_418 = arith.constant 0 : i32
      %dma_start3A_419 = tpu.memref_slice %arg8[%run_scoped3A_380, %dma_start3A_417, %dma_start3A_418] : memref<2x2048x16xf32, #tpu.memory_space<vmem>> -> memref<1x2048x16xf32, #tpu.memory_space<vmem>>
      %dma_start3A_420 = tpu.memref_squeeze %dma_start3A_419 : memref<1x2048x16xf32, #tpu.memory_space<vmem>> -> memref<2048x16xf32, #tpu.memory_space<vmem>>
      tpu.enqueue_dma source(%dma_start3A_420 : memref<2048x16xf32, #tpu.memory_space<vmem>>) target(%dma_start3A_416 : memref<2048x16xf32, #tpu.memory_space<hbm>>) target_semaphore(%run_scoped3A_408 : memref<!tpu.dma_semaphore, #tpu.memory_space<semaphore_mem>>)
      %dma_wait3A_421 = arith.constant 0 : i32
      %dma_wait3A_422 = arith.constant 0 : i32
      %dma_wait3A_423 = tpu.memref_slice %arg8[%run_scoped3A_380, %dma_wait3A_421, %dma_wait3A_422] : memref<2x2048x16xf32, #tpu.memory_space<vmem>> -> memref<1x2048x16xf32, #tpu.memory_space<vmem>>
      %dma_wait3A_424 = tpu.memref_squeeze %dma_wait3A_423 : memref<1x2048x16xf32, #tpu.memory_space<vmem>> -> memref<2048x16xf32, #tpu.memory_space<vmem>>
      %dma_wait3A_425 = arith.constant 0 : i32
      %dma_wait3A_426 = tpu.memref_slice %arg5[%add3A_379, %dma_wait3A_425] : memref<524288x16xf32, #tpu.memory_space<hbm>> -> memref<2048x16xf32, #tpu.memory_space<hbm>>
      %dma_wait3A_427 = arith.constant 0 : i32
      %dma_wait3A_428 = tpu.memref_slice %arg5[%add3A_379, %dma_wait3A_427] : memref<524288x16xf32, #tpu.memory_space<hbm>> -> memref<2048x16xf32, #tpu.memory_space<hbm>>
      %dma_wait3A_429 = arith.constant 0 : i32
      %dma_wait3A_430 = arith.constant 0 : i32
      %dma_wait3A_431 = tpu.memref_slice %arg8[%run_scoped3A_380, %dma_wait3A_429, %dma_wait3A_430] : memref<2x2048x16xf32, #tpu.memory_space<vmem>> -> memref<1x2048x16xf32, #tpu.memory_space<vmem>>
      %dma_wait3A_432 = tpu.memref_squeeze %dma_wait3A_431 : memref<1x2048x16xf32, #tpu.memory_space<vmem>> -> memref<2048x16xf32, #tpu.memory_space<vmem>>
      tpu.wait_dma2 semaphore(%run_scoped3A_408 : memref<!tpu.dma_semaphore, #tpu.memory_space<semaphore_mem>>) src(%dma_wait3A_432 : memref<2048x16xf32, #tpu.memory_space<vmem>>) dst(%dma_wait3A_428 : memref<2048x16xf32, #tpu.memory_space<hbm>>)
      tpu.yield
    }) : () -> ()
    %run_scoped3A_381 = arith.constant 0 : i32
    "tpu.region"() ({
      %run_scoped3A_408 = tpu.sem_alloc : memref<!tpu.dma_semaphore, #tpu.memory_space<semaphore_mem>>
      %dma_start3A_409 = arith.constant 0 : i32
      %dma_start3A_410 = tpu.memref_slice %arg9[%run_scoped3A_381, %dma_start3A_409] : memref<2x2048xf32, #tpu.memory_space<vmem>> -> memref<1x2048xf32, #tpu.memory_space<vmem>>
      %dma_start3A_411 = tpu.memref_squeeze %dma_start3A_410 : memref<1x2048xf32, #tpu.memory_space<vmem>> -> memref<2048xf32, #tpu.memory_space<vmem>>
      %dma_start3A_412 = tpu.memref_slice %arg6[%add3A_379] : memref<524288xf32, #tpu.memory_space<hbm>> -> memref<2048xf32, #tpu.memory_space<hbm>>
      %dma_start3A_413 = tpu.memref_slice %arg6[%add3A_379] : memref<524288xf32, #tpu.memory_space<hbm>> -> memref<2048xf32, #tpu.memory_space<hbm>>
      %dma_start3A_414 = arith.constant 0 : i32
      %dma_start3A_415 = tpu.memref_slice %arg9[%run_scoped3A_381, %dma_start3A_414] : memref<2x2048xf32, #tpu.memory_space<vmem>> -> memref<1x2048xf32, #tpu.memory_space<vmem>>
      %dma_start3A_416 = tpu.memref_squeeze %dma_start3A_415 : memref<1x2048xf32, #tpu.memory_space<vmem>> -> memref<2048xf32, #tpu.memory_space<vmem>>
      tpu.enqueue_dma source(%dma_start3A_416 : memref<2048xf32, #tpu.memory_space<vmem>>) target(%dma_start3A_413 : memref<2048xf32, #tpu.memory_space<hbm>>) target_semaphore(%run_scoped3A_408 : memref<!tpu.dma_semaphore, #tpu.memory_space<semaphore_mem>>)
      %dma_wait3A_417 = arith.constant 0 : i32
      %dma_wait3A_418 = tpu.memref_slice %arg9[%run_scoped3A_381, %dma_wait3A_417] : memref<2x2048xf32, #tpu.memory_space<vmem>> -> memref<1x2048xf32, #tpu.memory_space<vmem>>
      %dma_wait3A_419 = tpu.memref_squeeze %dma_wait3A_418 : memref<1x2048xf32, #tpu.memory_space<vmem>> -> memref<2048xf32, #tpu.memory_space<vmem>>
      %dma_wait3A_420 = tpu.memref_slice %arg6[%add3A_379] : memref<524288xf32, #tpu.memory_space<hbm>> -> memref<2048xf32, #tpu.memory_space<hbm>>
      %dma_wait3A_421 = tpu.memref_slice %arg6[%add3A_379] : memref<524288xf32, #tpu.memory_space<hbm>> -> memref<2048xf32, #tpu.memory_space<hbm>>
      %dma_wait3A_422 = arith.constant 0 : i32
      %dma_wait3A_423 = tpu.memref_slice %arg9[%run_scoped3A_381, %dma_wait3A_422] : memref<2x2048xf32, #tpu.memory_space<vmem>> -> memref<1x2048xf32, #tpu.memory_space<vmem>>
      %dma_wait3A_424 = tpu.memref_squeeze %dma_wait3A_423 : memref<1x2048xf32, #tpu.memory_space<vmem>> -> memref<2048xf32, #tpu.memory_space<vmem>>
      tpu.wait_dma2 semaphore(%run_scoped3A_408 : memref<!tpu.dma_semaphore, #tpu.memory_space<semaphore_mem>>) src(%dma_wait3A_424 : memref<2048xf32, #tpu.memory_space<vmem>>) dst(%dma_wait3A_421 : memref<2048xf32, #tpu.memory_space<hbm>>)
      tpu.yield
    }) : () -> ()
    %dma_wait3A_382 = arith.constant 1 : i32
    %dma_wait3A_383 = arith.constant 1 : i32
    %dma_wait3A_384 = arith.constant 0 : i32
    %dma_wait3A_385 = arith.constant 0 : i32
    %dma_wait3A_386 = tpu.memref_slice %arg8[%dma_wait3A_383, %dma_wait3A_384, %dma_wait3A_385] : memref<2x2048x16xf32, #tpu.memory_space<vmem>> -> memref<1x2048x16xf32, #tpu.memory_space<vmem>>
    %dma_wait3A_387 = tpu.memref_squeeze %dma_wait3A_386 : memref<1x2048x16xf32, #tpu.memory_space<vmem>> -> memref<2048x16xf32, #tpu.memory_space<vmem>>
    %dma_wait3A_388 = arith.constant 0 : i32
    %dma_wait3A_389 = tpu.memref_slice %arg7[%dma_wait3A_382, %dma_wait3A_388] : memref<2x2048xi32, #tpu.memory_space<vmem>> -> memref<1x2048xi32, #tpu.memory_space<vmem>>
    %dma_wait3A_390 = tpu.memref_squeeze %dma_wait3A_389 : memref<1x2048xi32, #tpu.memory_space<vmem>> -> memref<2048xi32, #tpu.memory_space<vmem>>
    %dma_wait3A_391 = arith.constant 0 : i32
    %dma_wait3A_392 = arith.constant 0 : i32
    %dma_wait3A_393 = tpu.memref_slice %arg2[%dma_wait3A_391, %dma_wait3A_392] : memref<1015808x16xf32, #tpu.memory_space<hbm>> -> memref<1015808x16xf32, #tpu.memory_space<hbm>>
    tpu.wait_indirect_dma semaphore(%arg10 : memref<!tpu.dma_semaphore, #tpu.memory_space<semaphore_mem>>) src(%dma_wait3A_393 : memref<1015808x16xf32, #tpu.memory_space<hbm>>) dst(%dma_wait3A_387 : memref<2048x16xf32, #tpu.memory_space<vmem>>)
    %dma_wait3A_394 = arith.constant 1 : i32
    %dma_wait3A_395 = arith.constant 1 : i32
    %dma_wait3A_396 = arith.constant 0 : i32
    %dma_wait3A_397 = tpu.memref_slice %arg9[%dma_wait3A_395, %dma_wait3A_396] : memref<2x2048xf32, #tpu.memory_space<vmem>> -> memref<1x2048xf32, #tpu.memory_space<vmem>>
    %dma_wait3A_398 = tpu.memref_squeeze %dma_wait3A_397 : memref<1x2048xf32, #tpu.memory_space<vmem>> -> memref<2048xf32, #tpu.memory_space<vmem>>
    %dma_wait3A_399 = arith.constant 0 : i32
    %dma_wait3A_400 = tpu.memref_slice %arg7[%dma_wait3A_394, %dma_wait3A_399] : memref<2x2048xi32, #tpu.memory_space<vmem>> -> memref<1x2048xi32, #tpu.memory_space<vmem>>
    %dma_wait3A_401 = tpu.memref_squeeze %dma_wait3A_400 : memref<1x2048xi32, #tpu.memory_space<vmem>> -> memref<2048xi32, #tpu.memory_space<vmem>>
    %dma_wait3A_402 = arith.constant 0 : i32
    %dma_wait3A_403 = tpu.memref_slice %arg3[%dma_wait3A_402] : memref<1015808xf32, #tpu.memory_space<hbm>> -> memref<1015808xf32, #tpu.memory_space<hbm>>
    tpu.wait_indirect_dma semaphore(%arg11 : memref<!tpu.dma_semaphore, #tpu.memory_space<semaphore_mem>>) src(%dma_wait3A_403 : memref<1015808xf32, #tpu.memory_space<hbm>>) dst(%dma_wait3A_398 : memref<2048xf32, #tpu.memory_space<vmem>>)
    %add3A_404 = arith.constant 14336 : i32
    %add3A_405 = arith.addi %mul3A_2, %add3A_404 : i32
    %run_scoped3A_406 = arith.constant 1 : i32
    "tpu.region"() ({
      %run_scoped3A_408 = tpu.sem_alloc : memref<!tpu.dma_semaphore, #tpu.memory_space<semaphore_mem>>
      %dma_start3A_409 = arith.constant 0 : i32
      %dma_start3A_410 = arith.constant 0 : i32
      %dma_start3A_411 = tpu.memref_slice %arg8[%run_scoped3A_406, %dma_start3A_409, %dma_start3A_410] : memref<2x2048x16xf32, #tpu.memory_space<vmem>> -> memref<1x2048x16xf32, #tpu.memory_space<vmem>>
      %dma_start3A_412 = tpu.memref_squeeze %dma_start3A_411 : memref<1x2048x16xf32, #tpu.memory_space<vmem>> -> memref<2048x16xf32, #tpu.memory_space<vmem>>
      %dma_start3A_413 = arith.constant 0 : i32
      %dma_start3A_414 = tpu.memref_slice %arg5[%add3A_405, %dma_start3A_413] : memref<524288x16xf32, #tpu.memory_space<hbm>> -> memref<2048x16xf32, #tpu.memory_space<hbm>>
      %dma_start3A_415 = arith.constant 0 : i32
      %dma_start3A_416 = tpu.memref_slice %arg5[%add3A_405, %dma_start3A_415] : memref<524288x16xf32, #tpu.memory_space<hbm>> -> memref<2048x16xf32, #tpu.memory_space<hbm>>
      %dma_start3A_417 = arith.constant 0 : i32
      %dma_start3A_418 = arith.constant 0 : i32
      %dma_start3A_419 = tpu.memref_slice %arg8[%run_scoped3A_406, %dma_start3A_417, %dma_start3A_418] : memref<2x2048x16xf32, #tpu.memory_space<vmem>> -> memref<1x2048x16xf32, #tpu.memory_space<vmem>>
      %dma_start3A_420 = tpu.memref_squeeze %dma_start3A_419 : memref<1x2048x16xf32, #tpu.memory_space<vmem>> -> memref<2048x16xf32, #tpu.memory_space<vmem>>
      tpu.enqueue_dma source(%dma_start3A_420 : memref<2048x16xf32, #tpu.memory_space<vmem>>) target(%dma_start3A_416 : memref<2048x16xf32, #tpu.memory_space<hbm>>) target_semaphore(%run_scoped3A_408 : memref<!tpu.dma_semaphore, #tpu.memory_space<semaphore_mem>>)
      %dma_wait3A_421 = arith.constant 0 : i32
      %dma_wait3A_422 = arith.constant 0 : i32
      %dma_wait3A_423 = tpu.memref_slice %arg8[%run_scoped3A_406, %dma_wait3A_421, %dma_wait3A_422] : memref<2x2048x16xf32, #tpu.memory_space<vmem>> -> memref<1x2048x16xf32, #tpu.memory_space<vmem>>
      %dma_wait3A_424 = tpu.memref_squeeze %dma_wait3A_423 : memref<1x2048x16xf32, #tpu.memory_space<vmem>> -> memref<2048x16xf32, #tpu.memory_space<vmem>>
      %dma_wait3A_425 = arith.constant 0 : i32
      %dma_wait3A_426 = tpu.memref_slice %arg5[%add3A_405, %dma_wait3A_425] : memref<524288x16xf32, #tpu.memory_space<hbm>> -> memref<2048x16xf32, #tpu.memory_space<hbm>>
      %dma_wait3A_427 = arith.constant 0 : i32
      %dma_wait3A_428 = tpu.memref_slice %arg5[%add3A_405, %dma_wait3A_427] : memref<524288x16xf32, #tpu.memory_space<hbm>> -> memref<2048x16xf32, #tpu.memory_space<hbm>>
      %dma_wait3A_429 = arith.constant 0 : i32
      %dma_wait3A_430 = arith.constant 0 : i32
      %dma_wait3A_431 = tpu.memref_slice %arg8[%run_scoped3A_406, %dma_wait3A_429, %dma_wait3A_430] : memref<2x2048x16xf32, #tpu.memory_space<vmem>> -> memref<1x2048x16xf32, #tpu.memory_space<vmem>>
      %dma_wait3A_432 = tpu.memref_squeeze %dma_wait3A_431 : memref<1x2048x16xf32, #tpu.memory_space<vmem>> -> memref<2048x16xf32, #tpu.memory_space<vmem>>
      tpu.wait_dma2 semaphore(%run_scoped3A_408 : memref<!tpu.dma_semaphore, #tpu.memory_space<semaphore_mem>>) src(%dma_wait3A_432 : memref<2048x16xf32, #tpu.memory_space<vmem>>) dst(%dma_wait3A_428 : memref<2048x16xf32, #tpu.memory_space<hbm>>)
      tpu.yield
    }) : () -> ()
    %run_scoped3A_407 = arith.constant 1 : i32
    "tpu.region"() ({
      %run_scoped3A_408 = tpu.sem_alloc : memref<!tpu.dma_semaphore, #tpu.memory_space<semaphore_mem>>
      %dma_start3A_409 = arith.constant 0 : i32
      %dma_start3A_410 = tpu.memref_slice %arg9[%run_scoped3A_407, %dma_start3A_409] : memref<2x2048xf32, #tpu.memory_space<vmem>> -> memref<1x2048xf32, #tpu.memory_space<vmem>>
      %dma_start3A_411 = tpu.memref_squeeze %dma_start3A_410 : memref<1x2048xf32, #tpu.memory_space<vmem>> -> memref<2048xf32, #tpu.memory_space<vmem>>
      %dma_start3A_412 = tpu.memref_slice %arg6[%add3A_405] : memref<524288xf32, #tpu.memory_space<hbm>> -> memref<2048xf32, #tpu.memory_space<hbm>>
      %dma_start3A_413 = tpu.memref_slice %arg6[%add3A_405] : memref<524288xf32, #tpu.memory_space<hbm>> -> memref<2048xf32, #tpu.memory_space<hbm>>
      %dma_start3A_414 = arith.constant 0 : i32
      %dma_start3A_415 = tpu.memref_slice %arg9[%run_scoped3A_407, %dma_start3A_414] : memref<2x2048xf32, #tpu.memory_space<vmem>> -> memref<1x2048xf32, #tpu.memory_space<vmem>>
      %dma_start3A_416 = tpu.memref_squeeze %dma_start3A_415 : memref<1x2048xf32, #tpu.memory_space<vmem>> -> memref<2048xf32, #tpu.memory_space<vmem>>
      tpu.enqueue_dma source(%dma_start3A_416 : memref<2048xf32, #tpu.memory_space<vmem>>) target(%dma_start3A_413 : memref<2048xf32, #tpu.memory_space<hbm>>) target_semaphore(%run_scoped3A_408 : memref<!tpu.dma_semaphore, #tpu.memory_space<semaphore_mem>>)
      %dma_wait3A_417 = arith.constant 0 : i32
      %dma_wait3A_418 = tpu.memref_slice %arg9[%run_scoped3A_407, %dma_wait3A_417] : memref<2x2048xf32, #tpu.memory_space<vmem>> -> memref<1x2048xf32, #tpu.memory_space<vmem>>
      %dma_wait3A_419 = tpu.memref_squeeze %dma_wait3A_418 : memref<1x2048xf32, #tpu.memory_space<vmem>> -> memref<2048xf32, #tpu.memory_space<vmem>>
      %dma_wait3A_420 = tpu.memref_slice %arg6[%add3A_405] : memref<524288xf32, #tpu.memory_space<hbm>> -> memref<2048xf32, #tpu.memory_space<hbm>>
      %dma_wait3A_421 = tpu.memref_slice %arg6[%add3A_405] : memref<524288xf32, #tpu.memory_space<hbm>> -> memref<2048xf32, #tpu.memory_space<hbm>>
      %dma_wait3A_422 = arith.constant 0 : i32
      %dma_wait3A_423 = tpu.memref_slice %arg9[%run_scoped3A_407, %dma_wait3A_422] : memref<2x2048xf32, #tpu.memory_space<vmem>> -> memref<1x2048xf32, #tpu.memory_space<vmem>>
      %dma_wait3A_424 = tpu.memref_squeeze %dma_wait3A_423 : memref<1x2048xf32, #tpu.memory_space<vmem>> -> memref<2048xf32, #tpu.memory_space<vmem>>
      tpu.wait_dma2 semaphore(%run_scoped3A_408 : memref<!tpu.dma_semaphore, #tpu.memory_space<semaphore_mem>>) src(%dma_wait3A_424 : memref<2048xf32, #tpu.memory_space<vmem>>) dst(%dma_wait3A_421 : memref<2048xf32, #tpu.memory_space<hbm>>)
      tpu.yield
    }) : () -> ()
    return
  }
}

module attributes {stable_mosaic.version = 14 : i64} {
  func.func @_lin_body(%arg0: i32, %arg1: memref<16x16384xf32, #tpu.memory_space<vmem>>, %arg2: memref<2048x128xf32, #tpu.memory_space<vmem>>) attributes {dimension_semantics = [#tpu.dimension_semantics<arbitrary>], iteration_bounds = array<i64: 62>, scalar_prefetch = 0 : i64, scratch_operands = 0 : i64, tpu.core_type = #tpu.core_type<tc>, window_params = [{transform_indices = @transform_0, window_bounds = array<i64: 16, 16384>}, {transform_indices = @transform_1, window_bounds = array<i64: 2048, 128>}]} {
    %get3A = arith.constant 0 : index
    %get3A_0 = arith.constant 0 : index
    %get3A_1 = vector.load %arg1[%get3A, %get3A_0] : memref<16x16384xf32, #tpu.memory_space<vmem>>, vector<16x16384xf32>
    %iota3A = tpu.iota {dimensions = array<i32: 1>} : vector<16x16384xi32>
    %mul3A = arith.constant 16384 : i32
    %mul3A_2 = arith.muli %arg0, %mul3A : i32
    %add3A = vector.broadcast %mul3A_2 : i32 to vector<16x16384xi32>
    %add3A_3 = arith.addi %iota3A, %add3A : vector<16x16384xi32>
    %lt3A = arith.constant 1000012 : i32
    %lt3A_4 = vector.broadcast %lt3A : i32 to vector<16x16384xi32>
    %lt3A_5 = arith.cmpi slt, %add3A_3, %lt3A_4 : vector<16x16384xi32>
    %jit3A = arith.constant 0.000000e+00 : f32
    %broadcast_in_dim3A = vector.broadcast %jit3A : f32 to vector<16x16384xf32>
    %select_n3A = arith.select %lt3A_5, %get3A_1, %broadcast_in_dim3A : vector<16x16384xi1>, vector<16x16384xf32>
    %transpose3A = tpu.transpose %select_n3A, [1, 0] : vector<16x16384xf32> -> vector<16384x16xf32>
    %reshape3A = vector.shape_cast %transpose3A : vector<16384x16xf32> to vector<2048x8x16xf32>
    %slice3A = vector.extract_strided_slice %reshape3A {offsets = [0, 0, 0], sizes = [2048, 1, 16], strides = [1, 1, 1]} : vector<2048x8x16xf32> to vector<2048x1x16xf32>
    %squeeze3A = vector.shape_cast %slice3A : vector<2048x1x16xf32> to vector<2048x16xf32>
    %swap3A = arith.constant 0 : index
    %swap3A_6 = arith.constant 0 : index
    %swap3A_7 = vector.load %arg2[%swap3A, %swap3A_6] : memref<2048x128xf32, #tpu.memory_space<vmem>>, vector<2048x16xf32>
    tpu.vector_store %arg2[%swap3A, %swap3A_6], %squeeze3A {strides = array<i32>} : memref<2048x128xf32, #tpu.memory_space<vmem>>, vector<2048x16xf32>,
    %slice3A_8 = vector.extract_strided_slice %reshape3A {offsets = [0, 1, 0], sizes = [2048, 1, 16], strides = [1, 1, 1]} : vector<2048x8x16xf32> to vector<2048x1x16xf32>
    %squeeze3A_9 = vector.shape_cast %slice3A_8 : vector<2048x1x16xf32> to vector<2048x16xf32>
    %swap3A_10 = arith.constant 0 : index
    %swap3A_11 = arith.constant 16 : index
    %swap3A_12 = vector.load %arg2[%swap3A_10, %swap3A_11] : memref<2048x128xf32, #tpu.memory_space<vmem>>, vector<2048x16xf32>
    tpu.vector_store %arg2[%swap3A_10, %swap3A_11], %squeeze3A_9 {strides = array<i32>} : memref<2048x128xf32, #tpu.memory_space<vmem>>, vector<2048x16xf32>,
    %slice3A_13 = vector.extract_strided_slice %reshape3A {offsets = [0, 2, 0], sizes = [2048, 1, 16], strides = [1, 1, 1]} : vector<2048x8x16xf32> to vector<2048x1x16xf32>
    %squeeze3A_14 = vector.shape_cast %slice3A_13 : vector<2048x1x16xf32> to vector<2048x16xf32>
    %swap3A_15 = arith.constant 0 : index
    %swap3A_16 = arith.constant 32 : index
    %swap3A_17 = vector.load %arg2[%swap3A_15, %swap3A_16] : memref<2048x128xf32, #tpu.memory_space<vmem>>, vector<2048x16xf32>
    tpu.vector_store %arg2[%swap3A_15, %swap3A_16], %squeeze3A_14 {strides = array<i32>} : memref<2048x128xf32, #tpu.memory_space<vmem>>, vector<2048x16xf32>,
    %slice3A_18 = vector.extract_strided_slice %reshape3A {offsets = [0, 3, 0], sizes = [2048, 1, 16], strides = [1, 1, 1]} : vector<2048x8x16xf32> to vector<2048x1x16xf32>
    %squeeze3A_19 = vector.shape_cast %slice3A_18 : vector<2048x1x16xf32> to vector<2048x16xf32>
    %swap3A_20 = arith.constant 0 : index
    %swap3A_21 = arith.constant 48 : index
    %swap3A_22 = vector.load %arg2[%swap3A_20, %swap3A_21] : memref<2048x128xf32, #tpu.memory_space<vmem>>, vector<2048x16xf32>
    tpu.vector_store %arg2[%swap3A_20, %swap3A_21], %squeeze3A_19 {strides = array<i32>} : memref<2048x128xf32, #tpu.memory_space<vmem>>, vector<2048x16xf32>,
    %slice3A_23 = vector.extract_strided_slice %reshape3A {offsets = [0, 4, 0], sizes = [2048, 1, 16], strides = [1, 1, 1]} : vector<2048x8x16xf32> to vector<2048x1x16xf32>
    %squeeze3A_24 = vector.shape_cast %slice3A_23 : vector<2048x1x16xf32> to vector<2048x16xf32>
    %swap3A_25 = arith.constant 0 : index
    %swap3A_26 = arith.constant 64 : index
    %swap3A_27 = vector.load %arg2[%swap3A_25, %swap3A_26] : memref<2048x128xf32, #tpu.memory_space<vmem>>, vector<2048x16xf32>
    tpu.vector_store %arg2[%swap3A_25, %swap3A_26], %squeeze3A_24 {strides = array<i32>} : memref<2048x128xf32, #tpu.memory_space<vmem>>, vector<2048x16xf32>,
    %slice3A_28 = vector.extract_strided_slice %reshape3A {offsets = [0, 5, 0], sizes = [2048, 1, 16], strides = [1, 1, 1]} : vector<2048x8x16xf32> to vector<2048x1x16xf32>
    %squeeze3A_29 = vector.shape_cast %slice3A_28 : vector<2048x1x16xf32> to vector<2048x16xf32>
    %swap3A_30 = arith.constant 0 : index
    %swap3A_31 = arith.constant 80 : index
    %swap3A_32 = vector.load %arg2[%swap3A_30, %swap3A_31] : memref<2048x128xf32, #tpu.memory_space<vmem>>, vector<2048x16xf32>
    tpu.vector_store %arg2[%swap3A_30, %swap3A_31], %squeeze3A_29 {strides = array<i32>} : memref<2048x128xf32, #tpu.memory_space<vmem>>, vector<2048x16xf32>,
    %slice3A_33 = vector.extract_strided_slice %reshape3A {offsets = [0, 6, 0], sizes = [2048, 1, 16], strides = [1, 1, 1]} : vector<2048x8x16xf32> to vector<2048x1x16xf32>
    %squeeze3A_34 = vector.shape_cast %slice3A_33 : vector<2048x1x16xf32> to vector<2048x16xf32>
    %swap3A_35 = arith.constant 0 : index
    %swap3A_36 = arith.constant 96 : index
    %swap3A_37 = vector.load %arg2[%swap3A_35, %swap3A_36] : memref<2048x128xf32, #tpu.memory_space<vmem>>, vector<2048x16xf32>
    tpu.vector_store %arg2[%swap3A_35, %swap3A_36], %squeeze3A_34 {strides = array<i32>} : memref<2048x128xf32, #tpu.memory_space<vmem>>, vector<2048x16xf32>,
    %slice3A_38 = vector.extract_strided_slice %reshape3A {offsets = [0, 7, 0], sizes = [2048, 1, 16], strides = [1, 1, 1]} : vector<2048x8x16xf32> to vector<2048x1x16xf32>
    %squeeze3A_39 = vector.shape_cast %slice3A_38 : vector<2048x1x16xf32> to vector<2048x16xf32>
    %swap3A_40 = arith.constant 0 : index
    %swap3A_41 = arith.constant 112 : index
    %swap3A_42 = vector.load %arg2[%swap3A_40, %swap3A_41] : memref<2048x128xf32, #tpu.memory_space<vmem>>, vector<2048x16xf32>
    tpu.vector_store %arg2[%swap3A_40, %swap3A_41], %squeeze3A_39 {strides = array<i32>} : memref<2048x128xf32, #tpu.memory_space<vmem>>, vector<2048x16xf32>,
    return
  }
  func.func @transform_0(%arg0: i32) -> (i32, i32) {
    %c0_i32 = arith.constant 0 : i32
    %c0_i32_0 = arith.constant 0 : i32
    return %c0_i32, %arg0 : i32, i32
  }
  func.func @transform_1(%arg0: i32) -> (i32, i32) {
    %c0_i32 = arith.constant 0 : i32
    %c0_i32_0 = arith.constant 0 : i32
    return %arg0, %c0_i32 : i32, i32
  }
}

module attributes {stable_mosaic.version = 14 : i64} {
  func.func @_tc_body(%arg0: i32, %arg1: memref<4096x128xf32, #tpu.memory_space<vmem>>, %arg2: memref<1024x32xf32, #tpu.memory_space<vmem>>, %arg3: memref<1xf32, #tpu.memory_space<smem>>, %arg4: memref<512x256xf32, #tpu.memory_space<vmem>>, %arg5: memref<1x256xf32, #tpu.memory_space<vmem>>, %arg6: memref<256x128xf32, #tpu.memory_space<vmem>>, %arg7: memref<1x128xf32, #tpu.memory_space<vmem>>, %arg8: memref<128x64xf32, #tpu.memory_space<vmem>>, %arg9: memref<1x64xf32, #tpu.memory_space<vmem>>, %arg10: memref<1x64xf32, #tpu.memory_space<vmem>>, %arg11: memref<1024x1xf32, #tpu.memory_space<vmem>>) attributes {dimension_semantics = [#tpu.dimension_semantics<arbitrary>], iteration_bounds = array<i64: 16>, scalar_prefetch = 0 : i64, scratch_operands = 0 : i64, tpu.core_type = #tpu.core_type<tc>, window_params = [{transform_indices = @transform_0, window_bounds = array<i64: 4096, 128>}, {transform_indices = @transform_1, window_bounds = array<i64: 1024, 32>}, {transform_indices = @transform_2, window_bounds = array<i64: 1>}, {pipeline_mode = #tpu.pipeline_mode<synchronous>, transform_indices = @transform_3, window_bounds = array<i64: 512, 256>}, {pipeline_mode = #tpu.pipeline_mode<synchronous>, transform_indices = @transform_4, window_bounds = array<i64: 1, 256>}, {pipeline_mode = #tpu.pipeline_mode<synchronous>, transform_indices = @transform_5, window_bounds = array<i64: 256, 128>}, {pipeline_mode = #tpu.pipeline_mode<synchronous>, transform_indices = @transform_6, window_bounds = array<i64: 1, 128>}, {pipeline_mode = #tpu.pipeline_mode<synchronous>, transform_indices = @transform_7, window_bounds = array<i64: 128, 64>}, {pipeline_mode = #tpu.pipeline_mode<synchronous>, transform_indices = @transform_8, window_bounds = array<i64: 1, 64>}, {pipeline_mode = #tpu.pipeline_mode<synchronous>, transform_indices = @transform_9, window_bounds = array<i64: 1, 64>}, {transform_indices = @transform_10, window_bounds = array<i64: 1024, 1>}]} {
    %get3A = arith.constant 0 : index
    %get3A_0 = arith.constant 0 : index
    %get3A_1 = vector.load %arg1[%get3A, %get3A_0] : memref<4096x128xf32, #tpu.memory_space<vmem>>, vector<4096x128xf32>
    %reshape3A = vector.shape_cast %get3A_1 : vector<4096x128xf32> to vector<1024x4x128xf32>
    %get3A_2 = arith.constant 0 : index
    %get3A_3 = arith.constant 0 : index
    %get3A_4 = vector.load %arg4[%get3A_2, %get3A_3] : memref<512x256xf32, #tpu.memory_space<vmem>>, vector<512x256xf32>
    %broadcast_in_dim3A = arith.constant 0.000000e+00 : f32
    %broadcast_in_dim3A_5 = vector.broadcast %broadcast_in_dim3A : f32 to vector<1024x16xf32>
    %broadcast_in_dim3A_6 = arith.constant 0.000000e+00 : f32
    %broadcast_in_dim3A_7 = vector.broadcast %broadcast_in_dim3A_6 : f32 to vector<1024x16xf32>
    %broadcast_in_dim3A_8 = arith.constant 0.000000e+00 : f32
    %broadcast_in_dim3A_9 = vector.broadcast %broadcast_in_dim3A_8 : f32 to vector<1024x256xf32>
    %slice3A = vector.extract_strided_slice %reshape3A {offsets = [0, 0, 0], sizes = [1024, 1, 128], strides = [1, 1, 1]} : vector<1024x4x128xf32> to vector<1024x1x128xf32>
    %squeeze3A = vector.shape_cast %slice3A : vector<1024x1x128xf32> to vector<1024x128xf32>
    %iota3A = tpu.iota {dimensions = array<i32: 0>} : vector<128x16xi32>
    %add3A = arith.constant 0 : i32
    %add3A_10 = vector.broadcast %add3A : i32 to vector<128x16xi32>
    %add3A_11 = arith.addi %iota3A, %add3A_10 : vector<128x16xi32>
    %iota3A_12 = tpu.iota {dimensions = array<i32: 1>} : vector<128x16xi32>
    %jit3A = arith.constant 16 : i32
    %eq3A = arith.constant 0 : i32
    %eq3A_13 = arith.cmpi eq, %jit3A, %eq3A : i32
    %jit3A_14 = arith.constant 1 : i32
    %select_n3A = arith.select %eq3A_13, %jit3A_14, %jit3A : i32
    %rem3A = vector.broadcast %select_n3A : i32 to vector<128x16xi32>
    %rem3A_15 = arith.remsi %add3A_11, %rem3A : vector<128x16xi32>
    %ne3A = arith.constant 0 : i32
    %ne3A_16 = vector.broadcast %ne3A : i32 to vector<128x16xi32>
    %ne3A_17 = arith.cmpi ne, %rem3A_15, %ne3A_16 : vector<128x16xi32>
    %lt3A = arith.constant 0 : i32
    %lt3A_18 = vector.broadcast %lt3A : i32 to vector<128x16xi32>
    %lt3A_19 = arith.cmpi slt, %rem3A_15, %lt3A_18 : vector<128x16xi32>
    %lt3A_20 = arith.constant 0 : i32
    %lt3A_21 = arith.cmpi slt, %select_n3A, %lt3A_20 : i32
    %ne3A_22 = vector.broadcast %lt3A_21 : i1 to vector<128x16xi1>
    %ne3A_23 = vector.broadcast %ne3A_22 : vector<128x16xi1> to vector<128x16xi1>
    %ne3A_24 = arith.xori %lt3A_19, %ne3A_23 : vector<128x16xi1>
    %and3A = arith.andi %ne3A_24, %ne3A_17 : vector<128x16xi1>
    %add3A_25 = vector.broadcast %select_n3A : i32 to vector<128x16xi32>
    %add3A_26 = arith.addi %rem3A_15, %add3A_25 : vector<128x16xi32>
    %select_n3A_27 = arith.select %and3A, %add3A_26, %rem3A_15 : vector<128x16xi1>, vector<128x16xi32>
    %eq3A_28 = arith.cmpi eq, %select_n3A_27, %iota3A_12 : vector<128x16xi32>
    %lt3A_29 = arith.constant 416 : i32
    %lt3A_30 = vector.broadcast %lt3A_29 : i32 to vector<128x16xi32>
    %lt3A_31 = arith.cmpi slt, %add3A_11, %lt3A_30 : vector<128x16xi32>
    %and3A_32 = arith.andi %eq3A_28, %lt3A_31 : vector<128x16xi1>
    %jit3A_33 = arith.constant 1.000000e+00 : f32
    %jit3A_34 = arith.constant 0.000000e+00 : f32
    %broadcast_in_dim3A_35 = vector.broadcast %jit3A_33 : f32 to vector<128x16xf32>
    %broadcast_in_dim3A_36 = vector.broadcast %jit3A_34 : f32 to vector<128x16xf32>
    %select_n3A_37 = arith.select %and3A_32, %broadcast_in_dim3A_35, %broadcast_in_dim3A_36 : vector<128x16xi1>, vector<128x16xf32>
    %dot_general3A = arith.constant dense<0.000000e+00> : vector<1024x16xf32>
    %dot_general3A_38 = tpu.matmul %squeeze3A, %select_n3A_37, %dot_general3A {dimension_numbers = #tpu.dot_dimension_numbers<[1], [0], [0], [1], [0, 0, 1, 1], [], []>, transpose_lhs_hint = false} : vector<1024x128xf32>, vector<128x16xf32>, vector<1024x16xf32> -> vector<1024x16xf32>
    %add3A_39 = arith.addf %broadcast_in_dim3A_5, %dot_general3A_38 : vector<1024x16xf32>
    %mul3A = arith.mulf %squeeze3A, %squeeze3A : vector<1024x128xf32>
    %dot_general3A_40 = arith.constant dense<0.000000e+00> : vector<1024x16xf32>
    %dot_general3A_41 = tpu.matmul %mul3A, %select_n3A_37, %dot_general3A_40 {dimension_numbers = #tpu.dot_dimension_numbers<[1], [0], [0], [1], [0, 0, 1, 1], [], []>, transpose_lhs_hint = false} : vector<1024x128xf32>, vector<128x16xf32>, vector<1024x16xf32> -> vector<1024x16xf32>
    %add3A_42 = arith.addf %broadcast_in_dim3A_7, %dot_general3A_41 : vector<1024x16xf32>
    %slice3A_43 = vector.extract_strided_slice %get3A_4 {offsets = [0, 0], sizes = [128, 256], strides = [1, 1]} : vector<512x256xf32> to vector<128x256xf32>
    %dot_general3A_44 = arith.constant dense<0.000000e+00> : vector<1024x256xf32>
    %dot_general3A_45 = tpu.matmul %squeeze3A, %slice3A_43, %dot_general3A_44 {dimension_numbers = #tpu.dot_dimension_numbers<[1], [0], [0], [1], [0, 0, 1, 1], [], []>, transpose_lhs_hint = false} : vector<1024x128xf32>, vector<128x256xf32>, vector<1024x256xf32> -> vector<1024x256xf32>
    %add3A_46 = arith.addf %broadcast_in_dim3A_9, %dot_general3A_45 : vector<1024x256xf32>
    %slice3A_47 = vector.extract_strided_slice %reshape3A {offsets = [0, 1, 0], sizes = [1024, 1, 128], strides = [1, 1, 1]} : vector<1024x4x128xf32> to vector<1024x1x128xf32>
    %squeeze3A_48 = vector.shape_cast %slice3A_47 : vector<1024x1x128xf32> to vector<1024x128xf32>
    %iota3A_49 = tpu.iota {dimensions = array<i32: 0>} : vector<128x16xi32>
    %add3A_50 = arith.constant 128 : i32
    %add3A_51 = vector.broadcast %add3A_50 : i32 to vector<128x16xi32>
    %add3A_52 = arith.addi %iota3A_49, %add3A_51 : vector<128x16xi32>
    %iota3A_53 = tpu.iota {dimensions = array<i32: 1>} : vector<128x16xi32>
    %jit3A_54 = arith.constant 16 : i32
    %eq3A_55 = arith.constant 0 : i32
    %eq3A_56 = arith.cmpi eq, %jit3A_54, %eq3A_55 : i32
    %jit3A_57 = arith.constant 1 : i32
    %select_n3A_58 = arith.select %eq3A_56, %jit3A_57, %jit3A_54 : i32
    %rem3A_59 = vector.broadcast %select_n3A_58 : i32 to vector<128x16xi32>
    %rem3A_60 = arith.remsi %add3A_52, %rem3A_59 : vector<128x16xi32>
    %ne3A_61 = arith.constant 0 : i32
    %ne3A_62 = vector.broadcast %ne3A_61 : i32 to vector<128x16xi32>
    %ne3A_63 = arith.cmpi ne, %rem3A_60, %ne3A_62 : vector<128x16xi32>
    %lt3A_64 = arith.constant 0 : i32
    %lt3A_65 = vector.broadcast %lt3A_64 : i32 to vector<128x16xi32>
    %lt3A_66 = arith.cmpi slt, %rem3A_60, %lt3A_65 : vector<128x16xi32>
    %lt3A_67 = arith.constant 0 : i32
    %lt3A_68 = arith.cmpi slt, %select_n3A_58, %lt3A_67 : i32
    %ne3A_69 = vector.broadcast %lt3A_68 : i1 to vector<128x16xi1>
    %ne3A_70 = vector.broadcast %ne3A_69 : vector<128x16xi1> to vector<128x16xi1>
    %ne3A_71 = arith.xori %lt3A_66, %ne3A_70 : vector<128x16xi1>
    %and3A_72 = arith.andi %ne3A_71, %ne3A_63 : vector<128x16xi1>
    %add3A_73 = vector.broadcast %select_n3A_58 : i32 to vector<128x16xi32>
    %add3A_74 = arith.addi %rem3A_60, %add3A_73 : vector<128x16xi32>
    %select_n3A_75 = arith.select %and3A_72, %add3A_74, %rem3A_60 : vector<128x16xi1>, vector<128x16xi32>
    %eq3A_76 = arith.cmpi eq, %select_n3A_75, %iota3A_53 : vector<128x16xi32>
    %lt3A_77 = arith.constant 416 : i32
    %lt3A_78 = vector.broadcast %lt3A_77 : i32 to vector<128x16xi32>
    %lt3A_79 = arith.cmpi slt, %add3A_52, %lt3A_78 : vector<128x16xi32>
    %and3A_80 = arith.andi %eq3A_76, %lt3A_79 : vector<128x16xi1>
    %jit3A_81 = arith.constant 1.000000e+00 : f32
    %jit3A_82 = arith.constant 0.000000e+00 : f32
    %broadcast_in_dim3A_83 = vector.broadcast %jit3A_81 : f32 to vector<128x16xf32>
    %broadcast_in_dim3A_84 = vector.broadcast %jit3A_82 : f32 to vector<128x16xf32>
    %select_n3A_85 = arith.select %and3A_80, %broadcast_in_dim3A_83, %broadcast_in_dim3A_84 : vector<128x16xi1>, vector<128x16xf32>
    %dot_general3A_86 = arith.constant dense<0.000000e+00> : vector<1024x16xf32>
    %dot_general3A_87 = tpu.matmul %squeeze3A_48, %select_n3A_85, %dot_general3A_86 {dimension_numbers = #tpu.dot_dimension_numbers<[1], [0], [0], [1], [0, 0, 1, 1], [], []>, transpose_lhs_hint = false} : vector<1024x128xf32>, vector<128x16xf32>, vector<1024x16xf32> -> vector<1024x16xf32>
    %add3A_88 = arith.addf %add3A_39, %dot_general3A_87 : vector<1024x16xf32>
    %mul3A_89 = arith.mulf %squeeze3A_48, %squeeze3A_48 : vector<1024x128xf32>
    %dot_general3A_90 = arith.constant dense<0.000000e+00> : vector<1024x16xf32>
    %dot_general3A_91 = tpu.matmul %mul3A_89, %select_n3A_85, %dot_general3A_90 {dimension_numbers = #tpu.dot_dimension_numbers<[1], [0], [0], [1], [0, 0, 1, 1], [], []>, transpose_lhs_hint = false} : vector<1024x128xf32>, vector<128x16xf32>, vector<1024x16xf32> -> vector<1024x16xf32>
    %add3A_92 = arith.addf %add3A_42, %dot_general3A_91 : vector<1024x16xf32>
    %slice3A_93 = vector.extract_strided_slice %get3A_4 {offsets = [128, 0], sizes = [128, 256], strides = [1, 1]} : vector<512x256xf32> to vector<128x256xf32>
    %dot_general3A_94 = arith.constant dense<0.000000e+00> : vector<1024x256xf32>
    %dot_general3A_95 = tpu.matmul %squeeze3A_48, %slice3A_93, %dot_general3A_94 {dimension_numbers = #tpu.dot_dimension_numbers<[1], [0], [0], [1], [0, 0, 1, 1], [], []>, transpose_lhs_hint = false} : vector<1024x128xf32>, vector<128x256xf32>, vector<1024x256xf32> -> vector<1024x256xf32>
    %add3A_96 = arith.addf %add3A_46, %dot_general3A_95 : vector<1024x256xf32>
    %slice3A_97 = vector.extract_strided_slice %reshape3A {offsets = [0, 2, 0], sizes = [1024, 1, 128], strides = [1, 1, 1]} : vector<1024x4x128xf32> to vector<1024x1x128xf32>
    %squeeze3A_98 = vector.shape_cast %slice3A_97 : vector<1024x1x128xf32> to vector<1024x128xf32>
    %iota3A_99 = tpu.iota {dimensions = array<i32: 0>} : vector<128x16xi32>
    %add3A_100 = arith.constant 256 : i32
    %add3A_101 = vector.broadcast %add3A_100 : i32 to vector<128x16xi32>
    %add3A_102 = arith.addi %iota3A_99, %add3A_101 : vector<128x16xi32>
    %iota3A_103 = tpu.iota {dimensions = array<i32: 1>} : vector<128x16xi32>
    %jit3A_104 = arith.constant 16 : i32
    %eq3A_105 = arith.constant 0 : i32
    %eq3A_106 = arith.cmpi eq, %jit3A_104, %eq3A_105 : i32
    %jit3A_107 = arith.constant 1 : i32
    %select_n3A_108 = arith.select %eq3A_106, %jit3A_107, %jit3A_104 : i32
    %rem3A_109 = vector.broadcast %select_n3A_108 : i32 to vector<128x16xi32>
    %rem3A_110 = arith.remsi %add3A_102, %rem3A_109 : vector<128x16xi32>
    %ne3A_111 = arith.constant 0 : i32
    %ne3A_112 = vector.broadcast %ne3A_111 : i32 to vector<128x16xi32>
    %ne3A_113 = arith.cmpi ne, %rem3A_110, %ne3A_112 : vector<128x16xi32>
    %lt3A_114 = arith.constant 0 : i32
    %lt3A_115 = vector.broadcast %lt3A_114 : i32 to vector<128x16xi32>
    %lt3A_116 = arith.cmpi slt, %rem3A_110, %lt3A_115 : vector<128x16xi32>
    %lt3A_117 = arith.constant 0 : i32
    %lt3A_118 = arith.cmpi slt, %select_n3A_108, %lt3A_117 : i32
    %ne3A_119 = vector.broadcast %lt3A_118 : i1 to vector<128x16xi1>
    %ne3A_120 = vector.broadcast %ne3A_119 : vector<128x16xi1> to vector<128x16xi1>
    %ne3A_121 = arith.xori %lt3A_116, %ne3A_120 : vector<128x16xi1>
    %and3A_122 = arith.andi %ne3A_121, %ne3A_113 : vector<128x16xi1>
    %add3A_123 = vector.broadcast %select_n3A_108 : i32 to vector<128x16xi32>
    %add3A_124 = arith.addi %rem3A_110, %add3A_123 : vector<128x16xi32>
    %select_n3A_125 = arith.select %and3A_122, %add3A_124, %rem3A_110 : vector<128x16xi1>, vector<128x16xi32>
    %eq3A_126 = arith.cmpi eq, %select_n3A_125, %iota3A_103 : vector<128x16xi32>
    %lt3A_127 = arith.constant 416 : i32
    %lt3A_128 = vector.broadcast %lt3A_127 : i32 to vector<128x16xi32>
    %lt3A_129 = arith.cmpi slt, %add3A_102, %lt3A_128 : vector<128x16xi32>
    %and3A_130 = arith.andi %eq3A_126, %lt3A_129 : vector<128x16xi1>
    %jit3A_131 = arith.constant 1.000000e+00 : f32
    %jit3A_132 = arith.constant 0.000000e+00 : f32
    %broadcast_in_dim3A_133 = vector.broadcast %jit3A_131 : f32 to vector<128x16xf32>
    %broadcast_in_dim3A_134 = vector.broadcast %jit3A_132 : f32 to vector<128x16xf32>
    %select_n3A_135 = arith.select %and3A_130, %broadcast_in_dim3A_133, %broadcast_in_dim3A_134 : vector<128x16xi1>, vector<128x16xf32>
    %dot_general3A_136 = arith.constant dense<0.000000e+00> : vector<1024x16xf32>
    %dot_general3A_137 = tpu.matmul %squeeze3A_98, %select_n3A_135, %dot_general3A_136 {dimension_numbers = #tpu.dot_dimension_numbers<[1], [0], [0], [1], [0, 0, 1, 1], [], []>, transpose_lhs_hint = false} : vector<1024x128xf32>, vector<128x16xf32>, vector<1024x16xf32> -> vector<1024x16xf32>
    %add3A_138 = arith.addf %add3A_88, %dot_general3A_137 : vector<1024x16xf32>
    %mul3A_139 = arith.mulf %squeeze3A_98, %squeeze3A_98 : vector<1024x128xf32>
    %dot_general3A_140 = arith.constant dense<0.000000e+00> : vector<1024x16xf32>
    %dot_general3A_141 = tpu.matmul %mul3A_139, %select_n3A_135, %dot_general3A_140 {dimension_numbers = #tpu.dot_dimension_numbers<[1], [0], [0], [1], [0, 0, 1, 1], [], []>, transpose_lhs_hint = false} : vector<1024x128xf32>, vector<128x16xf32>, vector<1024x16xf32> -> vector<1024x16xf32>
    %add3A_142 = arith.addf %add3A_92, %dot_general3A_141 : vector<1024x16xf32>
    %slice3A_143 = vector.extract_strided_slice %get3A_4 {offsets = [256, 0], sizes = [128, 256], strides = [1, 1]} : vector<512x256xf32> to vector<128x256xf32>
    %dot_general3A_144 = arith.constant dense<0.000000e+00> : vector<1024x256xf32>
    %dot_general3A_145 = tpu.matmul %squeeze3A_98, %slice3A_143, %dot_general3A_144 {dimension_numbers = #tpu.dot_dimension_numbers<[1], [0], [0], [1], [0, 0, 1, 1], [], []>, transpose_lhs_hint = false} : vector<1024x128xf32>, vector<128x256xf32>, vector<1024x256xf32> -> vector<1024x256xf32>
    %add3A_146 = arith.addf %add3A_96, %dot_general3A_145 : vector<1024x256xf32>
    %slice3A_147 = vector.extract_strided_slice %reshape3A {offsets = [0, 3, 0], sizes = [1024, 1, 128], strides = [1, 1, 1]} : vector<1024x4x128xf32> to vector<1024x1x128xf32>
    %squeeze3A_148 = vector.shape_cast %slice3A_147 : vector<1024x1x128xf32> to vector<1024x128xf32>
    %iota3A_149 = tpu.iota {dimensions = array<i32: 0>} : vector<128x16xi32>
    %add3A_150 = arith.constant 384 : i32
    %add3A_151 = vector.broadcast %add3A_150 : i32 to vector<128x16xi32>
    %add3A_152 = arith.addi %iota3A_149, %add3A_151 : vector<128x16xi32>
    %iota3A_153 = tpu.iota {dimensions = array<i32: 1>} : vector<128x16xi32>
    %jit3A_154 = arith.constant 16 : i32
    %eq3A_155 = arith.constant 0 : i32
    %eq3A_156 = arith.cmpi eq, %jit3A_154, %eq3A_155 : i32
    %jit3A_157 = arith.constant 1 : i32
    %select_n3A_158 = arith.select %eq3A_156, %jit3A_157, %jit3A_154 : i32
    %rem3A_159 = vector.broadcast %select_n3A_158 : i32 to vector<128x16xi32>
    %rem3A_160 = arith.remsi %add3A_152, %rem3A_159 : vector<128x16xi32>
    %ne3A_161 = arith.constant 0 : i32
    %ne3A_162 = vector.broadcast %ne3A_161 : i32 to vector<128x16xi32>
    %ne3A_163 = arith.cmpi ne, %rem3A_160, %ne3A_162 : vector<128x16xi32>
    %lt3A_164 = arith.constant 0 : i32
    %lt3A_165 = vector.broadcast %lt3A_164 : i32 to vector<128x16xi32>
    %lt3A_166 = arith.cmpi slt, %rem3A_160, %lt3A_165 : vector<128x16xi32>
    %lt3A_167 = arith.constant 0 : i32
    %lt3A_168 = arith.cmpi slt, %select_n3A_158, %lt3A_167 : i32
    %ne3A_169 = vector.broadcast %lt3A_168 : i1 to vector<128x16xi1>
    %ne3A_170 = vector.broadcast %ne3A_169 : vector<128x16xi1> to vector<128x16xi1>
    %ne3A_171 = arith.xori %lt3A_166, %ne3A_170 : vector<128x16xi1>
    %and3A_172 = arith.andi %ne3A_171, %ne3A_163 : vector<128x16xi1>
    %add3A_173 = vector.broadcast %select_n3A_158 : i32 to vector<128x16xi32>
    %add3A_174 = arith.addi %rem3A_160, %add3A_173 : vector<128x16xi32>
    %select_n3A_175 = arith.select %and3A_172, %add3A_174, %rem3A_160 : vector<128x16xi1>, vector<128x16xi32>
    %eq3A_176 = arith.cmpi eq, %select_n3A_175, %iota3A_153 : vector<128x16xi32>
    %lt3A_177 = arith.constant 416 : i32
    %lt3A_178 = vector.broadcast %lt3A_177 : i32 to vector<128x16xi32>
    %lt3A_179 = arith.cmpi slt, %add3A_152, %lt3A_178 : vector<128x16xi32>
    %and3A_180 = arith.andi %eq3A_176, %lt3A_179 : vector<128x16xi1>
    %jit3A_181 = arith.constant 1.000000e+00 : f32
    %jit3A_182 = arith.constant 0.000000e+00 : f32
    %broadcast_in_dim3A_183 = vector.broadcast %jit3A_181 : f32 to vector<128x16xf32>
    %broadcast_in_dim3A_184 = vector.broadcast %jit3A_182 : f32 to vector<128x16xf32>
    %select_n3A_185 = arith.select %and3A_180, %broadcast_in_dim3A_183, %broadcast_in_dim3A_184 : vector<128x16xi1>, vector<128x16xf32>
    %dot_general3A_186 = arith.constant dense<0.000000e+00> : vector<1024x16xf32>
    %dot_general3A_187 = tpu.matmul %squeeze3A_148, %select_n3A_185, %dot_general3A_186 {dimension_numbers = #tpu.dot_dimension_numbers<[1], [0], [0], [1], [0, 0, 1, 1], [], []>, transpose_lhs_hint = false} : vector<1024x128xf32>, vector<128x16xf32>, vector<1024x16xf32> -> vector<1024x16xf32>
    %add3A_188 = arith.addf %add3A_138, %dot_general3A_187 : vector<1024x16xf32>
    %mul3A_189 = arith.mulf %squeeze3A_148, %squeeze3A_148 : vector<1024x128xf32>
    %dot_general3A_190 = arith.constant dense<0.000000e+00> : vector<1024x16xf32>
    %dot_general3A_191 = tpu.matmul %mul3A_189, %select_n3A_185, %dot_general3A_190 {dimension_numbers = #tpu.dot_dimension_numbers<[1], [0], [0], [1], [0, 0, 1, 1], [], []>, transpose_lhs_hint = false} : vector<1024x128xf32>, vector<128x16xf32>, vector<1024x16xf32> -> vector<1024x16xf32>
    %add3A_192 = arith.addf %add3A_142, %dot_general3A_191 : vector<1024x16xf32>
    %slice3A_193 = vector.extract_strided_slice %get3A_4 {offsets = [384, 0], sizes = [128, 256], strides = [1, 1]} : vector<512x256xf32> to vector<128x256xf32>
    %dot_general3A_194 = arith.constant dense<0.000000e+00> : vector<1024x256xf32>
    %dot_general3A_195 = tpu.matmul %squeeze3A_148, %slice3A_193, %dot_general3A_194 {dimension_numbers = #tpu.dot_dimension_numbers<[1], [0], [0], [1], [0, 0, 1, 1], [], []>, transpose_lhs_hint = false} : vector<1024x128xf32>, vector<128x256xf32>, vector<1024x256xf32> -> vector<1024x256xf32>
    %add3A_196 = arith.addf %add3A_146, %dot_general3A_195 : vector<1024x256xf32>
    %mul3A_197 = arith.mulf %add3A_188, %add3A_188 : vector<1024x16xf32>
    %sub3A = arith.subf %mul3A_197, %add3A_192 : vector<1024x16xf32>
    %reduce_sum3A = arith.constant dense<0.000000e+00> : vector<1024xf32>
    %reduce_sum3A_198 = vector.multi_reduction <add>, %sub3A, %reduce_sum3A [1] : vector<1024x16xf32> to vector<1024xf32>
    %broadcast_in_dim3A_199 = vector.shape_cast %reduce_sum3A_198 : vector<1024xf32> to vector<1024x1xf32>
    %mul3A_200 = arith.constant 5.000000e-01 : f32
    %mul3A_201 = vector.broadcast %mul3A_200 : f32 to vector<1024x1xf32>
    %mul3A_202 = arith.mulf %mul3A_201, %broadcast_in_dim3A_199 : vector<1024x1xf32>
    %get3A_203 = arith.constant 0 : index
    %get3A_204 = arith.constant 0 : index
    %get3A_205 = vector.load %arg2[%get3A_203, %get3A_204] : memref<1024x32xf32, #tpu.memory_space<vmem>>, vector<1024x32xf32>
    %reduce_sum3A_206 = arith.constant dense<0.000000e+00> : vector<1024xf32>
    %reduce_sum3A_207 = vector.multi_reduction <add>, %get3A_205, %reduce_sum3A_206 [1] : vector<1024x32xf32> to vector<1024xf32>
    %broadcast_in_dim3A_208 = vector.shape_cast %reduce_sum3A_207 : vector<1024xf32> to vector<1024x1xf32>
    %get3A_209 = arith.constant 0 : index
    %get3A_210 = arith.constant 0 : index
    %get3A_211 = vector.load %arg5[%get3A_209, %get3A_210] : memref<1x256xf32, #tpu.memory_space<vmem>>, vector<1x256xf32>
    %add3A_212 = vector.broadcast %get3A_211 : vector<1x256xf32> to vector<1024x256xf32>
    %add3A_213 = arith.addf %add3A_196, %add3A_212 : vector<1024x256xf32>
    %max3A = arith.constant 0.000000e+00 : f32
    %max3A_214 = vector.broadcast %max3A : f32 to vector<1024x256xf32>
    %max3A_215 = arith.maximumf %add3A_213, %max3A_214 : vector<1024x256xf32>
    %get3A_216 = arith.constant 0 : index
    %get3A_217 = arith.constant 0 : index
    %get3A_218 = vector.load %arg6[%get3A_216, %get3A_217] : memref<256x128xf32, #tpu.memory_space<vmem>>, vector<256x128xf32>
    %dot_general3A_219 = arith.constant dense<0.000000e+00> : vector<1024x128xf32>
    %dot_general3A_220 = tpu.matmul %max3A_215, %get3A_218, %dot_general3A_219 {dimension_numbers = #tpu.dot_dimension_numbers<[1], [0], [0], [1], [0, 0, 1, 1], [], []>, transpose_lhs_hint = false} : vector<1024x256xf32>, vector<256x128xf32>, vector<1024x128xf32> -> vector<1024x128xf32>
    %get3A_221 = arith.constant 0 : index
    %get3A_222 = arith.constant 0 : index
    %get3A_223 = vector.load %arg7[%get3A_221, %get3A_222] : memref<1x128xf32, #tpu.memory_space<vmem>>, vector<1x128xf32>
    %add3A_224 = vector.broadcast %get3A_223 : vector<1x128xf32> to vector<1024x128xf32>
    %add3A_225 = arith.addf %dot_general3A_220, %add3A_224 : vector<1024x128xf32>
    %max3A_226 = arith.constant 0.000000e+00 : f32
    %max3A_227 = vector.broadcast %max3A_226 : f32 to vector<1024x128xf32>
    %max3A_228 = arith.maximumf %add3A_225, %max3A_227 : vector<1024x128xf32>
    %get3A_229 = arith.constant 0 : index
    %get3A_230 = arith.constant 0 : index
    %get3A_231 = vector.load %arg8[%get3A_229, %get3A_230] : memref<128x64xf32, #tpu.memory_space<vmem>>, vector<128x64xf32>
    %dot_general3A_232 = arith.constant dense<0.000000e+00> : vector<1024x64xf32>
    %dot_general3A_233 = tpu.matmul %max3A_228, %get3A_231, %dot_general3A_232 {dimension_numbers = #tpu.dot_dimension_numbers<[1], [0], [0], [1], [0, 0, 1, 1], [], []>, transpose_lhs_hint = false} : vector<1024x128xf32>, vector<128x64xf32>, vector<1024x64xf32> -> vector<1024x64xf32>
    %get3A_234 = arith.constant 0 : index
    %get3A_235 = arith.constant 0 : index
    %get3A_236 = vector.load %arg9[%get3A_234, %get3A_235] : memref<1x64xf32, #tpu.memory_space<vmem>>, vector<1x64xf32>
    %add3A_237 = vector.broadcast %get3A_236 : vector<1x64xf32> to vector<1024x64xf32>
    %add3A_238 = arith.addf %dot_general3A_233, %add3A_237 : vector<1024x64xf32>
    %max3A_239 = arith.constant 0.000000e+00 : f32
    %max3A_240 = vector.broadcast %max3A_239 : f32 to vector<1024x64xf32>
    %max3A_241 = arith.maximumf %add3A_238, %max3A_240 : vector<1024x64xf32>
    %get3A_242 = arith.constant 0 : index
    %get3A_243 = arith.constant 0 : index
    %get3A_244 = vector.load %arg10[%get3A_242, %get3A_243] : memref<1x64xf32, #tpu.memory_space<vmem>>, vector<1x64xf32>
    %mul3A_245 = vector.broadcast %get3A_244 : vector<1x64xf32> to vector<1024x64xf32>
    %mul3A_246 = arith.mulf %max3A_241, %mul3A_245 : vector<1024x64xf32>
    %reduce_sum3A_247 = arith.constant dense<0.000000e+00> : vector<1024xf32>
    %reduce_sum3A_248 = vector.multi_reduction <add>, %mul3A_246, %reduce_sum3A_247 [1] : vector<1024x64xf32> to vector<1024xf32>
    %broadcast_in_dim3A_249 = vector.shape_cast %reduce_sum3A_248 : vector<1024xf32> to vector<1024x1xf32>
    %add3A_250 = arith.addf %mul3A_202, %broadcast_in_dim3A_208 : vector<1024x1xf32>
    %add3A_251 = arith.addf %add3A_250, %broadcast_in_dim3A_249 : vector<1024x1xf32>
    %get3A_252 = arith.constant 0 : index
    %get3A_253 = memref.load %arg3[%get3A_252] : memref<1xf32, #tpu.memory_space<smem>>
    %add3A_254 = vector.broadcast %get3A_253 : f32 to vector<1024x1xf32>
    %add3A_255 = arith.addf %add3A_251, %add3A_254 : vector<1024x1xf32>
    %neg3A = arith.constant 0.000000e+00 : f32
    %neg3A_256 = vector.broadcast %neg3A : f32 to vector<1024x1xf32>
    %neg3A_257 = arith.subf %neg3A_256, %add3A_255 : vector<1024x1xf32>
    %exp3A = math.exp %neg3A_257 : vector<1024x1xf32>
    %add3A_258 = arith.constant 1.000000e+00 : f32
    %add3A_259 = vector.broadcast %add3A_258 : f32 to vector<1024x1xf32>
    %add3A_260 = arith.addf %add3A_259, %exp3A : vector<1024x1xf32>
    %div3A = arith.constant 1.000000e+00 : f32
    %div3A_261 = vector.broadcast %div3A : f32 to vector<1024x1xf32>
    %div3A_262 = arith.divf %div3A_261, %add3A_260 : vector<1024x1xf32>
    %swap3A = arith.constant 0 : index
    %swap3A_263 = arith.constant 0 : index
    %swap3A_264 = vector.load %arg11[%swap3A, %swap3A_263] : memref<1024x1xf32, #tpu.memory_space<vmem>>, vector<1024x1xf32>
    tpu.vector_store %arg11[%swap3A, %swap3A_263], %div3A_262 {strides = array<i32>} : memref<1024x1xf32, #tpu.memory_space<vmem>>, vector<1024x1xf32>,
    return
  }
  func.func @transform_0(%arg0: i32) -> (i32, i32) {
    %c0_i32 = arith.constant 0 : i32
    %c0_i32_0 = arith.constant 0 : i32
    return %arg0, %c0_i32 : i32, i32
  }
  func.func @transform_1(%arg0: i32) -> (i32, i32) {
    %c0_i32 = arith.constant 0 : i32
    %c0_i32_0 = arith.constant 0 : i32
    return %arg0, %c0_i32 : i32, i32
  }
  func.func @transform_2(%arg0: i32) -> i32 {
    %c0_i32 = arith.constant 0 : i32
    %c0_i32_0 = arith.constant 0 : i32
    return %c0_i32 : i32
  }
  func.func @transform_3(%arg0: i32) -> (i32, i32) {
    %c0_i32 = arith.constant 0 : i32
    %c0_i32_0 = arith.constant 0 : i32
    %c0_i32_1 = arith.constant 0 : i32
    return %c0_i32, %c0_i32_0 : i32, i32
  }
  func.func @transform_4(%arg0: i32) -> (i32, i32) {
    %c0_i32 = arith.constant 0 : i32
    %c0_i32_0 = arith.constant 0 : i32
    %c0_i32_1 = arith.constant 0 : i32
    return %c0_i32, %c0_i32_0 : i32, i32
  }
  func.func @transform_5(%arg0: i32) -> (i32, i32) {
    %c0_i32 = arith.constant 0 : i32
    %c0_i32_0 = arith.constant 0 : i32
    %c0_i32_1 = arith.constant 0 : i32
    return %c0_i32, %c0_i32_0 : i32, i32
  }
  func.func @transform_6(%arg0: i32) -> (i32, i32) {
    %c0_i32 = arith.constant 0 : i32
    %c0_i32_0 = arith.constant 0 : i32
    %c0_i32_1 = arith.constant 0 : i32
    return %c0_i32, %c0_i32_0 : i32, i32
  }
  func.func @transform_7(%arg0: i32) -> (i32, i32) {
    %c0_i32 = arith.constant 0 : i32
    %c0_i32_0 = arith.constant 0 : i32
    %c0_i32_1 = arith.constant 0 : i32
    return %c0_i32, %c0_i32_0 : i32, i32
  }
  func.func @transform_8(%arg0: i32) -> (i32, i32) {
    %c0_i32 = arith.constant 0 : i32
    %c0_i32_0 = arith.constant 0 : i32
    %c0_i32_1 = arith.constant 0 : i32
    return %c0_i32, %c0_i32_0 : i32, i32
  }
  func.func @transform_9(%arg0: i32) -> (i32, i32) {
    %c0_i32 = arith.constant 0 : i32
    %c0_i32_0 = arith.constant 0 : i32
    %c0_i32_1 = arith.constant 0 : i32
    return %c0_i32, %c0_i32_0 : i32, i32
  }
  func.func @transform_10(%arg0: i32) -> (i32, i32) {
    %c0_i32 = arith.constant 0 : i32
    %c0_i32_0 = arith.constant 0 : i32
    return %arg0, %c0_i32 : i32, i32
  }
}

</mosaic_0001>

<sc_bundles>
// kernel: kernel.5.cloned.1.call-start
scs
__scs_entry_jumppad:
0x0: {  	(pc) =	sbr.rel $0x88, $3  }
0x1: {  	(tag) =	ssettag $0x0;
	lr =	simm.s32 $0x1  }
0x2: {  	[smem:$0x3F95] =	sst lr;
	_ =	strace $0xD0000000  }
0x3: {  	_ = 	snop  }
0x4: {  	_ = 	snop  }
0x5: {  	_ = 	snop  }
0x6: {  	_ = 	snop  }
0x7: {  	_ = 	snop  }
__scs_overlays_trampoline_lowered:
0x8: {  	[smem:$0x3FA4] =	sst s0  }
0x9: {  	[smem:$0x3FA5] =	sst s1  }
0xa: {  	[smem:$0x3FA6] =	sst s2  }
0xb: {  	[smem:$0x3FA7] =	sst s3  }
0xc: {  	[smem:$0x3FA8] =	sst s4  }
0xd: {  	[smem:$0x3FA9] =	sst s5  }
0xe: {  	[smem:$0x3FAA] =	sst s6  }
0xf: {  	[smem:$0x3FAB] =	sst s7  }
0x10: {  	[smem:$0x3FAC] =	sst s8  }
0x11: {  	[smem:$0x3FAD] =	sst s9;
	s0 =	simm.s32 @!p0 $0x0  }
0x12: {  	s1 =	sld [smem:$0x3F93];
	s0 =	simm.s32 @p0 $0x1  }
0x13: {  	[smem:$0x3FAE] =	sst s0;
	s0 =	simm.s32 @!p1 $0x0  }
0x14: {  	s2 =	sld [smem:$0x3F92];
	s0 =	simm.s32 @p1 $0x1  }
0x15: {  	[smem:$0x3FAF] =	sst s0;
	s0 =	simm.s32 @!p2 $0x0  }
0x16: {  	s3 =	sld [smem:$0x3FDB];
	s0 =	simm.s32 @p2 $0x1  }
0x17: {  	s4 =	simm.s32 $0x1BF5;
	[smem:$0x3FB1] =	sst s0  }
0x18: {  	s0 =	sld [smem:$0x3F94];
	_ =	swait.ge [sflag:s4], $0x0  }
0x19: {  	s7 =	sld [smem:$0x3F95]  }
0x1a: {  	s8 =	sadd.s32 $0xFFFFE003, lr  }
0x1b: {  	s9 =	sadd.s32 $0xFFFFFEF7, lr;
	s5 =	simm.s32 $0xFFFFFFFF;
	p2 =	slt.u32 s8, $0xFFFFF086  }
0x1c: {  	p1 =	slt.u32 s9, $0xF7A;
	s5 =	simm.s32 @!p2 $0x0  }
0x1d: {  	s5 =	simm.s32 @p1 $0x1;
	p0 =	seq.s32 s7, s2  }
0x1e: {  	s7 =	smul.u32 @!p0 $0xF7A, s2;
	p2 =	seq.s32 @!p0 s5, $0x0  }
0x1f: {  	s9 =	smul.u32 $0xF7A, s1;
	s8 =	simm.s32 @!p0 $0x1BF5;
	p2 =	por !p2, p0  }
0x20: {  	[sflag:s8] =	ssyncset.s32 @!p0 $0xFFFFF086;
	s6 =	sadd.s32 @!p0 s3, s7;
	s7 =	simm.s32 @!p0 $0x108  }
0x21: {  	s3 =	sadd.s32 s3, s9;
	s6 =	sadd.s32 @!p0 $0x88, s6;
	s7 =	simm.s32 @p2 $0x1082  }
0x22: {  	[simem:s7], [sflag:s8] =	dma.local @!p0 [hbm:s6], $0xF7A  }
0x23: {  	s9 =	sor.u32 $0xD0000000, s2;
	s6 =	simm.s32 $0x108;
	_ =	swait.ge @!p0 [sflag:s8], $0x0  }
0x24: {  	s3 =	sadd.s32 $0x88, s3;
	s6 =	simm.s32 @!p1 $0x1082;
	[sflag:s4] =	ssyncset.s32 $0xFFFFF086  }
0x25: {  	[simem:s6], [sflag:s4] =	dma.local [hbm:s3], $0xF7A  }
0x26: {  	[smem:$0x3F95] =	sst s1;
	(tag) =	ssettag s2;
	_ =	strace s9  }
0x27: {  	s1 =	sld [smem:$0x3FA5]  }
0x28: {  	s2 =	sld [smem:$0x3FA6]  }
0x29: {  	s4 =	sld [smem:$0x3FA8]  }
0x2a: {  	p0 =	seq.s32 s5, $0x0;
	s5 =	sld [smem:$0x3FA9]  }
0x2b: {  	s6 =	sld [smem:$0x3FAA]  }
0x2c: {  	s7 =	sld [smem:$0x3FAB]  }
0x2d: {  	s3 =	simm.s32 $0x108;
	s8 =	sld [smem:$0x3FAC]  }
0x2e: {  	s3 =	simm.s32 @!p0 $0x1082;
	s9 =	sld [smem:$0x3FAD]  }
0x2f: {  	lr =	sadd.s32 s0, s3;
	s0 =	sld [smem:$0x3FA4]  }
0x30: {  	s3 =	sld [smem:$0x3FA7]  }
0x31: {  	[smem:$0x3FB0] =	sst s10  }
0x32: {  	s10 =	sld [smem:$0x3FAE];
	_ =	sdelay $0x3  }
0x33: {  	p0 =	seq.s32 s10, $0x1;
	s10 =	sld [smem:$0x3FB0];
	_ =	sdelay $0x3  }
0x34: {  	[smem:$0x3FB0] =	sst s10  }
0x35: {  	s10 =	sld [smem:$0x3FAF];
	_ =	sdelay $0x3  }
0x36: {  	p1 =	seq.s32 s10, $0x1;
	s10 =	sld [smem:$0x3FB0];
	_ =	sdelay $0x3  }
0x37: {  	[smem:$0x3FB0] =	sst s10  }
0x38: {  	s10 =	sld [smem:$0x3FB1]  }
0x39: {  	_ = 	snop;
	(pc) =	sbr.ind lr, $3  }
0x3a: {  	_ = 	snop  }
0x3b: {  	_ = 	snop  }
0x3c: {  	p2 =	seq.s32 s10, $0x1;
	s10 =	sld [smem:$0x3FB0]  }
0x3d: {  	_ =	shalt  }
0x3e: {  	_ =	shalt  }
0x3f: {  	_ =	shalt  }
0x40: {  	_ =	shalt  }
0x41: {  	_ =	shalt  }
0x42: {  	_ =	shalt  }
0x43: {  	_ =	shalt  }
0x44: {  	_ =	shalt  }
0x45: {  	_ =	shalt  }
0x46: {  	_ =	shalt  }
0x47: {  	_ =	shalt  }
0x48: {  	_ =	shalt  }
0x49: {  	_ =	shalt  }
0x4a: {  	_ =	shalt  }
0x4b: {  	_ =	shalt  }
0x4c: {  	_ =	shalt  }
0x4d: {  	_ =	shalt  }
0x4e: {  	_ =	shalt  }
0x4f: {  	_ =	shalt  }
0x50: {  	_ =	shalt  }
0x51: {  	_ =	shalt  }
0x52: {  	_ =	shalt  }
0x53: {  	_ =	shalt  }
0x54: {  	_ =	shalt  }
0x55: {  	_ =	shalt  }
0x56: {  	_ =	shalt  }
0x57: {  	_ =	shalt  }
0x58: {  	_ =	shalt  }
0x59: {  	_ =	shalt  }
0x5a: {  	_ =	shalt  }
0x5b: {  	_ =	shalt  }
0x5c: {  	_ =	shalt  }
0x5d: {  	_ =	shalt  }
0x5e: {  	_ =	shalt  }
0x5f: {  	_ =	shalt  }
0x60: {  	_ =	shalt  }
0x61: {  	_ =	shalt  }
0x62: {  	_ =	shalt  }
0x63: {  	_ =	shalt  }
0x64: {  	_ =	shalt  }
0x65: {  	_ =	shalt  }
0x66: {  	_ =	shalt  }
0x67: {  	_ =	shalt  }
0x68: {  	_ =	shalt  }
0x69: {  	_ =	shalt  }
0x6a: {  	_ =	shalt  }
0x6b: {  	_ =	shalt  }
0x6c: {  	_ =	shalt  }
0x6d: {  	_ =	shalt  }
0x6e: {  	_ =	shalt  }
0x6f: {  	_ =	shalt  }
0x70: {  	_ =	shalt  }
0x71: {  	_ =	shalt  }
0x72: {  	_ =	shalt  }
0x73: {  	_ =	shalt  }
0x74: {  	_ =	shalt  }
0x75: {  	_ =	shalt  }
0x76: {  	_ =	shalt  }
0x77: {  	_ =	shalt  }
0x78: {  	_ =	shalt  }
0x79: {  	_ =	shalt  }
0x7a: {  	_ =	shalt  }
0x7b: {  	_ =	shalt  }
0x7c: {  	_ =	shalt  }
0x7d: {  	_ =	shalt  }
0x7e: {  	_ =	shalt  }
0x7f: {  	_ =	shalt  }
0x80: {  	_ =	shalt  }
0x81: {  	_ =	shalt  }
0x82: {  	_ =	shalt  }
0x83: {  	_ =	shalt  }
0x84: {  	_ =	shalt  }
0x85: {  	_ =	shalt  }
0x86: {  	_ =	shalt  }
0x87: {  	_ =	shalt  }
.Lfunc_end0:
.L_simem_size_0:
called_computation_lowered:
.L_overlay_start_0:
0x88: {  	s2 =	sld [smem:$0x3FD9]  }
0x89: {  	s3 =	sld [smem:$0x3FFE];
	_ =	sdelay $0x1  }
0x8a: {  	s1 =	srdreg.scid  }
0x8b: {  	s0 =	sand.u32 $0x1, s1  }
0x8c: {  	s16 =	sshll.u32 s0, $0xA;
	s2 =	sadd.s32 s3, s2  }
0x8d: {  	s2 =	sadd.s32 s2, s16  }
0x8e: {  	[smem:$0x3FBC] =	sst s2  }
0x8f: {  	_ = 	snop  }
0x90: {  	(tm) =	ssettm $0x1  }
0x91: {  	s17 =	sld [smem:$0x3FFB];
	_ =	sdelay $0x3  }
0x92: {  	_ =	strace s17  }
0x93: {  	s2 =	sld [smem:$0x3FFC];
	_ =	sdelay $0x3  }
0x94: {  	_ =	strace s2  }
0x95: {  	s2 =	sld [smem:$0x3FFD];
	_ =	sdelay $0x3  }
0x96: {  	_ =	strace s2  }
0x97: {  	_ =	strace $0x8FFFFFFF  }
0x98: {  	s18 =	sld [smem:$0x3FDB];
	_ =	sdelay $0x1  }
0x99: {  	s19 =	simm.s32 $_scs_section_size  }
0x9a: {  	s4 =	simm.s32 $_size__tile_overlayer_lowered;
	s5 =	simm.s32 $_tile_overlayer_lowered  }
0x9b: {  	s22 =	simm.s32 $0x1BFF;
	s21 =	sshll.u32 s5, $0x1;
	s2 =	sadd.s32 s19, s18  }
0x9c: {  	s6 =	simm.s32 $0x0;
	s20 =	sshll.u32 s4, $0x1;
	s4 =	sadd.s32 s21, s2  }
0x9d: {  	[timem:s6], [sflag:s22] =	dma.local [hbm:s4], s20  }
0x9e: {  	_ =	swait.ge [sflag:s22], s20  }
0x9f: {  	s3 =	ssub.s32 $0x0, s20;
	[sflag:s22] =	ssyncset.done $0x0  }
0xa0: {  	[sflag:s22] =	ssyncadd.s32 s3;
	_ =	sdelay $0x1  }
0xa1: {  	s23 =	simm.s32 $0x1B8B  }
0xa2: {  	_ =	swait.ge [sflag:s23], $0x1  }
0xa3: {  	[sflag:s23] =	ssyncset.done $0x0  }
0xa4: {  	s25 =	simm.s32 $0x1B8E;
	s24 =	sld [smem:$0x3FFE];
	[sflag:s23] =	ssyncadd.s32 $0xFFFFFFFF  }
0xa5: {  	s26 =	simm.s32 $execute0_lowered;
	[smem:$0x3FD2] =	sst s25  }
0xa6: {  	s4 =	sshll.u32 s26, $0x1;
	_ =	strace $0x80000046;
	[dreg:$0x1] =	wrdreg $0xFFFFFFFF  }
0xa7: {  	s28 =	simm.s32 $_size_execute0_lowered;
	s2 =	sadd.s32 s2, s4;
	[dreg:$0x0] =	wrdreg $0x0  }
0xa8: {  	s4 =	sshll.u32 s28, $0x1;
	[dreg:$0x2] =	wrdreg s2  }
0xa9: {  	[dreg:$0x3] =	wrdreg s4  }
0xaa: {  	[dreg:$0x4] =	wrdreg $0xC0  }
0xab: {  	_ =	task [dreg:s6], $0x5FFFF  }
0xac: {  	[dreg:$0x1] =	wrdreg $0xFFFFFFFF  }
0xad: {  	[dreg:$0x0] =	wrdreg $0x60  }
0xae: {  	[dreg:$0x2] =	wrdreg s24  }
0xaf: {  	[dreg:$0x3] =	wrdreg $0x9  }
0xb0: {  	_ =	task.clear_ibuf [dreg:s6], $0x4FFFF;
	_ =	strace $0x90000046  }
0xb1: {  	s29 =	simm.s32 $0x9;
	_ =	strace $0x80000048  }
0xb2: {  	_ =	swait.ge [sflag:s29], $0x1  }
0xb3: {  	[sflag:s29] =	ssyncadd.s32 $0xFFFFFFFF  }
0xb4: {  	_ =	strace $0x90000048  }
0xb5: {  	_ =	sfence  }
0xb6: {  	s30 =	sld [smem:$0x0];
	_ =	sdelay $0x2  }
0xb7: {  	s31 =	sshll.u32 s1, $0xD;
	s1 =	sshrl.u32 s1, $0x2  }
0xb8: {  	s3 =	sand.u32 $0x4000, s31;
	s1 =	sadd.s32 s1, s30  }
0xb9: {  	s0 =	sor.u32 s3, s0;
	s1 =	sshll.u32 s1, $0x11  }
0xba: {  	s0 =	sor.u32 s1, s0  }
0xbb: {  	s0 =	sadd.s32 $0x8F2B, s0  }
0xbc: {  	[sflag:s0] =	ssyncadd.remote.s32 $0x1  }
0xbd: {  	_ =	sfence.sel $0xFFFF  }
0xbe: {  	[dreg:$0x0] =	wrdreg $0xFFFFFFFF;
	(pc) =	sbr.abs _section_cstart, $3  }
0xbf: {  	[dreg:$0x1] =	wrdreg $0xFFFFFFFF  }
0xc0: {  	_ =	task.clear_ibuf [dreg:s6], $0x2FFFF;
	_ =	strace $0x9FFFFFFF  }
0xc1: {  	(tm) =	ssettm $0x7FFFFFFF  }
tec
execute0_lowered:
.L_overlay_start_1:
0x0: {  	(tag) =	ssettag $0x1  }
0x1: {  	s0 =	rddreg [dreg:$0x0]  }
0x2: {  	s2 =	simm.s32 $0x0;
	s1 =	srdreg.scid;
	s6 =	stileid.u32  }
0x3: {  	p0 =	por $0x0, $0x0;
	[smem:$0x7FF] =	sst s2;
	s3 =	sadd.s32 $0x1600, s0  }
0x4: {  	s4 =	sadd.s32 $0x201600, s0;
	s1 =	sand.u32 $0x1, s1;
	s5 =	sadd.s32 $0x1F1600, s0  }
0x5: {  	s6 =	sshll.u32 s6, $0xF;
	s9 =	sadd.s32 $0x230600, s0;
	s7 =	sshll.u32 s1, $0xE  }
0x6: {  	s0 =	sadd.s32 $0x220600, s0;
	s1 =	ssub.s32 $0x2, s1;
	s6 =	sor.u32 s7, s6  }
0x7: {  	_ =	strace $0x80000047;
	s10 =	sshrl.u32 s1, $0x1;
	s7 =	sshrl.u32 s6, $0x3  }
0x8: {  	s8 =	sor.u32 $0x800, s6;
	s13 =	sshll.u32 s6, $0x1;
	s19 =	sor.u32 $0x1000, s6  }
0x9: {  	s23 =	sor.u32 $0x1800, s6;
	s1 =	ssub.s32 s1, s10;
	s16 =	sor.u32 $0x3000, s6  }
0xa: {  	s11 =	sadd.s32 s5, s7;
	s12 =	sshrl.u32 s8, $0x3;
	s18 =	sadd.s32 s9, s13  }
0xb: {  	s7 =	sadd.s32 s0, s7;
	s20 =	sshrl.u32 s19, $0x3;
	s8 =	sshll.u32 s8, $0x1  }
0xc: {  	s24 =	sshrl.u32 s23, $0x3;
	s26 =	sshll.u32 s19, $0x1;
	[dreg:$0x2] =	wrdreg s11  }
0xd: {  	s13 =	sor.u32 $0x2800, s6;
	s17 =	sadd.s32 s5, s12;
	[dreg:$0x4] =	wrdreg s18  }
0xe: {  	[dreg:$0x5] =	wrdreg s7;
	s21 =	sadd.s32 s5, s20;
	s22 =	sadd.s32 s9, s8  }
0xf: {  	s31 =	sadd.s32 s0, s12;
	s30 =	sadd.s32 s5, s24;
	s29 =	sadd.s32 s9, s26  }
0x10: {  	s28 =	sadd.s32 s0, s20;
	s11 =	sor.u32 $0x2000, s6;
	[dreg:$0x3] =	wrdreg s17  }
0x11: {  	s8 =	sshll.u32 s23, $0x1;
	s14 =	sshrl.u32 s13, $0x3;
	[dreg:$0x6] =	wrdreg s21  }
0x12: {  	s24 =	sadd.s32 s0, s24;
	s6 =	sor.u32 $0x3800, s6;
	[dreg:$0x7] =	wrdreg s22  }
0x13: {  	s12 =	sshrl.u32 s11, $0x3;
	s25 =	sadd.s32 s9, s8;
	s23 =	sadd.s32 s5, s14  }
0x14: {  	s15 =	sshll.u32 s11, $0x1;
	s17 =	sshrl.u32 s16, $0x3;
	s18 =	sadd.s32 s0, s14  }
0x15: {  	s11 =	simm.s32 $0x2;
	s26 =	sadd.s32 s5, s12;
	s22 =	sadd.s32 s9, s15  }
0x16: {  	s21 =	sadd.s32 s0, s12;
	s12 =	sshll.u32 s13, $0x1;
	s20 =	sadd.s32 s5, s17  }
0x17: {  	s13 =	sshrl.u32 s6, $0x3;
	s8 =	sadd.s32 s0, s17;
	s17 =	smax.u32 s1, $0x1  }
0x18: {  	s15 =	sshll.u32 s16, $0x1;
	s16 =	sshll.u32 s6, $0x1;
	p1 =	sne.s32 s17, $0x1  }
.Ltmp0:
0x19: {  	s1 =	rddreg [dreg:$0x2];
	s19 =	sadd.s32 s9, s12;
	(pc) =	sbr.rel @!p1 .LBB2_3-.Ltmp0, $4  }
0x1a: {  	s14 =	sadd.s32 s5, s13;
	s10 =	sadd.s32 s9, s15;
	s7 =	sadd.s32 s9, s16  }
0x1b: {  	s6 =	sadd.s32 s0, s13;
	s5 =	simm.s32 $0x3;
	s15 =	simm.s32 $0x800  }
0x1c: {  	s0 =	sadd.s32 $0xFFFFFFFF, s17;
	s17 =	simm.s32 $0x1000;
	s16 =	simm.s32 $0x11000  }
0x1d: {  	s13 =	simm.s32 $0x1;
	s12 =	simm.s32 $0x9000;
	s9 =	simm.s32 $0x11800  }
0x1e: {  	[tilespmem:s2], [sflag:$0x3] =	stream.linear.gather [hbm4b:s1+s2], $0x800, $0x38;
	[tilespmem:$0x12000] =	vst v63  }
0x1f: {  	_ =	swait.ge [sflag:s5], $0x800  }
0x20: {  	[sflag:s5] =	ssyncset.done $0x0  }
0x21: {  	[sflag:s5] =	ssyncadd.s32 $0xFFFFF800  }
0x22: {  	[tilespmem:s17], [sflag:$0x1] =	stream.indirect.gather [hbm4b:s3+s15], $0x10, s2, s15, $0xb8;
	[tilespmem:$0x12000] =	vst v63  }
0x23: {  	_ = 	snop  }
0x24: {  	[tilespmem:s16], [sflag:$0x2] =	stream.indirect.gather [hbm4b:s4+s15], $0x1, s2, s15, $0xb8;
	[tilespmem:$0x12000] =	vst v63  }
0x25: {  	_ =	swait.ge [sflag:s13], $0x8000  }
0x26: {  	[sflag:s13] =	ssyncset.done $0x0  }
0x27: {  	[sflag:s13] =	ssyncadd.s32 $0xFFFF8000  }
0x28: {  	_ =	swait.ge [sflag:s11], $0x800  }
0x29: {  	[sflag:s11] =	ssyncset.done $0x0  }
0x2a: {  	s1 =	rddreg [dreg:$0x3];
	[sflag:s11] =	ssyncadd.s32 $0xFFFFF800  }
0x2b: {  	[tilespmem:s15], [sflag:$0x3] =	stream.linear.gather [hbm4b:s1+s2], $0x800, $0x38;
	[tilespmem:$0x12000] =	vst v63  }
0x2c: {  	_ =	swait.ge [sflag:s5], $0x800  }
0x2d: {  	[sflag:s5] =	ssyncset.done $0x0  }
0x2e: {  	[sflag:s5] =	ssyncadd.s32 $0xFFFFF800  }
0x2f: {  	[tilespmem:s12], [sflag:$0x1] =	stream.indirect.gather [hbm4b:s3+s15], $0x10, s15, s15, $0xb8;
	[tilespmem:$0x12000] =	vst v63  }
0x30: {  	_ = 	snop  }
0x31: {  	[tilespmem:s9], [sflag:$0x2] =	stream.indirect.gather [hbm4b:s4+s15], $0x1, s15, s15, $0xb8;
	[tilespmem:$0x12000] =	vst v63  }
0x32: {  	s1 =	rddreg [dreg:$0x4]  }
0x33: {  	[hbm4b:s1+s2] =	stream.linear.scatter [tilespmem:s17], [sflag:$0x3], $0x8000, $0x38;
	[tilespmem:$0x12000] =	vst v63  }
0x34: {  	_ =	swait.ge [sflag:s5], $0x8000  }
0x35: {  	[sflag:s5] =	ssyncset.done $0x0  }
0x36: {  	s1 =	rddreg [dreg:$0x5];
	[sflag:s5] =	ssyncadd.s32 $0xFFFF8000  }
0x37: {  	[hbm4b:s1+s2] =	stream.linear.scatter [tilespmem:s16], [sflag:$0x3], $0x800, $0x38;
	[tilespmem:$0x12000] =	vst v63  }
0x38: {  	_ =	swait.ge [sflag:s5], $0x800  }
0x39: {  	[sflag:s5] =	ssyncset.done $0x0  }
0x3a: {  	[sflag:s5] =	ssyncadd.s32 $0xFFFFF800  }
0x3b: {  	_ =	swait.ge [sflag:s13], $0x8000  }
0x3c: {  	[sflag:s13] =	ssyncset.done $0x0  }
0x3d: {  	[sflag:s13] =	ssyncadd.s32 $0xFFFF8000  }
0x3e: {  	_ =	swait.ge [sflag:s11], $0x800  }
0x3f: {  	[sflag:s11] =	ssyncset.done $0x0  }
0x40: {  	s1 =	rddreg [dreg:$0x6];
	[sflag:s11] =	ssyncadd.s32 $0xFFFFF800  }
0x41: {  	[tilespmem:s2], [sflag:$0x3] =	stream.linear.gather [hbm4b:s1+s2], $0x800, $0x38;
	[tilespmem:$0x12000] =	vst v63  }
0x42: {  	_ =	swait.ge [sflag:s5], $0x800  }
0x43: {  	[sflag:s5] =	ssyncset.done $0x0  }
0x44: {  	[sflag:s5] =	ssyncadd.s32 $0xFFFFF800  }
0x45: {  	[tilespmem:s17], [sflag:$0x1] =	stream.indirect.gather [hbm4b:s3+s15], $0x10, s2, s15, $0xb8;
	[tilespmem:$0x12000] =	vst v63  }
0x46: {  	_ = 	snop  }
0x47: {  	[tilespmem:s16], [sflag:$0x2] =	stream.indirect.gather [hbm4b:s4+s15], $0x1, s2, s15, $0xb8;
	[tilespmem:$0x12000] =	vst v63  }
0x48: {  	s1 =	rddreg [dreg:$0x7]  }
0x49: {  	[hbm4b:s1+s2] =	stream.linear.scatter [tilespmem:s12], [sflag:$0x3], $0x8000, $0x38;
	[tilespmem:$0x12000] =	vst v63  }
0x4a: {  	_ =	swait.ge [sflag:s5], $0x8000  }
0x4b: {  	[sflag:s5] =	ssyncset.done $0x0  }
0x4c: {  	[sflag:s5] =	ssyncadd.s32 $0xFFFF8000  }
0x4d: {  	[hbm4b:s31+s2] =	stream.linear.scatter [tilespmem:s9], [sflag:$0x3], $0x800, $0x38;
	[tilespmem:$0x12000] =	vst v63  }
0x4e: {  	_ =	swait.ge [sflag:s5], $0x800  }
0x4f: {  	[sflag:s5] =	ssyncset.done $0x0  }
0x50: {  	[sflag:s5] =	ssyncadd.s32 $0xFFFFF800  }
0x51: {  	_ =	swait.ge [sflag:s13], $0x8000  }
0x52: {  	[sflag:s13] =	ssyncset.done $0x0  }
0x53: {  	[sflag:s13] =	ssyncadd.s32 $0xFFFF8000  }
0x54: {  	_ =	swait.ge [sflag:s11], $0x800  }
0x55: {  	[sflag:s11] =	ssyncset.done $0x0  }
0x56: {  	[sflag:s11] =	ssyncadd.s32 $0xFFFFF800  }
0x57: {  	[tilespmem:s15], [sflag:$0x3] =	stream.linear.gather [hbm4b:s30+s2], $0x800, $0x38;
	[tilespmem:$0x12000] =	vst v63  }
0x58: {  	_ =	swait.ge [sflag:s5], $0x800  }
0x59: {  	[sflag:s5] =	ssyncset.done $0x0  }
0x5a: {  	[sflag:s5] =	ssyncadd.s32 $0xFFFFF800  }
0x5b: {  	[tilespmem:s12], [sflag:$0x1] =	stream.indirect.gather [hbm4b:s3+s15], $0x10, s15, s15, $0xb8;
	[tilespmem:$0x12000] =	vst v63  }
0x5c: {  	_ = 	snop  }
0x5d: {  	[tilespmem:s9], [sflag:$0x2] =	stream.indirect.gather [hbm4b:s4+s15], $0x1, s15, s15, $0xb8;
	[tilespmem:$0x12000] =	vst v63  }
0x5e: {  	_ = 	snop  }
0x5f: {  	[hbm4b:s29+s2] =	stream.linear.scatter [tilespmem:s17], [sflag:$0x3], $0x8000, $0x38;
	[tilespmem:$0x12000] =	vst v63  }
0x60: {  	_ =	swait.ge [sflag:s5], $0x8000  }
0x61: {  	[sflag:s5] =	ssyncset.done $0x0  }
0x62: {  	[sflag:s5] =	ssyncadd.s32 $0xFFFF8000  }
0x63: {  	[hbm4b:s28+s2] =	stream.linear.scatter [tilespmem:s16], [sflag:$0x3], $0x800, $0x38;
	[tilespmem:$0x12000] =	vst v63  }
0x64: {  	_ =	swait.ge [sflag:s5], $0x800  }
0x65: {  	[sflag:s5] =	ssyncset.done $0x0  }
0x66: {  	[sflag:s5] =	ssyncadd.s32 $0xFFFFF800  }
0x67: {  	_ =	swait.ge [sflag:s13], $0x8000  }
0x68: {  	[sflag:s13] =	ssyncset.done $0x0  }
0x69: {  	[sflag:s13] =	ssyncadd.s32 $0xFFFF8000  }
0x6a: {  	_ =	swait.ge [sflag:s11], $0x800  }
0x6b: {  	[sflag:s11] =	ssyncset.done $0x0  }
0x6c: {  	[sflag:s11] =	ssyncadd.s32 $0xFFFFF800  }
0x6d: {  	[tilespmem:s2], [sflag:$0x3] =	stream.linear.gather [hbm4b:s26+s2], $0x800, $0x38;
	[tilespmem:$0x12000] =	vst v63  }
0x6e: {  	_ =	swait.ge [sflag:s5], $0x800  }
0x6f: {  	[sflag:s5] =	ssyncset.done $0x0  }
0x70: {  	[sflag:s5] =	ssyncadd.s32 $0xFFFFF800  }
0x71: {  	[tilespmem:s17], [sflag:$0x1] =	stream.indirect.gather [hbm4b:s3+s15], $0x10, s2, s15, $0xb8;
	[tilespmem:$0x12000] =	vst v63  }
0x72: {  	_ = 	snop  }
0x73: {  	[tilespmem:s16], [sflag:$0x2] =	stream.indirect.gather [hbm4b:s4+s15], $0x1, s2, s15, $0xb8;
	[tilespmem:$0x12000] =	vst v63  }
0x74: {  	_ = 	snop  }
0x75: {  	[hbm4b:s25+s2] =	stream.linear.scatter [tilespmem:s12], [sflag:$0x3], $0x8000, $0x38;
	[tilespmem:$0x12000] =	vst v63  }
0x76: {  	_ =	swait.ge [sflag:s5], $0x8000  }
0x77: {  	[sflag:s5] =	ssyncset.done $0x0  }
0x78: {  	[sflag:s5] =	ssyncadd.s32 $0xFFFF8000  }
0x79: {  	[hbm4b:s24+s2] =	stream.linear.scatter [tilespmem:s9], [sflag:$0x3], $0x800, $0x38;
	[tilespmem:$0x12000] =	vst v63  }
0x7a: {  	_ =	swait.ge [sflag:s5], $0x800  }
0x7b: {  	[sflag:s5] =	ssyncset.done $0x0  }
0x7c: {  	[sflag:s5] =	ssyncadd.s32 $0xFFFFF800  }
0x7d: {  	_ =	swait.ge [sflag:s13], $0x8000  }
0x7e: {  	[sflag:s13] =	ssyncset.done $0x0  }
0x7f: {  	[sflag:s13] =	ssyncadd.s32 $0xFFFF8000  }
0x80: {  	_ =	swait.ge [sflag:s11], $0x800  }
0x81: {  	[sflag:s11] =	ssyncset.done $0x0  }
0x82: {  	[sflag:s11] =	ssyncadd.s32 $0xFFFFF800  }
0x83: {  	[tilespmem:s15], [sflag:$0x3] =	stream.linear.gather [hbm4b:s23+s2], $0x800, $0x38;
	[tilespmem:$0x12000] =	vst v63  }
0x84: {  	_ =	swait.ge [sflag:s5], $0x800  }
0x85: {  	[sflag:s5] =	ssyncset.done $0x0  }
0x86: {  	[sflag:s5] =	ssyncadd.s32 $0xFFFFF800  }
0x87: {  	[tilespmem:s12], [sflag:$0x1] =	stream.indirect.gather [hbm4b:s3+s15], $0x10, s15, s15, $0xb8;
	[tilespmem:$0x12000] =	vst v63  }
0x88: {  	_ = 	snop  }
0x89: {  	[tilespmem:s9], [sflag:$0x2] =	stream.indirect.gather [hbm4b:s4+s15], $0x1, s15, s15, $0xb8;
	[tilespmem:$0x12000] =	vst v63  }
0x8a: {  	_ = 	snop  }
0x8b: {  	[hbm4b:s22+s2] =	stream.linear.scatter [tilespmem:s17], [sflag:$0x3], $0x8000, $0x38;
	[tilespmem:$0x12000] =	vst v63  }
0x8c: {  	_ =	swait.ge [sflag:s5], $0x8000  }
0x8d: {  	[sflag:s5] =	ssyncset.done $0x0  }
0x8e: {  	[sflag:s5] =	ssyncadd.s32 $0xFFFF8000  }
0x8f: {  	[hbm4b:s21+s2] =	stream.linear.scatter [tilespmem:s16], [sflag:$0x3], $0x800, $0x38;
	[tilespmem:$0x12000] =	vst v63  }
0x90: {  	_ =	swait.ge [sflag:s5], $0x800  }
0x91: {  	[sflag:s5] =	ssyncset.done $0x0  }
0x92: {  	[sflag:s5] =	ssyncadd.s32 $0xFFFFF800  }
0x93: {  	_ =	swait.ge [sflag:s13], $0x8000  }
0x94: {  	[sflag:s13] =	ssyncset.done $0x0  }
0x95: {  	[sflag:s13] =	ssyncadd.s32 $0xFFFF8000  }
0x96: {  	_ =	swait.ge [sflag:s11], $0x800  }
0x97: {  	[sflag:s11] =	ssyncset.done $0x0  }
0x98: {  	[sflag:s11] =	ssyncadd.s32 $0xFFFFF800  }
0x99: {  	[tilespmem:s2], [sflag:$0x3] =	stream.linear.gather [hbm4b:s20+s2], $0x800, $0x38;
	[tilespmem:$0x12000] =	vst v63  }
0x9a: {  	_ =	swait.ge [sflag:s5], $0x800  }
0x9b: {  	[sflag:s5] =	ssyncset.done $0x0  }
0x9c: {  	[sflag:s5] =	ssyncadd.s32 $0xFFFFF800  }
0x9d: {  	[tilespmem:s17], [sflag:$0x1] =	stream.indirect.gather [hbm4b:s3+s15], $0x10, s2, s15, $0xb8;
	[tilespmem:$0x12000] =	vst v63  }
0x9e: {  	_ = 	snop  }
0x9f: {  	[tilespmem:s16], [sflag:$0x2] =	stream.indirect.gather [hbm4b:s4+s15], $0x1, s2, s15, $0xb8;
	[tilespmem:$0x12000] =	vst v63  }
0xa0: {  	_ = 	snop  }
0xa1: {  	[hbm4b:s19+s2] =	stream.linear.scatter [tilespmem:s12], [sflag:$0x3], $0x8000, $0x38;
	[tilespmem:$0x12000] =	vst v63  }
0xa2: {  	_ =	swait.ge [sflag:s5], $0x8000  }
0xa3: {  	[sflag:s5] =	ssyncset.done $0x0  }
0xa4: {  	[sflag:s5] =	ssyncadd.s32 $0xFFFF8000  }
0xa5: {  	[hbm4b:s18+s2] =	stream.linear.scatter [tilespmem:s9], [sflag:$0x3], $0x800, $0x38;
	[tilespmem:$0x12000] =	vst v63  }
0xa6: {  	_ =	swait.ge [sflag:s5], $0x800  }
0xa7: {  	[sflag:s5] =	ssyncset.done $0x0  }
0xa8: {  	[sflag:s5] =	ssyncadd.s32 $0xFFFFF800  }
0xa9: {  	_ =	swait.ge [sflag:s13], $0x8000  }
0xaa: {  	[sflag:s13] =	ssyncset.done $0x0  }
0xab: {  	[sflag:s13] =	ssyncadd.s32 $0xFFFF8000  }
0xac: {  	_ =	swait.ge [sflag:s11], $0x800  }
0xad: {  	[sflag:s11] =	ssyncset.done $0x0  }
0xae: {  	[sflag:s11] =	ssyncadd.s32 $0xFFFFF800  }
0xaf: {  	[tilespmem:s15], [sflag:$0x3] =	stream.linear.gather [hbm4b:s14+s2], $0x800, $0x38;
	[tilespmem:$0x12000] =	vst v63  }
0xb0: {  	_ =	swait.ge [sflag:s5], $0x800  }
0xb1: {  	[sflag:s5] =	ssyncset.done $0x0  }
0xb2: {  	[sflag:s5] =	ssyncadd.s32 $0xFFFFF800  }
0xb3: {  	[tilespmem:s12], [sflag:$0x1] =	stream.indirect.gather [hbm4b:s3+s15], $0x10, s15, s15, $0xb8;
	[tilespmem:$0x12000] =	vst v63  }
0xb4: {  	_ = 	snop  }
0xb5: {  	[tilespmem:s9], [sflag:$0x2] =	stream.indirect.gather [hbm4b:s4+s15], $0x1, s15, s15, $0xb8;
	[tilespmem:$0x12000] =	vst v63  }
0xb6: {  	_ = 	snop  }
0xb7: {  	[hbm4b:s10+s2] =	stream.linear.scatter [tilespmem:s17], [sflag:$0x3], $0x8000, $0x38;
	[tilespmem:$0x12000] =	vst v63  }
0xb8: {  	_ =	swait.ge [sflag:s5], $0x8000  }
0xb9: {  	[sflag:s5] =	ssyncset.done $0x0  }
0xba: {  	[sflag:s5] =	ssyncadd.s32 $0xFFFF8000  }
0xbb: {  	[hbm4b:s8+s2] =	stream.linear.scatter [tilespmem:s16], [sflag:$0x3], $0x800, $0x38;
	[tilespmem:$0x12000] =	vst v63  }
0xbc: {  	_ =	swait.ge [sflag:s5], $0x800  }
0xbd: {  	[sflag:s5] =	ssyncset.done $0x0  }
0xbe: {  	[sflag:s5] =	ssyncadd.s32 $0xFFFFF800  }
0xbf: {  	_ =	swait.ge [sflag:s13], $0x8000  }
0xc0: {  	[sflag:s13] =	ssyncset.done $0x0  }
0xc1: {  	[sflag:s13] =	ssyncadd.s32 $0xFFFF8000  }
0xc2: {  	_ =	swait.ge [sflag:s11], $0x800  }
0xc3: {  	[sflag:s11] =	ssyncset.done $0x0  }
0xc4: {  	[sflag:s11] =	ssyncadd.s32 $0xFFFFF800  }
0xc5: {  	[hbm4b:s7+s2] =	stream.linear.scatter [tilespmem:s12], [sflag:$0x3], $0x8000, $0x38;
	[tilespmem:$0x12000] =	vst v63  }
0xc6: {  	p1 =	sne.s32 s0, $0x1;
	_ =	swait.ge [sflag:s5], $0x8000  }
.Ltmp1:
0xc7: {  	[sflag:s5] =	ssyncset.done $0x0;
	(pc) =	sbr.rel @!p1 .LBB2_3-.Ltmp1, $4  }
0xc8: {  	[sflag:s5] =	ssyncadd.s32 $0xFFFF8000  }
0xc9: {  	[hbm4b:s6+s2] =	stream.linear.scatter [tilespmem:s9], [sflag:$0x3], $0x800, $0x38;
	[tilespmem:$0x12000] =	vst v63  }
0xca: {  	s0 =	sadd.s32 $0xFFFFFFFF, s0;
	_ =	swait.ge [sflag:s5], $0x800  }
0xcb: {  	p0 =	por $0x1, $0x1;
	s1 =	rddreg [dreg:$0x2];
	[sflag:s5] =	ssyncset.done $0x0  }
.LBB2_2:
0xcc: {  	[sflag:s5] =	ssyncadd.s32 $0xFFFFF800  }
0xcd: {  	[tilespmem:s2], [sflag:$0x3] =	stream.linear.gather [hbm4b:s1+s2], $0x800, $0x38;
	[tilespmem:$0x12000] =	vst v63  }
0xce: {  	_ =	swait.ge [sflag:s5], $0x800  }
0xcf: {  	[sflag:s5] =	ssyncset.done $0x0  }
0xd0: {  	[sflag:s5] =	ssyncadd.s32 $0xFFFFF800  }
0xd1: {  	[tilespmem:s17], [sflag:$0x1] =	stream.indirect.gather [hbm4b:s3+s15], $0x10, s2, s15, $0xb8;
	[tilespmem:$0x12000] =	vst v63  }
0xd2: {  	_ = 	snop  }
0xd3: {  	[tilespmem:s16], [sflag:$0x2] =	stream.indirect.gather [hbm4b:s4+s15], $0x1, s2, s15, $0xb8;
	[tilespmem:$0x12000] =	vst v63  }
0xd4: {  	_ =	swait.ge [sflag:s13], $0x8000  }
0xd5: {  	[sflag:s13] =	ssyncset.done $0x0  }
0xd6: {  	[sflag:s13] =	ssyncadd.s32 $0xFFFF8000  }
0xd7: {  	_ =	swait.ge [sflag:s11], $0x800  }
0xd8: {  	[sflag:s11] =	ssyncset.done $0x0  }
0xd9: {  	s1 =	rddreg [dreg:$0x3];
	[sflag:s11] =	ssyncadd.s32 $0xFFFFF800  }
0xda: {  	[tilespmem:s15], [sflag:$0x3] =	stream.linear.gather [hbm4b:s1+s2], $0x800, $0x38;
	[tilespmem:$0x12000] =	vst v63  }
0xdb: {  	_ =	swait.ge [sflag:s5], $0x800  }
0xdc: {  	[sflag:s5] =	ssyncset.done $0x0  }
0xdd: {  	[sflag:s5] =	ssyncadd.s32 $0xFFFFF800  }
0xde: {  	[tilespmem:s12], [sflag:$0x1] =	stream.indirect.gather [hbm4b:s3+s15], $0x10, s15, s15, $0xb8;
	[tilespmem:$0x12000] =	vst v63  }
0xdf: {  	_ = 	snop  }
0xe0: {  	[tilespmem:s9], [sflag:$0x2] =	stream.indirect.gather [hbm4b:s4+s15], $0x1, s15, s15, $0xb8;
	[tilespmem:$0x12000] =	vst v63  }
0xe1: {  	s1 =	rddreg [dreg:$0x4]  }
0xe2: {  	[hbm4b:s1+s2] =	stream.linear.scatter [tilespmem:s17], [sflag:$0x3], $0x8000, $0x38;
	[tilespmem:$0x12000] =	vst v63  }
0xe3: {  	_ =	swait.ge [sflag:s5], $0x8000  }
0xe4: {  	[sflag:s5] =	ssyncset.done $0x0  }
0xe5: {  	s1 =	rddreg [dreg:$0x5];
	[sflag:s5] =	ssyncadd.s32 $0xFFFF8000  }
0xe6: {  	[hbm4b:s1+s2] =	stream.linear.scatter [tilespmem:s16], [sflag:$0x3], $0x800, $0x38;
	[tilespmem:$0x12000] =	vst v63  }
0xe7: {  	_ =	swait.ge [sflag:s5], $0x800  }
0xe8: {  	[sflag:s5] =	ssyncset.done $0x0  }
0xe9: {  	[sflag:s5] =	ssyncadd.s32 $0xFFFFF800  }
0xea: {  	_ =	swait.ge [sflag:s13], $0x8000  }
0xeb: {  	[sflag:s13] =	ssyncset.done $0x0  }
0xec: {  	[sflag:s13] =	ssyncadd.s32 $0xFFFF8000  }
0xed: {  	_ =	swait.ge [sflag:s11], $0x800  }
0xee: {  	[sflag:s11] =	ssyncset.done $0x0  }
0xef: {  	s1 =	rddreg [dreg:$0x6];
	[sflag:s11] =	ssyncadd.s32 $0xFFFFF800  }
0xf0: {  	[tilespmem:s2], [sflag:$0x3] =	stream.linear.gather [hbm4b:s1+s2], $0x800, $0x38;
	[tilespmem:$0x12000] =	vst v63  }
0xf1: {  	_ =	swait.ge [sflag:s5], $0x800  }
0xf2: {  	[sflag:s5] =	ssyncset.done $0x0  }
0xf3: {  	[sflag:s5] =	ssyncadd.s32 $0xFFFFF800  }
0xf4: {  	[tilespmem:s17], [sflag:$0x1] =	stream.indirect.gather [hbm4b:s3+s15], $0x10, s2, s15, $0xb8;
	[tilespmem:$0x12000] =	vst v63  }
0xf5: {  	_ = 	snop  }
0xf6: {  	[tilespmem:s16], [sflag:$0x2] =	stream.indirect.gather [hbm4b:s4+s15], $0x1, s2, s15, $0xb8;
	[tilespmem:$0x12000] =	vst v63  }
0xf7: {  	s1 =	rddreg [dreg:$0x7]  }
0xf8: {  	[hbm4b:s1+s2] =	stream.linear.scatter [tilespmem:s12], [sflag:$0x3], $0x8000, $0x38;
	[tilespmem:$0x12000] =	vst v63  }
0xf9: {  	_ =	swait.ge [sflag:s5], $0x8000  }
0xfa: {  	[sflag:s5] =	ssyncset.done $0x0  }
0xfb: {  	[sflag:s5] =	ssyncadd.s32 $0xFFFF8000  }
0xfc: {  	[hbm4b:s31+s2] =	stream.linear.scatter [tilespmem:s9], [sflag:$0x3], $0x800, $0x38;
	[tilespmem:$0x12000] =	vst v63  }
0xfd: {  	_ =	swait.ge [sflag:s5], $0x800  }
0xfe: {  	[sflag:s5] =	ssyncset.done $0x0  }
0xff: {  	[sflag:s5] =	ssyncadd.s32 $0xFFFFF800  }
0x100: {  	_ =	swait.ge [sflag:s13], $0x8000  }
0x101: {  	[sflag:s13] =	ssyncset.done $0x0  }
0x102: {  	[sflag:s13] =	ssyncadd.s32 $0xFFFF8000  }
0x103: {  	_ =	swait.ge [sflag:s11], $0x800  }
0x104: {  	[sflag:s11] =	ssyncset.done $0x0  }
0x105: {  	[sflag:s11] =	ssyncadd.s32 $0xFFFFF800  }
0x106: {  	[tilespmem:s15], [sflag:$0x3] =	stream.linear.gather [hbm4b:s30+s2], $0x800, $0x38;
	[tilespmem:$0x12000] =	vst v63  }
0x107: {  	_ =	swait.ge [sflag:s5], $0x800  }
0x108: {  	[sflag:s5] =	ssyncset.done $0x0  }
0x109: {  	[sflag:s5] =	ssyncadd.s32 $0xFFFFF800  }
0x10a: {  	[tilespmem:s12], [sflag:$0x1] =	stream.indirect.gather [hbm4b:s3+s15], $0x10, s15, s15, $0xb8;
	[tilespmem:$0x12000] =	vst v63  }
0x10b: {  	_ = 	snop  }
0x10c: {  	[tilespmem:s9], [sflag:$0x2] =	stream.indirect.gather [hbm4b:s4+s15], $0x1, s15, s15, $0xb8;
	[tilespmem:$0x12000] =	vst v63  }
0x10d: {  	_ = 	snop  }
0x10e: {  	[hbm4b:s29+s2] =	stream.linear.scatter [tilespmem:s17], [sflag:$0x3], $0x8000, $0x38;
	[tilespmem:$0x12000] =	vst v63  }
0x10f: {  	_ =	swait.ge [sflag:s5], $0x8000  }
0x110: {  	[sflag:s5] =	ssyncset.done $0x0  }
0x111: {  	[sflag:s5] =	ssyncadd.s32 $0xFFFF8000  }
0x112: {  	[hbm4b:s28+s2] =	stream.linear.scatter [tilespmem:s16], [sflag:$0x3], $0x800, $0x38;
	[tilespmem:$0x12000] =	vst v63  }
0x113: {  	_ =	swait.ge [sflag:s5], $0x800  }
0x114: {  	[sflag:s5] =	ssyncset.done $0x0  }
0x115: {  	[sflag:s5] =	ssyncadd.s32 $0xFFFFF800  }
0x116: {  	_ =	swait.ge [sflag:s13], $0x8000  }
0x117: {  	[sflag:s13] =	ssyncset.done $0x0  }
0x118: {  	[sflag:s13] =	ssyncadd.s32 $0xFFFF8000  }
0x119: {  	_ =	swait.ge [sflag:s11], $0x800  }
0x11a: {  	[sflag:s11] =	ssyncset.done $0x0  }
0x11b: {  	[sflag:s11] =	ssyncadd.s32 $0xFFFFF800  }
0x11c: {  	[tilespmem:s2], [sflag:$0x3] =	stream.linear.gather [hbm4b:s26+s2], $0x800, $0x38;
	[tilespmem:$0x12000] =	vst v63  }
0x11d: {  	_ =	swait.ge [sflag:s5], $0x800  }
0x11e: {  	[sflag:s5] =	ssyncset.done $0x0  }
0x11f: {  	[sflag:s5] =	ssyncadd.s32 $0xFFFFF800  }
0x120: {  	[tilespmem:s17], [sflag:$0x1] =	stream.indirect.gather [hbm4b:s3+s15], $0x10, s2, s15, $0xb8;
	[tilespmem:$0x12000] =	vst v63  }
0x121: {  	_ = 	snop  }
0x122: {  	[tilespmem:s16], [sflag:$0x2] =	stream.indirect.gather [hbm4b:s4+s15], $0x1, s2, s15, $0xb8;
	[tilespmem:$0x12000] =	vst v63  }
0x123: {  	_ = 	snop  }
0x124: {  	[hbm4b:s25+s2] =	stream.linear.scatter [tilespmem:s12], [sflag:$0x3], $0x8000, $0x38;
	[tilespmem:$0x12000] =	vst v63  }
0x125: {  	_ =	swait.ge [sflag:s5], $0x8000  }
0x126: {  	[sflag:s5] =	ssyncset.done $0x0  }
0x127: {  	[sflag:s5] =	ssyncadd.s32 $0xFFFF8000  }
0x128: {  	[hbm4b:s24+s2] =	stream.linear.scatter [tilespmem:s9], [sflag:$0x3], $0x800, $0x38;
	[tilespmem:$0x12000] =	vst v63  }
0x129: {  	_ =	swait.ge [sflag:s5], $0x800  }
0x12a: {  	[sflag:s5] =	ssyncset.done $0x0  }
0x12b: {  	[sflag:s5] =	ssyncadd.s32 $0xFFFFF800  }
0x12c: {  	_ =	swait.ge [sflag:s13], $0x8000  }
0x12d: {  	[sflag:s13] =	ssyncset.done $0x0  }
0x12e: {  	[sflag:s13] =	ssyncadd.s32 $0xFFFF8000  }
0x12f: {  	_ =	swait.ge [sflag:s11], $0x800  }
0x130: {  	[sflag:s11] =	ssyncset.done $0x0  }
0x131: {  	[sflag:s11] =	ssyncadd.s32 $0xFFFFF800  }
0x132: {  	[tilespmem:s15], [sflag:$0x3] =	stream.linear.gather [hbm4b:s23+s2], $0x800, $0x38;
	[tilespmem:$0x12000] =	vst v63  }
0x133: {  	_ =	swait.ge [sflag:s5], $0x800  }
0x134: {  	[sflag:s5] =	ssyncset.done $0x0  }
0x135: {  	[sflag:s5] =	ssyncadd.s32 $0xFFFFF800  }
0x136: {  	[tilespmem:s12], [sflag:$0x1] =	stream.indirect.gather [hbm4b:s3+s15], $0x10, s15, s15, $0xb8;
	[tilespmem:$0x12000] =	vst v63  }
0x137: {  	_ = 	snop  }
0x138: {  	[tilespmem:s9], [sflag:$0x2] =	stream.indirect.gather [hbm4b:s4+s15], $0x1, s15, s15, $0xb8;
	[tilespmem:$0x12000] =	vst v63  }
0x139: {  	_ = 	snop  }
0x13a: {  	[hbm4b:s22+s2] =	stream.linear.scatter [tilespmem:s17], [sflag:$0x3], $0x8000, $0x38;
	[tilespmem:$0x12000] =	vst v63  }
0x13b: {  	_ =	swait.ge [sflag:s5], $0x8000  }
0x13c: {  	[sflag:s5] =	ssyncset.done $0x0  }
0x13d: {  	[sflag:s5] =	ssyncadd.s32 $0xFFFF8000  }
0x13e: {  	[hbm4b:s21+s2] =	stream.linear.scatter [tilespmem:s16], [sflag:$0x3], $0x800, $0x38;
	[tilespmem:$0x12000] =	vst v63  }
0x13f: {  	_ =	swait.ge [sflag:s5], $0x800  }
0x140: {  	[sflag:s5] =	ssyncset.done $0x0  }
0x141: {  	[sflag:s5] =	ssyncadd.s32 $0xFFFFF800  }
0x142: {  	_ =	swait.ge [sflag:s13], $0x8000  }
0x143: {  	[sflag:s13] =	ssyncset.done $0x0  }
0x144: {  	[sflag:s13] =	ssyncadd.s32 $0xFFFF8000  }
0x145: {  	_ =	swait.ge [sflag:s11], $0x800  }
0x146: {  	[sflag:s11] =	ssyncset.done $0x0  }
0x147: {  	[sflag:s11] =	ssyncadd.s32 $0xFFFFF800  }
0x148: {  	[tilespmem:s2], [sflag:$0x3] =	stream.linear.gather [hbm4b:s20+s2], $0x800, $0x38;
	[tilespmem:$0x12000] =	vst v63  }
0x149: {  	_ =	swait.ge [sflag:s5], $0x800  }
0x14a: {  	[sflag:s5] =	ssyncset.done $0x0  }
0x14b: {  	[sflag:s5] =	ssyncadd.s32 $0xFFFFF800  }
0x14c: {  	[tilespmem:s17], [sflag:$0x1] =	stream.indirect.gather [hbm4b:s3+s15], $0x10, s2, s15, $0xb8;
	[tilespmem:$0x12000] =	vst v63  }
0x14d: {  	_ = 	snop  }
0x14e: {  	[tilespmem:s16], [sflag:$0x2] =	stream.indirect.gather [hbm4b:s4+s15], $0x1, s2, s15, $0xb8;
	[tilespmem:$0x12000] =	vst v63  }
0x14f: {  	_ = 	snop  }
0x150: {  	[hbm4b:s19+s2] =	stream.linear.scatter [tilespmem:s12], [sflag:$0x3], $0x8000, $0x38;
	[tilespmem:$0x12000] =	vst v63  }
0x151: {  	_ =	swait.ge [sflag:s5], $0x8000  }
0x152: {  	[sflag:s5] =	ssyncset.done $0x0  }
0x153: {  	[sflag:s5] =	ssyncadd.s32 $0xFFFF8000  }
0x154: {  	[hbm4b:s18+s2] =	stream.linear.scatter [tilespmem:s9], [sflag:$0x3], $0x800, $0x38;
	[tilespmem:$0x12000] =	vst v63  }
0x155: {  	_ =	swait.ge [sflag:s5], $0x800  }
0x156: {  	[sflag:s5] =	ssyncset.done $0x0  }
0x157: {  	[sflag:s5] =	ssyncadd.s32 $0xFFFFF800  }
0x158: {  	_ =	swait.ge [sflag:s13], $0x8000  }
0x159: {  	[sflag:s13] =	ssyncset.done $0x0  }
0x15a: {  	[sflag:s13] =	ssyncadd.s32 $0xFFFF8000  }
0x15b: {  	_ =	swait.ge [sflag:s11], $0x800  }
0x15c: {  	[sflag:s11] =	ssyncset.done $0x0  }
0x15d: {  	[sflag:s11] =	ssyncadd.s32 $0xFFFFF800  }
0x15e: {  	[tilespmem:s15], [sflag:$0x3] =	stream.linear.gather [hbm4b:s14+s2], $0x800, $0x38;
	[tilespmem:$0x12000] =	vst v63  }
0x15f: {  	_ =	swait.ge [sflag:s5], $0x800  }
0x160: {  	[sflag:s5] =	ssyncset.done $0x0  }
0x161: {  	[sflag:s5] =	ssyncadd.s32 $0xFFFFF800  }
0x162: {  	[tilespmem:s12], [sflag:$0x1] =	stream.indirect.gather [hbm4b:s3+s15], $0x10, s15, s15, $0xb8;
	[tilespmem:$0x12000] =	vst v63  }
0x163: {  	_ = 	snop  }
0x164: {  	[tilespmem:s9], [sflag:$0x2] =	stream.indirect.gather [hbm4b:s4+s15], $0x1, s15, s15, $0xb8;
	[tilespmem:$0x12000] =	vst v63  }
0x165: {  	_ = 	snop  }
0x166: {  	[hbm4b:s10+s2] =	stream.linear.scatter [tilespmem:s17], [sflag:$0x3], $0x8000, $0x38;
	[tilespmem:$0x12000] =	vst v63  }
0x167: {  	_ =	swait.ge [sflag:s5], $0x8000  }
0x168: {  	[sflag:s5] =	ssyncset.done $0x0  }
0x169: {  	[sflag:s5] =	ssyncadd.s32 $0xFFFF8000  }
0x16a: {  	[hbm4b:s8+s2] =	stream.linear.scatter [tilespmem:s16], [sflag:$0x3], $0x800, $0x38;
	[tilespmem:$0x12000] =	vst v63  }
0x16b: {  	_ =	swait.ge [sflag:s5], $0x800  }
0x16c: {  	[sflag:s5] =	ssyncset.done $0x0  }
0x16d: {  	[sflag:s5] =	ssyncadd.s32 $0xFFFFF800  }
0x16e: {  	_ =	swait.ge [sflag:s13], $0x8000  }
0x16f: {  	[sflag:s13] =	ssyncset.done $0x0  }
0x170: {  	[sflag:s13] =	ssyncadd.s32 $0xFFFF8000  }
0x171: {  	_ =	swait.ge [sflag:s11], $0x800  }
0x172: {  	[sflag:s11] =	ssyncset.done $0x0  }
0x173: {  	[sflag:s11] =	ssyncadd.s32 $0xFFFFF800  }
0x174: {  	[hbm4b:s7+s2] =	stream.linear.scatter [tilespmem:s12], [sflag:$0x3], $0x8000, $0x38;
	[tilespmem:$0x12000] =	vst v63  }
0x175: {  	p1 =	sne.s32 s0, $0x1;
	_ =	swait.ge [sflag:s5], $0x8000  }
.Ltmp2:
0x176: {  	[sflag:s5] =	ssyncset.done $0x0;
	(pc) =	sbr.rel @p1 .LBB2_2-.Ltmp2, $4  }
0x177: {  	[sflag:s5] =	ssyncadd.s32 $0xFFFF8000  }
0x178: {  	[hbm4b:s6+s2] =	stream.linear.scatter [tilespmem:s9], [sflag:$0x3], $0x800, $0x38;
	[tilespmem:$0x12000] =	vst v63  }
0x179: {  	_ =	swait.ge [sflag:s5], $0x800  }
0x17a: {  	s0 =	sadd.s32 $0xFFFFFFFF, s0;
	s1 =	rddreg [dreg:$0x2];
	[sflag:s5] =	ssyncset.done $0x0  }
.LBB2_3:
0x17b: {  	[sflag:s5] =	ssyncadd.s32 @p0 $0xFFFFF800  }
0x17c: {  	[tilespmem:s2], [sflag:$0x3] =	stream.linear.gather [hbm4b:s1+s2], $0x800, $0x38;
	[tilespmem:$0x12000] =	vst v63  }
0x17d: {  	_ =	swait.ge [sflag:s5], $0x800  }
0x17e: {  	[sflag:s5] =	ssyncset.done $0x0  }
0x17f: {  	[sflag:s5] =	ssyncadd.s32 $0xFFFFF800  }
0x180: {  	[tilespmem:s17], [sflag:$0x1] =	stream.indirect.gather [hbm4b:s3+s15], $0x10, s2, s15, $0xb8;
	[tilespmem:$0x12000] =	vst v63  }
0x181: {  	_ = 	snop  }
0x182: {  	[tilespmem:s16], [sflag:$0x2] =	stream.indirect.gather [hbm4b:s4+s15], $0x1, s2, s15, $0xb8;
	[tilespmem:$0x12000] =	vst v63  }
0x183: {  	_ =	swait.ge [sflag:s13], $0x8000  }
0x184: {  	[sflag:s13] =	ssyncset.done $0x0  }
0x185: {  	[sflag:s13] =	ssyncadd.s32 $0xFFFF8000  }
0x186: {  	_ =	swait.ge [sflag:s11], $0x800  }
0x187: {  	[sflag:s11] =	ssyncset.done $0x0  }
0x188: {  	s0 =	rddreg [dreg:$0x3];
	[sflag:s11] =	ssyncadd.s32 $0xFFFFF800  }
0x189: {  	[tilespmem:s15], [sflag:$0x3] =	stream.linear.gather [hbm4b:s0+s2], $0x800, $0x38;
	[tilespmem:$0x12000] =	vst v63  }
0x18a: {  	_ =	swait.ge [sflag:s5], $0x800  }
0x18b: {  	[sflag:s5] =	ssyncset.done $0x0  }
0x18c: {  	[sflag:s5] =	ssyncadd.s32 $0xFFFFF800  }
0x18d: {  	[tilespmem:s12], [sflag:$0x1] =	stream.indirect.gather [hbm4b:s3+s15], $0x10, s15, s15, $0xb8;
	[tilespmem:$0x12000] =	vst v63  }
0x18e: {  	_ = 	snop  }
0x18f: {  	[tilespmem:s9], [sflag:$0x2] =	stream.indirect.gather [hbm4b:s4+s15], $0x1, s15, s15, $0xb8;
	[tilespmem:$0x12000] =	vst v63  }
0x190: {  	s1 =	rddreg [dreg:$0x4]  }
0x191: {  	[hbm4b:s1+s2] =	stream.linear.scatter [tilespmem:s17], [sflag:$0x3], $0x8000, $0x38;
	[tilespmem:$0x12000] =	vst v63  }
0x192: {  	_ =	swait.ge [sflag:s5], $0x8000  }
0x193: {  	[sflag:s5] =	ssyncset.done $0x0  }
0x194: {  	s1 =	rddreg [dreg:$0x5];
	[sflag:s5] =	ssyncadd.s32 $0xFFFF8000  }
0x195: {  	[hbm4b:s1+s2] =	stream.linear.scatter [tilespmem:s16], [sflag:$0x3], $0x800, $0x38;
	[tilespmem:$0x12000] =	vst v63  }
0x196: {  	_ =	swait.ge [sflag:s5], $0x800  }
0x197: {  	[sflag:s5] =	ssyncset.done $0x0  }
0x198: {  	[sflag:s5] =	ssyncadd.s32 $0xFFFFF800  }
0x199: {  	_ =	swait.ge [sflag:s13], $0x8000  }
0x19a: {  	[sflag:s13] =	ssyncset.done $0x0  }
0x19b: {  	[sflag:s13] =	ssyncadd.s32 $0xFFFF8000  }
0x19c: {  	_ =	swait.ge [sflag:s11], $0x800  }
0x19d: {  	[sflag:s11] =	ssyncset.done $0x0  }
0x19e: {  	s1 =	rddreg [dreg:$0x6];
	[sflag:s11] =	ssyncadd.s32 $0xFFFFF800  }
0x19f: {  	[tilespmem:s2], [sflag:$0x3] =	stream.linear.gather [hbm4b:s1+s2], $0x800, $0x38;
	[tilespmem:$0x12000] =	vst v63  }
0x1a0: {  	_ =	swait.ge [sflag:s5], $0x800  }
0x1a1: {  	[sflag:s5] =	ssyncset.done $0x0  }
0x1a2: {  	[sflag:s5] =	ssyncadd.s32 $0xFFFFF800  }
0x1a3: {  	[tilespmem:s17], [sflag:$0x1] =	stream.indirect.gather [hbm4b:s3+s15], $0x10, s2, s15, $0xb8;
	[tilespmem:$0x12000] =	vst v63  }
0x1a4: {  	_ = 	snop  }
0x1a5: {  	[tilespmem:s16], [sflag:$0x2] =	stream.indirect.gather [hbm4b:s4+s15], $0x1, s2, s15, $0xb8;
	[tilespmem:$0x12000] =	vst v63  }
0x1a6: {  	s1 =	rddreg [dreg:$0x7]  }
0x1a7: {  	[hbm4b:s1+s2] =	stream.linear.scatter [tilespmem:s12], [sflag:$0x3], $0x8000, $0x38;
	[tilespmem:$0x12000] =	vst v63  }
0x1a8: {  	_ =	swait.ge [sflag:s5], $0x8000  }
0x1a9: {  	[sflag:s5] =	ssyncset.done $0x0  }
0x1aa: {  	[sflag:s5] =	ssyncadd.s32 $0xFFFF8000  }
0x1ab: {  	[hbm4b:s31+s2] =	stream.linear.scatter [tilespmem:s9], [sflag:$0x3], $0x800, $0x38;
	[tilespmem:$0x12000] =	vst v63  }
0x1ac: {  	_ =	swait.ge [sflag:s5], $0x800  }
0x1ad: {  	[sflag:s5] =	ssyncset.done $0x0  }
0x1ae: {  	[sflag:s5] =	ssyncadd.s32 $0xFFFFF800  }
0x1af: {  	_ =	swait.ge [sflag:s13], $0x8000  }
0x1b0: {  	[sflag:s13] =	ssyncset.done $0x0  }
0x1b1: {  	[sflag:s13] =	ssyncadd.s32 $0xFFFF8000  }
0x1b2: {  	_ =	swait.ge [sflag:s11], $0x800  }
0x1b3: {  	[sflag:s11] =	ssyncset.done $0x0  }
0x1b4: {  	[sflag:s11] =	ssyncadd.s32 $0xFFFFF800  }
0x1b5: {  	[tilespmem:s15], [sflag:$0x3] =	stream.linear.gather [hbm4b:s30+s2], $0x800, $0x38;
	[tilespmem:$0x12000] =	vst v63  }
0x1b6: {  	_ =	swait.ge [sflag:s5], $0x800  }
0x1b7: {  	[sflag:s5] =	ssyncset.done $0x0  }
0x1b8: {  	[sflag:s5] =	ssyncadd.s32 $0xFFFFF800  }
0x1b9: {  	[tilespmem:s12], [sflag:$0x1] =	stream.indirect.gather [hbm4b:s3+s15], $0x10, s15, s15, $0xb8;
	[tilespmem:$0x12000] =	vst v63  }
0x1ba: {  	_ = 	snop  }
0x1bb: {  	[tilespmem:s9], [sflag:$0x2] =	stream.indirect.gather [hbm4b:s4+s15], $0x1, s15, s15, $0xb8;
	[tilespmem:$0x12000] =	vst v63  }
0x1bc: {  	_ = 	snop  }
0x1bd: {  	[hbm4b:s29+s2] =	stream.linear.scatter [tilespmem:s17], [sflag:$0x3], $0x8000, $0x38;
	[tilespmem:$0x12000] =	vst v63  }
0x1be: {  	_ =	swait.ge [sflag:s5], $0x8000  }
0x1bf: {  	[sflag:s5] =	ssyncset.done $0x0  }
0x1c0: {  	[sflag:s5] =	ssyncadd.s32 $0xFFFF8000  }
0x1c1: {  	[hbm4b:s28+s2] =	stream.linear.scatter [tilespmem:s16], [sflag:$0x3], $0x800, $0x38;
	[tilespmem:$0x12000] =	vst v63  }
0x1c2: {  	_ =	swait.ge [sflag:s5], $0x800  }
0x1c3: {  	[sflag:s5] =	ssyncset.done $0x0  }
0x1c4: {  	[sflag:s5] =	ssyncadd.s32 $0xFFFFF800  }
0x1c5: {  	_ =	swait.ge [sflag:s13], $0x8000  }
0x1c6: {  	[sflag:s13] =	ssyncset.done $0x0  }
0x1c7: {  	[sflag:s13] =	ssyncadd.s32 $0xFFFF8000  }
0x1c8: {  	_ =	swait.ge [sflag:s11], $0x800  }
0x1c9: {  	[sflag:s11] =	ssyncset.done $0x0  }
0x1ca: {  	[sflag:s11] =	ssyncadd.s32 $0xFFFFF800  }
0x1cb: {  	[tilespmem:s2], [sflag:$0x3] =	stream.linear.gather [hbm4b:s26+s2], $0x800, $0x38;
	[tilespmem:$0x12000] =	vst v63  }
0x1cc: {  	_ =	swait.ge [sflag:s5], $0x800  }
0x1cd: {  	[sflag:s5] =	ssyncset.done $0x0  }
0x1ce: {  	[sflag:s5] =	ssyncadd.s32 $0xFFFFF800  }
0x1cf: {  	[tilespmem:s17], [sflag:$0x1] =	stream.indirect.gather [hbm4b:s3+s15], $0x10, s2, s15, $0xb8;
	[tilespmem:$0x12000] =	vst v63  }
0x1d0: {  	_ = 	snop  }
0x1d1: {  	[tilespmem:s16], [sflag:$0x2] =	stream.indirect.gather [hbm4b:s4+s15], $0x1, s2, s15, $0xb8;
	[tilespmem:$0x12000] =	vst v63  }
0x1d2: {  	_ = 	snop  }
0x1d3: {  	[hbm4b:s25+s2] =	stream.linear.scatter [tilespmem:s12], [sflag:$0x3], $0x8000, $0x38;
	[tilespmem:$0x12000] =	vst v63  }
0x1d4: {  	_ =	swait.ge [sflag:s5], $0x8000  }
0x1d5: {  	[sflag:s5] =	ssyncset.done $0x0  }
0x1d6: {  	[sflag:s5] =	ssyncadd.s32 $0xFFFF8000  }
0x1d7: {  	[hbm4b:s24+s2] =	stream.linear.scatter [tilespmem:s9], [sflag:$0x3], $0x800, $0x38;
	[tilespmem:$0x12000] =	vst v63  }
0x1d8: {  	_ =	swait.ge [sflag:s5], $0x800  }
0x1d9: {  	[sflag:s5] =	ssyncset.done $0x0  }
0x1da: {  	[sflag:s5] =	ssyncadd.s32 $0xFFFFF800  }
0x1db: {  	_ =	swait.ge [sflag:s13], $0x8000  }
0x1dc: {  	[sflag:s13] =	ssyncset.done $0x0  }
0x1dd: {  	[sflag:s13] =	ssyncadd.s32 $0xFFFF8000  }
0x1de: {  	_ =	swait.ge [sflag:s11], $0x800  }
0x1df: {  	[sflag:s11] =	ssyncset.done $0x0  }
0x1e0: {  	[sflag:s11] =	ssyncadd.s32 $0xFFFFF800  }
0x1e1: {  	[tilespmem:s15], [sflag:$0x3] =	stream.linear.gather [hbm4b:s23+s2], $0x800, $0x38;
	[tilespmem:$0x12000] =	vst v63  }
0x1e2: {  	_ =	swait.ge [sflag:s5], $0x800  }
0x1e3: {  	[sflag:s5] =	ssyncset.done $0x0  }
0x1e4: {  	[sflag:s5] =	ssyncadd.s32 $0xFFFFF800  }
0x1e5: {  	[tilespmem:s12], [sflag:$0x1] =	stream.indirect.gather [hbm4b:s3+s15], $0x10, s15, s15, $0xb8;
	[tilespmem:$0x12000] =	vst v63  }
0x1e6: {  	_ = 	snop  }
0x1e7: {  	[tilespmem:s9], [sflag:$0x2] =	stream.indirect.gather [hbm4b:s4+s15], $0x1, s15, s15, $0xb8;
	[tilespmem:$0x12000] =	vst v63  }
0x1e8: {  	_ = 	snop  }
0x1e9: {  	[hbm4b:s22+s2] =	stream.linear.scatter [tilespmem:s17], [sflag:$0x3], $0x8000, $0x38;
	[tilespmem:$0x12000] =	vst v63  }
0x1ea: {  	_ =	swait.ge [sflag:s5], $0x8000  }
0x1eb: {  	[sflag:s5] =	ssyncset.done $0x0  }
0x1ec: {  	[sflag:s5] =	ssyncadd.s32 $0xFFFF8000  }
0x1ed: {  	[hbm4b:s21+s2] =	stream.linear.scatter [tilespmem:s16], [sflag:$0x3], $0x800, $0x38;
	[tilespmem:$0x12000] =	vst v63  }
0x1ee: {  	_ =	swait.ge [sflag:s5], $0x800  }
0x1ef: {  	[sflag:s5] =	ssyncset.done $0x0  }
0x1f0: {  	[sflag:s5] =	ssyncadd.s32 $0xFFFFF800  }
0x1f1: {  	_ =	swait.ge [sflag:s13], $0x8000  }
0x1f2: {  	[sflag:s13] =	ssyncset.done $0x0  }
0x1f3: {  	[sflag:s13] =	ssyncadd.s32 $0xFFFF8000  }
0x1f4: {  	_ =	swait.ge [sflag:s11], $0x800  }
0x1f5: {  	[sflag:s11] =	ssyncset.done $0x0  }
0x1f6: {  	[sflag:s11] =	ssyncadd.s32 $0xFFFFF800  }
0x1f7: {  	[tilespmem:s2], [sflag:$0x3] =	stream.linear.gather [hbm4b:s20+s2], $0x800, $0x38;
	[tilespmem:$0x12000] =	vst v63  }
0x1f8: {  	_ =	swait.ge [sflag:s5], $0x800  }
0x1f9: {  	[sflag:s5] =	ssyncset.done $0x0  }
0x1fa: {  	[sflag:s5] =	ssyncadd.s32 $0xFFFFF800  }
0x1fb: {  	[tilespmem:s17], [sflag:$0x1] =	stream.indirect.gather [hbm4b:s3+s15], $0x10, s2, s15, $0xb8;
	[tilespmem:$0x12000] =	vst v63  }
0x1fc: {  	_ = 	snop  }
0x1fd: {  	[tilespmem:s16], [sflag:$0x2] =	stream.indirect.gather [hbm4b:s4+s15], $0x1, s2, s15, $0xb8;
	[tilespmem:$0x12000] =	vst v63  }
0x1fe: {  	_ = 	snop  }
0x1ff: {  	[hbm4b:s19+s2] =	stream.linear.scatter [tilespmem:s12], [sflag:$0x3], $0x8000, $0x38;
	[tilespmem:$0x12000] =	vst v63  }
0x200: {  	_ =	swait.ge [sflag:s5], $0x8000  }
0x201: {  	[sflag:s5] =	ssyncset.done $0x0  }
0x202: {  	[sflag:s5] =	ssyncadd.s32 $0xFFFF8000  }
0x203: {  	[hbm4b:s18+s2] =	stream.linear.scatter [tilespmem:s9], [sflag:$0x3], $0x800, $0x38;
	[tilespmem:$0x12000] =	vst v63  }
0x204: {  	_ =	swait.ge [sflag:s5], $0x800  }
0x205: {  	[sflag:s5] =	ssyncset.done $0x0  }
0x206: {  	[sflag:s5] =	ssyncadd.s32 $0xFFFFF800  }
0x207: {  	_ =	swait.ge [sflag:s13], $0x8000  }
0x208: {  	[sflag:s13] =	ssyncset.done $0x0  }
0x209: {  	[sflag:s13] =	ssyncadd.s32 $0xFFFF8000  }
0x20a: {  	_ =	swait.ge [sflag:s11], $0x800  }
0x20b: {  	[sflag:s11] =	ssyncset.done $0x0  }
0x20c: {  	[sflag:s11] =	ssyncadd.s32 $0xFFFFF800  }
0x20d: {  	[tilespmem:s15], [sflag:$0x3] =	stream.linear.gather [hbm4b:s14+s2], $0x800, $0x38;
	[tilespmem:$0x12000] =	vst v63  }
0x20e: {  	_ =	swait.ge [sflag:s5], $0x800  }
0x20f: {  	[sflag:s5] =	ssyncset.done $0x0  }
0x210: {  	[sflag:s5] =	ssyncadd.s32 $0xFFFFF800  }
0x211: {  	[tilespmem:s12], [sflag:$0x1] =	stream.indirect.gather [hbm4b:s3+s15], $0x10, s15, s15, $0xb8;
	[tilespmem:$0x12000] =	vst v63  }
0x212: {  	_ = 	snop  }
0x213: {  	[tilespmem:s9], [sflag:$0x2] =	stream.indirect.gather [hbm4b:s4+s15], $0x1, s15, s15, $0xb8;
	[tilespmem:$0x12000] =	vst v63  }
0x214: {  	_ = 	snop  }
0x215: {  	[hbm4b:s10+s2] =	stream.linear.scatter [tilespmem:s17], [sflag:$0x3], $0x8000, $0x38;
	[tilespmem:$0x12000] =	vst v63  }
0x216: {  	_ =	swait.ge [sflag:s5], $0x8000  }
0x217: {  	[sflag:s5] =	ssyncset.done $0x0  }
0x218: {  	[sflag:s5] =	ssyncadd.s32 $0xFFFF8000  }
0x219: {  	[hbm4b:s8+s2] =	stream.linear.scatter [tilespmem:s16], [sflag:$0x3], $0x800, $0x38;
	[tilespmem:$0x12000] =	vst v63  }
0x21a: {  	_ =	swait.ge [sflag:s5], $0x800  }
0x21b: {  	[sflag:s5] =	ssyncset.done $0x0  }
0x21c: {  	[sflag:s5] =	ssyncadd.s32 $0xFFFFF800  }
0x21d: {  	_ =	swait.ge [sflag:s13], $0x8000  }
0x21e: {  	[sflag:s13] =	ssyncset.done $0x0  }
0x21f: {  	[sflag:s13] =	ssyncadd.s32 $0xFFFF8000  }
0x220: {  	_ =	swait.ge [sflag:s11], $0x800  }
0x221: {  	[sflag:s11] =	ssyncset.done $0x0  }
0x222: {  	[sflag:s11] =	ssyncadd.s32 $0xFFFFF800  }
0x223: {  	[hbm4b:s7+s2] =	stream.linear.scatter [tilespmem:s12], [sflag:$0x3], $0x8000, $0x38;
	[tilespmem:$0x12000] =	vst v63  }
0x224: {  	_ =	swait.ge [sflag:s5], $0x8000  }
0x225: {  	[sflag:s5] =	ssyncset.done $0x0  }
0x226: {  	[sflag:s5] =	ssyncadd.s32 $0xFFFF8000  }
0x227: {  	[hbm4b:s6+s2] =	stream.linear.scatter [tilespmem:s9], [sflag:$0x3], $0x800, $0x38;
	[tilespmem:$0x12000] =	vst v63  }
0x228: {  	_ =	swait.ge [sflag:s5], $0x800  }
0x229: {  	[sflag:s5] =	ssyncset.done $0x0  }
0x22a: {  	[sflag:s5] =	ssyncadd.s32 $0xFFFFF800  }
0x22b: {  	_ =	sfence.sel $0x180000  }
0x22c: {  	[bflag:$0x0] =	sbarrier.arrive $0xFFFF  }
0x22d: {  	_ =	strace $0x90000047  }
0x22e: {  	s31 =	stileid.u32;
	[bflag:$0x2] =	sbarrier.arrive $0xFFFF  }
0x22f: {  	p0 =	sne.s32 s31, $0x0;
	s0 =	rddreg [dreg:$0x1]  }
0x230: {  	s0 =	sadd.s32 @!p0 $0x100000, s0  }
0x231: {  	[sflag:s0] =	ssyncadd.tile.s32 @!p0 $0x1;
	_ =	shalt  }
.Lfunc_end2:
_tile_overlayer_lowered:
.L_overlay_start_2:
0x232: {  	(tag) =	ssettag $0x2  }
0x233: {  	s0 =	rddreg [dreg:$0x0];
	s2 =	stileid.u32  }
0x234: {  	s1 =	rddreg [dreg:$0x1];
	p0 =	sne.s32 s2, $0x0  }
0x235: {  	s3 =	rddreg [dreg:$0x2];
	[bflag:$0x3] =	sbarrier.arrive $0xFFFF;
	s2 =	simm.s32 @!p0 $0x1C03  }
0x236: {  	[timem:s3], [sflag:s2] =	dma.local @!p0 [hbm:s0], s1  }
0x237: {  	s0 =	simm.s32 @!p0 $0x3  }
0x238: {  	_ =	swait.ge @!p0 [sflag:s0], s1  }
0x239: {  	s1 =	ssub.s32 @!p0 $0x0, s1;
	[sflag:s0] =	ssyncset.done @!p0 $0x0  }
0x23a: {  	[sflag:s0] =	ssyncadd.s32 @!p0 s1  }
0x23b: {  	[bflag:$0x3] =	sbarrier.arrive $0xFFFF  }
0x23c: {  	_ =	shalt  }

</sc_bundles>
